<compile_context>
chip_gen: v7x
topology: tpu7x:2x2x1
jax: 0.10.2.dev20260603
libtpu: 0.0.44.dev20260713+nightly
codegen_flags: <defaults>
</compile_context>

<pallas_src>
import functools

import jax
import jax.numpy as jnp
from jax import lax
from jax.experimental import pallas as pl
from jax.experimental.pallas import tpu as pltpu
from jax.experimental.pallas import tpu_sc as plsc

N = 10000
D = 128
E = 320000

NC = 2
NS = 16
CH = 128
EP = 327680
NCHT = EP // (NC * NS * CH)
NPAD = 10112
RPT = NPAD // NS

_mesh = plsc.VectorSubcoreMesh(core_axis_name="c", subcore_axis_name="s")



@functools.partial(
    pl.kernel,
    out_type=jax.ShapeDtypeStruct((NC, NS, RPT, D), jnp.float32),
    mesh=_mesh,
    scratch_types=[
        pltpu.VMEM((NCHT, CH), jnp.int32),
        pltpu.VMEM((CH, D), jnp.float32),
        pltpu.VMEM_SHARED((NPAD, D), jnp.float32),
        pltpu.SemaphoreType.DMA,
    ],
)
def _sc_counts(col_hbm, ones_hbm, zer_hbm, out_hbm, idx_v, ones_v, csh, sem):
    c = lax.axis_index("c")
    s = lax.axis_index("s")
    pltpu.sync_copy(zer_hbm, csh.at[pl.ds(s * RPT, RPT)])
    pltpu.sync_copy(ones_hbm, ones_v)
    pltpu.sync_copy(col_hbm.at[pl.ds(c * (NS * NCHT) + s * NCHT, NCHT)], idx_v)
    plsc.subcore_barrier()

    def body(j, carry):
        for k in range(8):
            pltpu.async_copy(ones_v, csh.at[idx_v.at[8 * j + k]], sem, add=True)
        for k in range(8):
            pltpu.make_async_copy(ones_v, csh.at[idx_v.at[8 * j + k]], sem).wait()
        return carry

    lax.fori_loop(0, NCHT // 8, body, 0)
    plsc.subcore_barrier()
    pltpu.sync_copy(csh.at[pl.ds(s * RPT, RPT)], out_hbm.at[c, s])



@functools.partial(
    pl.kernel,
    out_type=jax.ShapeDtypeStruct((NC, NS, RPT, D), jnp.float32),
    mesh=_mesh,
    scratch_types=[
        pltpu.VMEM((NCHT // 2, CH), jnp.int32),
        pltpu.VMEM((NCHT // 2, CH), jnp.int32),
        pltpu.VMEM((CH, D), jnp.float32),
        pltpu.VMEM((CH, D), jnp.float32),
        pltpu.VMEM_SHARED((NPAD, D), jnp.float32),
        pltpu.SemaphoreType.DMA,
        pltpu.SemaphoreType.DMA,
    ],
)
def _sc_scatter(g_hbm, row_hbm, col_hbm, zer_hbm, out_hbm,
                idxr_v, idxc_v, buf0, buf1, ssh, sg0, sg1):
    c = lax.axis_index("c")
    s = lax.axis_index("s")
    pltpu.sync_copy(zer_hbm, ssh.at[pl.ds(s * RPT, RPT)])
    base = c * (NS * NCHT) + s * NCHT
    plsc.subcore_barrier()

    def gissue(idx_j, buf, sem):
        for h in range(2):
            pltpu.async_copy(g_hbm.at[idxr_v.at[idx_j, pl.ds(64 * h, 64)]],
                             buf.at[pl.ds(64 * h, 64)], sem)

    def gwait(idx_j, buf, sem):
        for h in range(2):
            pltpu.make_async_copy(g_hbm.at[idxr_v.at[idx_j, pl.ds(64 * h, 64)]],
                                  buf.at[pl.ds(64 * h, 64)], sem).wait()

    HALF = NCHT // 2
    for p in range(2):
        pltpu.sync_copy(row_hbm.at[pl.ds(base + p * HALF, HALF)], idxr_v)
        pltpu.sync_copy(col_hbm.at[pl.ds(base + p * HALF, HALF)], idxc_v)
        gissue(0, buf0, sg0)

        def body(j, carry):
            gissue(2 * j + 1, buf1, sg1)
            gwait(2 * j, buf0, sg0)
            pltpu.sync_copy(buf0, ssh.at[idxc_v.at[2 * j]], add=True)
            gissue(jnp.minimum(2 * j + 2, HALF - 1), buf0, sg0)
            gwait(2 * j + 1, buf1, sg1)
            pltpu.sync_copy(buf1, ssh.at[idxc_v.at[2 * j + 1]], add=True)
            return carry

        lax.fori_loop(0, HALF // 2, body, 0)
        gwait(HALF - 1, buf0, sg0)
    plsc.subcore_barrier()
    pltpu.sync_copy(ssh.at[pl.ds(s * RPT, RPT)], out_hbm.at[c, s])



_RB = RPT
_GRID = NPAD // _RB


def _dinv_of(c_ref):
    deg = 1.0 + c_ref[0, :, 0:1] + c_ref[1, :, 0:1]
    return lax.rsqrt(deg)


def _mm1_body(x_ref, w_ref, c_ref, o_ref):
    h = jnp.dot(x_ref[...], w_ref[...], preferred_element_type=jnp.float32)
    o_ref[...] = h * _dinv_of(c_ref)


def _mm2_body(s_ref, g_ref, c_ref, w_ref, b_ref, o_ref):
    dinv = _dinv_of(c_ref)
    t = (s_ref[0] + s_ref[1] + g_ref[...]) * dinv + b_ref[...]
    h = jnp.maximum(t, 0.0)
    o_ref[...] = jnp.dot(h, w_ref[...], preferred_element_type=jnp.float32) * dinv


def _fin_body(s_ref, g_ref, c_ref, b_ref, o_ref):
    o_ref[...] = (s_ref[0] + s_ref[1] + g_ref[...]) * _dinv_of(c_ref) + b_ref[...]


_CBLK = pl.BlockSpec((NC, _RB, D), lambda i: (0, i, 0))

_mm1_tc = pl.pallas_call(
    _mm1_body,
    grid=(_GRID,),
    in_specs=[
        pl.BlockSpec((_RB, D), lambda i: (i, 0)),
        pl.BlockSpec((D, D), lambda i: (0, 0)),
        _CBLK,
    ],
    out_specs=pl.BlockSpec((_RB, D), lambda i: (i, 0)),
    out_shape=jax.ShapeDtypeStruct((NPAD, D), jnp.float32),
)

_mm2_tc = pl.pallas_call(
    _mm2_body,
    grid=(_GRID,),
    in_specs=[
        pl.BlockSpec((NC, _RB, D), lambda i: (0, i, 0)),
        pl.BlockSpec((_RB, D), lambda i: (i, 0)),
        _CBLK,
        pl.BlockSpec((D, D), lambda i: (0, 0)),
        pl.BlockSpec((1, D), lambda i: (0, 0)),
    ],
    out_specs=pl.BlockSpec((_RB, D), lambda i: (i, 0)),
    out_shape=jax.ShapeDtypeStruct((NPAD, D), jnp.float32),
)

_fin_tc = pl.pallas_call(
    _fin_body,
    grid=(_GRID,),
    in_specs=[
        pl.BlockSpec((NC, _RB, D), lambda i: (0, i, 0)),
        pl.BlockSpec((_RB, D), lambda i: (i, 0)),
        _CBLK,
        pl.BlockSpec((1, D), lambda i: (0, 0)),
    ],
    out_specs=pl.BlockSpec((_RB, D), lambda i: (i, 0)),
    out_shape=jax.ShapeDtypeStruct((NPAD, D), jnp.float32),
)


def kernel(x, edge_index, W1, b1, W2, b2):
    row = edge_index[0]
    col = edge_index[1]
    npad = EP - E
    pad_src = (jnp.arange(npad, dtype=jnp.int32) * 61) % N
    pad_dst = N + (jnp.arange(npad, dtype=jnp.int32) % (NPAD - N))
    rowp = jnp.concatenate([row, pad_src]).reshape(EP // CH, CH)
    colp = jnp.concatenate([col, pad_dst]).reshape(EP // CH, CH)

    ones128 = jnp.ones((CH, D), jnp.float32)
    zer128 = jnp.zeros((RPT, D), jnp.float32)
    b1r = b1.reshape(1, D)
    b2r = b2.reshape(1, D)

    xp = jnp.concatenate([x, jnp.zeros((NPAD - N, D), jnp.float32)], axis=0)
    counts = _sc_counts(colp, ones128, zer128).reshape(NC, NPAD, D)
    g1 = _mm1_tc(xp, W1, counts)
    s1 = _sc_scatter(g1, rowp, colp, zer128).reshape(NC, NPAD, D)
    g2 = _mm2_tc(s1, g1, counts, W2, b1r)
    s2 = _sc_scatter(g2, rowp, colp, zer128).reshape(NC, NPAD, D)
    return _fin_tc(s2, g2, counts, b2r)[:N]

# --- scband reference (transcript-rebuilt; emitter-appended) ---
"""Pipeline reference for scband-gcn-41961830482016 (READ-ONLY COPY).

The authoritative reference and input builder live on the scoring server;
editing this copy changes nothing except your own understanding.
"""

import jax, jax.numpy as jnp
import numpy as np

N = 10000
E = 320000
D = 128


def setup_inputs(seed: int = 0) -> dict:
    key = jax.random.key(seed)
    k1, k2, k3, k4 = jax.random.split(key, 4)
    x = jax.random.normal(k1, (N, D), dtype=jnp.float32)
    edge_index = jax.random.randint(k2, (2, E), 0, N).astype(jnp.int32)
    scale = 1.0 / np.sqrt(D)
    W1 = jax.random.normal(k3, (D, D), dtype=jnp.float32) * scale
    b1 = jnp.zeros((D,), dtype=jnp.float32)
    W2 = jax.random.normal(k4, (D, D), dtype=jnp.float32) * scale
    b2 = jnp.zeros((D,), dtype=jnp.float32)
    return {"x": x, "edge_index": edge_index, "W1": W1, "b1": b1, "W2": W2, "b2": b2}


def gcn_conv(x, edge_index, W, b):
    n = x.shape[0]
    loops = jnp.arange(n, dtype=edge_index.dtype)
    ei = jnp.concatenate([edge_index, jnp.stack([loops, loops], axis=0)], axis=1)
    x = x @ W
    row, col = ei[0], ei[1]
    deg = jnp.zeros((n,), dtype=x.dtype).at[col].add(1.0)
    deg_inv_sqrt = jnp.where(deg > 0, deg ** -0.5, 0.0)
    norm = deg_inv_sqrt[row] * deg_inv_sqrt[col]
    msgs = norm[:, None] * x[row]
    out = jnp.zeros_like(x).at[col].add(msgs)
    return out + b


def reference(x, edge_index, W1, b1, W2, b2):
    h = gcn_conv(x, edge_index, W1, b1)
    h = jax.nn.relu(h)
    out = gcn_conv(h, edge_index, W2, b2)
    return out

if __name__ == "__main__":
    import jax
    _d = setup_inputs()
    print(jax.jit(kernel)(*tuple(_d.values())))

</pallas_src>

<mosaic_0001>
#map = affine_map<(d0, d1) -> (0, 0)>
#map1 = affine_map<(d0, d1) -> (0, 0, 0, 0)>
module attributes {stable_mosaic.version = 14 : i64} {
  func.func @_sc_counts(%arg0: i32, %arg1: i32, %arg2: memref<2560x128xi32, #tpu.memory_space<hbm>>, %arg3: memref<128x128xf32, #tpu.memory_space<hbm>>, %arg4: memref<632x128xf32, #tpu.memory_space<hbm>>, %arg5: memref<2x16x632x128xf32, #tpu.memory_space<hbm>>, %arg6: memref<80x128xi32, #tpu.memory_space<vmem>>, %arg7: memref<128x128xf32, #tpu.memory_space<vmem>>, %arg8: memref<10112x128xf32, #tpu.memory_space<vmem_shared>>, %arg9: memref<!tpu.dma_semaphore, #tpu.memory_space<semaphore_mem>>) attributes {dimension_semantics = [#tpu.dimension_semantics<core_parallel>, #tpu.dimension_semantics<subcore_parallel>], iteration_bounds = array<i64: 2, 16>, scalar_prefetch = 0 : i64, scratch_operands = 4 : i64, tpu.core_type = #tpu.core_type<sc_vector_subcore>, window_params = [{transform_indices = #map}, {transform_indices = #map}, {transform_indices = #map}, {transform_indices = #map1}]} {
    %mul3A = arith.constant 632 : i32
    %mul3A_0 = arith.muli %arg1, %mul3A : i32
    "tpu.region"() ({
      %run_scoped3A = tpu.sem_alloc : memref<!tpu.dma_semaphore, #tpu.memory_space<semaphore_mem>>
      %dma_start3A = arith.constant 0 : i32
      %dma_start3A_13 = tpu.memref_slice %arg8[%mul3A_0, %dma_start3A] : memref<10112x128xf32, #tpu.memory_space<vmem_shared>> -> memref<632x128xf32, #tpu.memory_space<vmem_shared>>
      tpu.enqueue_dma source(%arg4 : memref<632x128xf32, #tpu.memory_space<hbm>>) target(%dma_start3A_13 : memref<632x128xf32, #tpu.memory_space<vmem_shared>>) target_semaphore(%run_scoped3A : memref<!tpu.dma_semaphore, #tpu.memory_space<semaphore_mem>>)
      %dma_wait3A = arith.constant 0 : i32
      %dma_wait3A_14 = tpu.memref_slice %arg8[%mul3A_0, %dma_wait3A] : memref<10112x128xf32, #tpu.memory_space<vmem_shared>> -> memref<632x128xf32, #tpu.memory_space<vmem_shared>>
      tpu.wait_dma2 semaphore(%run_scoped3A : memref<!tpu.dma_semaphore, #tpu.memory_space<semaphore_mem>>) src(%arg4 : memref<632x128xf32, #tpu.memory_space<hbm>>) dst(%dma_wait3A_14 : memref<632x128xf32, #tpu.memory_space<vmem_shared>>)
      tpu.yield
    }) : () -> ()
    "tpu.region"() ({
      %run_scoped3A = tpu.sem_alloc : memref<!tpu.dma_semaphore, #tpu.memory_space<semaphore_mem>>
      tpu.enqueue_dma source(%arg3 : memref<128x128xf32, #tpu.memory_space<hbm>>) target(%arg7 : memref<128x128xf32, #tpu.memory_space<vmem>>) target_semaphore(%run_scoped3A : memref<!tpu.dma_semaphore, #tpu.memory_space<semaphore_mem>>)
      tpu.wait_dma2 semaphore(%run_scoped3A : memref<!tpu.dma_semaphore, #tpu.memory_space<semaphore_mem>>) src(%arg3 : memref<128x128xf32, #tpu.memory_space<hbm>>) dst(%arg7 : memref<128x128xf32, #tpu.memory_space<vmem>>)
      tpu.yield
    }) : () -> ()
    %mul3A_1 = arith.constant 1280 : i32
    %mul3A_2 = arith.muli %arg0, %mul3A_1 : i32
    %mul3A_3 = arith.constant 80 : i32
    %mul3A_4 = arith.muli %arg1, %mul3A_3 : i32
    %add3A = arith.addi %mul3A_2, %mul3A_4 : i32
    "tpu.region"() ({
      %run_scoped3A = tpu.sem_alloc : memref<!tpu.dma_semaphore, #tpu.memory_space<semaphore_mem>>
      %dma_start3A = arith.constant 0 : i32
      %dma_start3A_13 = tpu.memref_slice %arg2[%add3A, %dma_start3A] : memref<2560x128xi32, #tpu.memory_space<hbm>> -> memref<80x128xi32, #tpu.memory_space<hbm>>
      %dma_start3A_14 = arith.constant 0 : i32
      %dma_start3A_15 = tpu.memref_slice %arg2[%add3A, %dma_start3A_14] : memref<2560x128xi32, #tpu.memory_space<hbm>> -> memref<80x128xi32, #tpu.memory_space<hbm>>
      tpu.enqueue_dma source(%dma_start3A_15 : memref<80x128xi32, #tpu.memory_space<hbm>>) target(%arg6 : memref<80x128xi32, #tpu.memory_space<vmem>>) target_semaphore(%run_scoped3A : memref<!tpu.dma_semaphore, #tpu.memory_space<semaphore_mem>>)
      %dma_wait3A = arith.constant 0 : i32
      %dma_wait3A_16 = tpu.memref_slice %arg2[%add3A, %dma_wait3A] : memref<2560x128xi32, #tpu.memory_space<hbm>> -> memref<80x128xi32, #tpu.memory_space<hbm>>
      %dma_wait3A_17 = arith.constant 0 : i32
      %dma_wait3A_18 = tpu.memref_slice %arg2[%add3A, %dma_wait3A_17] : memref<2560x128xi32, #tpu.memory_space<hbm>> -> memref<80x128xi32, #tpu.memory_space<hbm>>
      tpu.wait_dma2 semaphore(%run_scoped3A : memref<!tpu.dma_semaphore, #tpu.memory_space<semaphore_mem>>) src(%dma_wait3A_18 : memref<80x128xi32, #tpu.memory_space<hbm>>) dst(%arg6 : memref<80x128xi32, #tpu.memory_space<vmem>>)
      tpu.yield
    }) : () -> ()
    %barrier3A = arith.constant 0 : index
    tpu.barrier barrier_id(%barrier3A)
    %scan3A = arith.constant 0 : i32
    %scan3A_5 = arith.constant 0 : i32
    %scan3A_6 = arith.constant 10 : i32
    %scan3A_7 = arith.addi %scan3A_5, %scan3A_6 : i32
    %scan3A_8 = arith.constant 1 : i32
    scf.for %scan3A_13 = %scan3A_5 to %scan3A_7 step %scan3A_8  : i32 {
      %mul3A_14 = arith.constant 8 : i32
      %mul3A_15 = arith.muli %mul3A_14, %scan3A_13 : i32
      %add3A_16 = arith.constant 0 : i32
      %add3A_17 = arith.addi %mul3A_15, %add3A_16 : i32
      %dma_start3A = arith.constant 0 : i32
      %dma_start3A_18 = tpu.memref_slice %arg6[%add3A_17, %dma_start3A] : memref<80x128xi32, #tpu.memory_space<vmem>> -> memref<1x128xi32, #tpu.memory_space<vmem>>
      %dma_start3A_19 = tpu.memref_squeeze %dma_start3A_18 : memref<1x128xi32, #tpu.memory_space<vmem>> -> memref<128xi32, #tpu.memory_space<vmem>>
      %dma_start3A_20 = arith.constant 0 : i32
      %dma_start3A_21 = arith.constant 0 : i32
      %dma_start3A_22 = tpu.memref_slice %arg8[%dma_start3A_20, %dma_start3A_21] : memref<10112x128xf32, #tpu.memory_space<vmem_shared>> -> memref<10112x128xf32, #tpu.memory_space<vmem_shared>>
      tpu.enqueue_indirect_dma source(%arg7 : memref<128x128xf32, #tpu.memory_space<vmem>>) target(%dma_start3A_22 : memref<10112x128xf32, #tpu.memory_space<vmem_shared>>) offsets(%dma_start3A_19 : memref<128xi32, #tpu.memory_space<vmem>>) semaphore(%arg9 : memref<!tpu.dma_semaphore, #tpu.memory_space<semaphore_mem>>) {add = true}
      %mul3A_23 = arith.constant 8 : i32
      %mul3A_24 = arith.muli %mul3A_23, %scan3A_13 : i32
      %add3A_25 = arith.constant 1 : i32
      %add3A_26 = arith.addi %mul3A_24, %add3A_25 : i32
      %dma_start3A_27 = arith.constant 0 : i32
      %dma_start3A_28 = tpu.memref_slice %arg6[%add3A_26, %dma_start3A_27] : memref<80x128xi32, #tpu.memory_space<vmem>> -> memref<1x128xi32, #tpu.memory_space<vmem>>
      %dma_start3A_29 = tpu.memref_squeeze %dma_start3A_28 : memref<1x128xi32, #tpu.memory_space<vmem>> -> memref<128xi32, #tpu.memory_space<vmem>>
      %dma_start3A_30 = arith.constant 0 : i32
      %dma_start3A_31 = arith.constant 0 : i32
      %dma_start3A_32 = tpu.memref_slice %arg8[%dma_start3A_30, %dma_start3A_31] : memref<10112x128xf32, #tpu.memory_space<vmem_shared>> -> memref<10112x128xf32, #tpu.memory_space<vmem_shared>>
      tpu.enqueue_indirect_dma source(%arg7 : memref<128x128xf32, #tpu.memory_space<vmem>>) target(%dma_start3A_32 : memref<10112x128xf32, #tpu.memory_space<vmem_shared>>) offsets(%dma_start3A_29 : memref<128xi32, #tpu.memory_space<vmem>>) semaphore(%arg9 : memref<!tpu.dma_semaphore, #tpu.memory_space<semaphore_mem>>) {add = true}
      %mul3A_33 = arith.constant 8 : i32
      %mul3A_34 = arith.muli %mul3A_33, %scan3A_13 : i32
      %add3A_35 = arith.constant 2 : i32
      %add3A_36 = arith.addi %mul3A_34, %add3A_35 : i32
      %dma_start3A_37 = arith.constant 0 : i32
      %dma_start3A_38 = tpu.memref_slice %arg6[%add3A_36, %dma_start3A_37] : memref<80x128xi32, #tpu.memory_space<vmem>> -> memref<1x128xi32, #tpu.memory_space<vmem>>
      %dma_start3A_39 = tpu.memref_squeeze %dma_start3A_38 : memref<1x128xi32, #tpu.memory_space<vmem>> -> memref<128xi32, #tpu.memory_space<vmem>>
      %dma_start3A_40 = arith.constant 0 : i32
      %dma_start3A_41 = arith.constant 0 : i32
      %dma_start3A_42 = tpu.memref_slice %arg8[%dma_start3A_40, %dma_start3A_41] : memref<10112x128xf32, #tpu.memory_space<vmem_shared>> -> memref<10112x128xf32, #tpu.memory_space<vmem_shared>>
      tpu.enqueue_indirect_dma source(%arg7 : memref<128x128xf32, #tpu.memory_space<vmem>>) target(%dma_start3A_42 : memref<10112x128xf32, #tpu.memory_space<vmem_shared>>) offsets(%dma_start3A_39 : memref<128xi32, #tpu.memory_space<vmem>>) semaphore(%arg9 : memref<!tpu.dma_semaphore, #tpu.memory_space<semaphore_mem>>) {add = true}
      %mul3A_43 = arith.constant 8 : i32
      %mul3A_44 = arith.muli %mul3A_43, %scan3A_13 : i32
      %add3A_45 = arith.constant 3 : i32
      %add3A_46 = arith.addi %mul3A_44, %add3A_45 : i32
      %dma_start3A_47 = arith.constant 0 : i32
      %dma_start3A_48 = tpu.memref_slice %arg6[%add3A_46, %dma_start3A_47] : memref<80x128xi32, #tpu.memory_space<vmem>> -> memref<1x128xi32, #tpu.memory_space<vmem>>
      %dma_start3A_49 = tpu.memref_squeeze %dma_start3A_48 : memref<1x128xi32, #tpu.memory_space<vmem>> -> memref<128xi32, #tpu.memory_space<vmem>>
      %dma_start3A_50 = arith.constant 0 : i32
      %dma_start3A_51 = arith.constant 0 : i32
      %dma_start3A_52 = tpu.memref_slice %arg8[%dma_start3A_50, %dma_start3A_51] : memref<10112x128xf32, #tpu.memory_space<vmem_shared>> -> memref<10112x128xf32, #tpu.memory_space<vmem_shared>>
      tpu.enqueue_indirect_dma source(%arg7 : memref<128x128xf32, #tpu.memory_space<vmem>>) target(%dma_start3A_52 : memref<10112x128xf32, #tpu.memory_space<vmem_shared>>) offsets(%dma_start3A_49 : memref<128xi32, #tpu.memory_space<vmem>>) semaphore(%arg9 : memref<!tpu.dma_semaphore, #tpu.memory_space<semaphore_mem>>) {add = true}
      %mul3A_53 = arith.constant 8 : i32
      %mul3A_54 = arith.muli %mul3A_53, %scan3A_13 : i32
      %add3A_55 = arith.constant 4 : i32
      %add3A_56 = arith.addi %mul3A_54, %add3A_55 : i32
      %dma_start3A_57 = arith.constant 0 : i32
      %dma_start3A_58 = tpu.memref_slice %arg6[%add3A_56, %dma_start3A_57] : memref<80x128xi32, #tpu.memory_space<vmem>> -> memref<1x128xi32, #tpu.memory_space<vmem>>
      %dma_start3A_59 = tpu.memref_squeeze %dma_start3A_58 : memref<1x128xi32, #tpu.memory_space<vmem>> -> memref<128xi32, #tpu.memory_space<vmem>>
      %dma_start3A_60 = arith.constant 0 : i32
      %dma_start3A_61 = arith.constant 0 : i32
      %dma_start3A_62 = tpu.memref_slice %arg8[%dma_start3A_60, %dma_start3A_61] : memref<10112x128xf32, #tpu.memory_space<vmem_shared>> -> memref<10112x128xf32, #tpu.memory_space<vmem_shared>>
      tpu.enqueue_indirect_dma source(%arg7 : memref<128x128xf32, #tpu.memory_space<vmem>>) target(%dma_start3A_62 : memref<10112x128xf32, #tpu.memory_space<vmem_shared>>) offsets(%dma_start3A_59 : memref<128xi32, #tpu.memory_space<vmem>>) semaphore(%arg9 : memref<!tpu.dma_semaphore, #tpu.memory_space<semaphore_mem>>) {add = true}
      %mul3A_63 = arith.constant 8 : i32
      %mul3A_64 = arith.muli %mul3A_63, %scan3A_13 : i32
      %add3A_65 = arith.constant 5 : i32
      %add3A_66 = arith.addi %mul3A_64, %add3A_65 : i32
      %dma_start3A_67 = arith.constant 0 : i32
      %dma_start3A_68 = tpu.memref_slice %arg6[%add3A_66, %dma_start3A_67] : memref<80x128xi32, #tpu.memory_space<vmem>> -> memref<1x128xi32, #tpu.memory_space<vmem>>
      %dma_start3A_69 = tpu.memref_squeeze %dma_start3A_68 : memref<1x128xi32, #tpu.memory_space<vmem>> -> memref<128xi32, #tpu.memory_space<vmem>>
      %dma_start3A_70 = arith.constant 0 : i32
      %dma_start3A_71 = arith.constant 0 : i32
      %dma_start3A_72 = tpu.memref_slice %arg8[%dma_start3A_70, %dma_start3A_71] : memref<10112x128xf32, #tpu.memory_space<vmem_shared>> -> memref<10112x128xf32, #tpu.memory_space<vmem_shared>>
      tpu.enqueue_indirect_dma source(%arg7 : memref<128x128xf32, #tpu.memory_space<vmem>>) target(%dma_start3A_72 : memref<10112x128xf32, #tpu.memory_space<vmem_shared>>) offsets(%dma_start3A_69 : memref<128xi32, #tpu.memory_space<vmem>>) semaphore(%arg9 : memref<!tpu.dma_semaphore, #tpu.memory_space<semaphore_mem>>) {add = true}
      %mul3A_73 = arith.constant 8 : i32
      %mul3A_74 = arith.muli %mul3A_73, %scan3A_13 : i32
      %add3A_75 = arith.constant 6 : i32
      %add3A_76 = arith.addi %mul3A_74, %add3A_75 : i32
      %dma_start3A_77 = arith.constant 0 : i32
      %dma_start3A_78 = tpu.memref_slice %arg6[%add3A_76, %dma_start3A_77] : memref<80x128xi32, #tpu.memory_space<vmem>> -> memref<1x128xi32, #tpu.memory_space<vmem>>
      %dma_start3A_79 = tpu.memref_squeeze %dma_start3A_78 : memref<1x128xi32, #tpu.memory_space<vmem>> -> memref<128xi32, #tpu.memory_space<vmem>>
      %dma_start3A_80 = arith.constant 0 : i32
      %dma_start3A_81 = arith.constant 0 : i32
      %dma_start3A_82 = tpu.memref_slice %arg8[%dma_start3A_80, %dma_start3A_81] : memref<10112x128xf32, #tpu.memory_space<vmem_shared>> -> memref<10112x128xf32, #tpu.memory_space<vmem_shared>>
      tpu.enqueue_indirect_dma source(%arg7 : memref<128x128xf32, #tpu.memory_space<vmem>>) target(%dma_start3A_82 : memref<10112x128xf32, #tpu.memory_space<vmem_shared>>) offsets(%dma_start3A_79 : memref<128xi32, #tpu.memory_space<vmem>>) semaphore(%arg9 : memref<!tpu.dma_semaphore, #tpu.memory_space<semaphore_mem>>) {add = true}
      %mul3A_83 = arith.constant 8 : i32
      %mul3A_84 = arith.muli %mul3A_83, %scan3A_13 : i32
      %add3A_85 = arith.constant 7 : i32
      %add3A_86 = arith.addi %mul3A_84, %add3A_85 : i32
      %dma_start3A_87 = arith.constant 0 : i32
      %dma_start3A_88 = tpu.memref_slice %arg6[%add3A_86, %dma_start3A_87] : memref<80x128xi32, #tpu.memory_space<vmem>> -> memref<1x128xi32, #tpu.memory_space<vmem>>
      %dma_start3A_89 = tpu.memref_squeeze %dma_start3A_88 : memref<1x128xi32, #tpu.memory_space<vmem>> -> memref<128xi32, #tpu.memory_space<vmem>>
      %dma_start3A_90 = arith.constant 0 : i32
      %dma_start3A_91 = arith.constant 0 : i32
      %dma_start3A_92 = tpu.memref_slice %arg8[%dma_start3A_90, %dma_start3A_91] : memref<10112x128xf32, #tpu.memory_space<vmem_shared>> -> memref<10112x128xf32, #tpu.memory_space<vmem_shared>>
      tpu.enqueue_indirect_dma source(%arg7 : memref<128x128xf32, #tpu.memory_space<vmem>>) target(%dma_start3A_92 : memref<10112x128xf32, #tpu.memory_space<vmem_shared>>) offsets(%dma_start3A_89 : memref<128xi32, #tpu.memory_space<vmem>>) semaphore(%arg9 : memref<!tpu.dma_semaphore, #tpu.memory_space<semaphore_mem>>) {add = true}
      %mul3A_93 = arith.constant 8 : i32
      %mul3A_94 = arith.muli %mul3A_93, %scan3A_13 : i32
      %add3A_95 = arith.constant 0 : i32
      %add3A_96 = arith.addi %mul3A_94, %add3A_95 : i32
      %dma_wait3A = arith.constant 0 : i32
      %dma_wait3A_97 = tpu.memref_slice %arg6[%add3A_96, %dma_wait3A] : memref<80x128xi32, #tpu.memory_space<vmem>> -> memref<1x128xi32, #tpu.memory_space<vmem>>
      %dma_wait3A_98 = tpu.memref_squeeze %dma_wait3A_97 : memref<1x128xi32, #tpu.memory_space<vmem>> -> memref<128xi32, #tpu.memory_space<vmem>>
      %dma_wait3A_99 = arith.constant 0 : i32
      %dma_wait3A_100 = arith.constant 0 : i32
      %dma_wait3A_101 = tpu.memref_slice %arg8[%dma_wait3A_99, %dma_wait3A_100] : memref<10112x128xf32, #tpu.memory_space<vmem_shared>> -> memref<10112x128xf32, #tpu.memory_space<vmem_shared>>
      tpu.wait_indirect_dma semaphore(%arg9 : memref<!tpu.dma_semaphore, #tpu.memory_space<semaphore_mem>>) src(%arg7 : memref<128x128xf32, #tpu.memory_space<vmem>>) dst(%dma_wait3A_101 : memref<10112x128xf32, #tpu.memory_space<vmem_shared>>)
      %mul3A_102 = arith.constant 8 : i32
      %mul3A_103 = arith.muli %mul3A_102, %scan3A_13 : i32
      %add3A_104 = arith.constant 1 : i32
      %add3A_105 = arith.addi %mul3A_103, %add3A_104 : i32
      %dma_wait3A_106 = arith.constant 0 : i32
      %dma_wait3A_107 = tpu.memref_slice %arg6[%add3A_105, %dma_wait3A_106] : memref<80x128xi32, #tpu.memory_space<vmem>> -> memref<1x128xi32, #tpu.memory_space<vmem>>
      %dma_wait3A_108 = tpu.memref_squeeze %dma_wait3A_107 : memref<1x128xi32, #tpu.memory_space<vmem>> -> memref<128xi32, #tpu.memory_space<vmem>>
      %dma_wait3A_109 = arith.constant 0 : i32
      %dma_wait3A_110 = arith.constant 0 : i32
      %dma_wait3A_111 = tpu.memref_slice %arg8[%dma_wait3A_109, %dma_wait3A_110] : memref<10112x128xf32, #tpu.memory_space<vmem_shared>> -> memref<10112x128xf32, #tpu.memory_space<vmem_shared>>
      tpu.wait_indirect_dma semaphore(%arg9 : memref<!tpu.dma_semaphore, #tpu.memory_space<semaphore_mem>>) src(%arg7 : memref<128x128xf32, #tpu.memory_space<vmem>>) dst(%dma_wait3A_111 : memref<10112x128xf32, #tpu.memory_space<vmem_shared>>)
      %mul3A_112 = arith.constant 8 : i32
      %mul3A_113 = arith.muli %mul3A_112, %scan3A_13 : i32
      %add3A_114 = arith.constant 2 : i32
      %add3A_115 = arith.addi %mul3A_113, %add3A_114 : i32
      %dma_wait3A_116 = arith.constant 0 : i32
      %dma_wait3A_117 = tpu.memref_slice %arg6[%add3A_115, %dma_wait3A_116] : memref<80x128xi32, #tpu.memory_space<vmem>> -> memref<1x128xi32, #tpu.memory_space<vmem>>
      %dma_wait3A_118 = tpu.memref_squeeze %dma_wait3A_117 : memref<1x128xi32, #tpu.memory_space<vmem>> -> memref<128xi32, #tpu.memory_space<vmem>>
      %dma_wait3A_119 = arith.constant 0 : i32
      %dma_wait3A_120 = arith.constant 0 : i32
      %dma_wait3A_121 = tpu.memref_slice %arg8[%dma_wait3A_119, %dma_wait3A_120] : memref<10112x128xf32, #tpu.memory_space<vmem_shared>> -> memref<10112x128xf32, #tpu.memory_space<vmem_shared>>
      tpu.wait_indirect_dma semaphore(%arg9 : memref<!tpu.dma_semaphore, #tpu.memory_space<semaphore_mem>>) src(%arg7 : memref<128x128xf32, #tpu.memory_space<vmem>>) dst(%dma_wait3A_121 : memref<10112x128xf32, #tpu.memory_space<vmem_shared>>)
      %mul3A_122 = arith.constant 8 : i32
      %mul3A_123 = arith.muli %mul3A_122, %scan3A_13 : i32
      %add3A_124 = arith.constant 3 : i32
      %add3A_125 = arith.addi %mul3A_123, %add3A_124 : i32
      %dma_wait3A_126 = arith.constant 0 : i32
      %dma_wait3A_127 = tpu.memref_slice %arg6[%add3A_125, %dma_wait3A_126] : memref<80x128xi32, #tpu.memory_space<vmem>> -> memref<1x128xi32, #tpu.memory_space<vmem>>
      %dma_wait3A_128 = tpu.memref_squeeze %dma_wait3A_127 : memref<1x128xi32, #tpu.memory_space<vmem>> -> memref<128xi32, #tpu.memory_space<vmem>>
      %dma_wait3A_129 = arith.constant 0 : i32
      %dma_wait3A_130 = arith.constant 0 : i32
      %dma_wait3A_131 = tpu.memref_slice %arg8[%dma_wait3A_129, %dma_wait3A_130] : memref<10112x128xf32, #tpu.memory_space<vmem_shared>> -> memref<10112x128xf32, #tpu.memory_space<vmem_shared>>
      tpu.wait_indirect_dma semaphore(%arg9 : memref<!tpu.dma_semaphore, #tpu.memory_space<semaphore_mem>>) src(%arg7 : memref<128x128xf32, #tpu.memory_space<vmem>>) dst(%dma_wait3A_131 : memref<10112x128xf32, #tpu.memory_space<vmem_shared>>)
      %mul3A_132 = arith.constant 8 : i32
      %mul3A_133 = arith.muli %mul3A_132, %scan3A_13 : i32
      %add3A_134 = arith.constant 4 : i32
      %add3A_135 = arith.addi %mul3A_133, %add3A_134 : i32
      %dma_wait3A_136 = arith.constant 0 : i32
      %dma_wait3A_137 = tpu.memref_slice %arg6[%add3A_135, %dma_wait3A_136] : memref<80x128xi32, #tpu.memory_space<vmem>> -> memref<1x128xi32, #tpu.memory_space<vmem>>
      %dma_wait3A_138 = tpu.memref_squeeze %dma_wait3A_137 : memref<1x128xi32, #tpu.memory_space<vmem>> -> memref<128xi32, #tpu.memory_space<vmem>>
      %dma_wait3A_139 = arith.constant 0 : i32
      %dma_wait3A_140 = arith.constant 0 : i32
      %dma_wait3A_141 = tpu.memref_slice %arg8[%dma_wait3A_139, %dma_wait3A_140] : memref<10112x128xf32, #tpu.memory_space<vmem_shared>> -> memref<10112x128xf32, #tpu.memory_space<vmem_shared>>
      tpu.wait_indirect_dma semaphore(%arg9 : memref<!tpu.dma_semaphore, #tpu.memory_space<semaphore_mem>>) src(%arg7 : memref<128x128xf32, #tpu.memory_space<vmem>>) dst(%dma_wait3A_141 : memref<10112x128xf32, #tpu.memory_space<vmem_shared>>)
      %mul3A_142 = arith.constant 8 : i32
      %mul3A_143 = arith.muli %mul3A_142, %scan3A_13 : i32
      %add3A_144 = arith.constant 5 : i32
      %add3A_145 = arith.addi %mul3A_143, %add3A_144 : i32
      %dma_wait3A_146 = arith.constant 0 : i32
      %dma_wait3A_147 = tpu.memref_slice %arg6[%add3A_145, %dma_wait3A_146] : memref<80x128xi32, #tpu.memory_space<vmem>> -> memref<1x128xi32, #tpu.memory_space<vmem>>
      %dma_wait3A_148 = tpu.memref_squeeze %dma_wait3A_147 : memref<1x128xi32, #tpu.memory_space<vmem>> -> memref<128xi32, #tpu.memory_space<vmem>>
      %dma_wait3A_149 = arith.constant 0 : i32
      %dma_wait3A_150 = arith.constant 0 : i32
      %dma_wait3A_151 = tpu.memref_slice %arg8[%dma_wait3A_149, %dma_wait3A_150] : memref<10112x128xf32, #tpu.memory_space<vmem_shared>> -> memref<10112x128xf32, #tpu.memory_space<vmem_shared>>
      tpu.wait_indirect_dma semaphore(%arg9 : memref<!tpu.dma_semaphore, #tpu.memory_space<semaphore_mem>>) src(%arg7 : memref<128x128xf32, #tpu.memory_space<vmem>>) dst(%dma_wait3A_151 : memref<10112x128xf32, #tpu.memory_space<vmem_shared>>)
      %mul3A_152 = arith.constant 8 : i32
      %mul3A_153 = arith.muli %mul3A_152, %scan3A_13 : i32
      %add3A_154 = arith.constant 6 : i32
      %add3A_155 = arith.addi %mul3A_153, %add3A_154 : i32
      %dma_wait3A_156 = arith.constant 0 : i32
      %dma_wait3A_157 = tpu.memref_slice %arg6[%add3A_155, %dma_wait3A_156] : memref<80x128xi32, #tpu.memory_space<vmem>> -> memref<1x128xi32, #tpu.memory_space<vmem>>
      %dma_wait3A_158 = tpu.memref_squeeze %dma_wait3A_157 : memref<1x128xi32, #tpu.memory_space<vmem>> -> memref<128xi32, #tpu.memory_space<vmem>>
      %dma_wait3A_159 = arith.constant 0 : i32
      %dma_wait3A_160 = arith.constant 0 : i32
      %dma_wait3A_161 = tpu.memref_slice %arg8[%dma_wait3A_159, %dma_wait3A_160] : memref<10112x128xf32, #tpu.memory_space<vmem_shared>> -> memref<10112x128xf32, #tpu.memory_space<vmem_shared>>
      tpu.wait_indirect_dma semaphore(%arg9 : memref<!tpu.dma_semaphore, #tpu.memory_space<semaphore_mem>>) src(%arg7 : memref<128x128xf32, #tpu.memory_space<vmem>>) dst(%dma_wait3A_161 : memref<10112x128xf32, #tpu.memory_space<vmem_shared>>)
      %mul3A_162 = arith.constant 8 : i32
      %mul3A_163 = arith.muli %mul3A_162, %scan3A_13 : i32
      %add3A_164 = arith.constant 7 : i32
      %add3A_165 = arith.addi %mul3A_163, %add3A_164 : i32
      %dma_wait3A_166 = arith.constant 0 : i32
      %dma_wait3A_167 = tpu.memref_slice %arg6[%add3A_165, %dma_wait3A_166] : memref<80x128xi32, #tpu.memory_space<vmem>> -> memref<1x128xi32, #tpu.memory_space<vmem>>
      %dma_wait3A_168 = tpu.memref_squeeze %dma_wait3A_167 : memref<1x128xi32, #tpu.memory_space<vmem>> -> memref<128xi32, #tpu.memory_space<vmem>>
      %dma_wait3A_169 = arith.constant 0 : i32
      %dma_wait3A_170 = arith.constant 0 : i32
      %dma_wait3A_171 = tpu.memref_slice %arg8[%dma_wait3A_169, %dma_wait3A_170] : memref<10112x128xf32, #tpu.memory_space<vmem_shared>> -> memref<10112x128xf32, #tpu.memory_space<vmem_shared>>
      tpu.wait_indirect_dma semaphore(%arg9 : memref<!tpu.dma_semaphore, #tpu.memory_space<semaphore_mem>>) src(%arg7 : memref<128x128xf32, #tpu.memory_space<vmem>>) dst(%dma_wait3A_171 : memref<10112x128xf32, #tpu.memory_space<vmem_shared>>)
    }
    %scan3A_9 = arith.constant 10 : i32
    %barrier3A_10 = arith.constant 0 : index
    tpu.barrier barrier_id(%barrier3A_10)
    %mul3A_11 = arith.constant 632 : i32
    %mul3A_12 = arith.muli %arg1, %mul3A_11 : i32
    "tpu.region"() ({
      %run_scoped3A = tpu.sem_alloc : memref<!tpu.dma_semaphore, #tpu.memory_space<semaphore_mem>>
      %dma_start3A = arith.constant 0 : i32
      %dma_start3A_13 = arith.constant 0 : i32
      %dma_start3A_14 = tpu.memref_slice %arg5[%arg0, %arg1, %dma_start3A, %dma_start3A_13] : memref<2x16x632x128xf32, #tpu.memory_space<hbm>> -> memref<1x1x632x128xf32, #tpu.memory_space<hbm>>
      %dma_start3A_15 = tpu.memref_squeeze %dma_start3A_14 : memref<1x1x632x128xf32, #tpu.memory_space<hbm>> -> memref<632x128xf32, #tpu.memory_space<hbm>>
      %dma_start3A_16 = arith.constant 0 : i32
      %dma_start3A_17 = tpu.memref_slice %arg8[%mul3A_12, %dma_start3A_16] : memref<10112x128xf32, #tpu.memory_space<vmem_shared>> -> memref<632x128xf32, #tpu.memory_space<vmem_shared>>
      tpu.enqueue_dma source(%dma_start3A_17 : memref<632x128xf32, #tpu.memory_space<vmem_shared>>) target(%dma_start3A_15 : memref<632x128xf32, #tpu.memory_space<hbm>>) target_semaphore(%run_scoped3A : memref<!tpu.dma_semaphore, #tpu.memory_space<semaphore_mem>>)
      %dma_wait3A = arith.constant 0 : i32
      %dma_wait3A_18 = arith.constant 0 : i32
      %dma_wait3A_19 = tpu.memref_slice %arg5[%arg0, %arg1, %dma_wait3A, %dma_wait3A_18] : memref<2x16x632x128xf32, #tpu.memory_space<hbm>> -> memref<1x1x632x128xf32, #tpu.memory_space<hbm>>
      %dma_wait3A_20 = tpu.memref_squeeze %dma_wait3A_19 : memref<1x1x632x128xf32, #tpu.memory_space<hbm>> -> memref<632x128xf32, #tpu.memory_space<hbm>>
      %dma_wait3A_21 = arith.constant 0 : i32
      %dma_wait3A_22 = tpu.memref_slice %arg8[%mul3A_12, %dma_wait3A_21] : memref<10112x128xf32, #tpu.memory_space<vmem_shared>> -> memref<632x128xf32, #tpu.memory_space<vmem_shared>>
      tpu.wait_dma2 semaphore(%run_scoped3A : memref<!tpu.dma_semaphore, #tpu.memory_space<semaphore_mem>>) src(%dma_wait3A_22 : memref<632x128xf32, #tpu.memory_space<vmem_shared>>) dst(%dma_wait3A_20 : memref<632x128xf32, #tpu.memory_space<hbm>>)
      tpu.yield
    }) : () -> ()
    return
  }
}

#map = affine_map<(d0, d1) -> (0, 0)>
#map1 = affine_map<(d0, d1) -> (0, 0, 0, 0)>
module attributes {stable_mosaic.version = 14 : i64} {
  func.func @_sc_scatter(%arg0: i32, %arg1: i32, %arg2: memref<10112x128xf32, #tpu.memory_space<hbm>>, %arg3: memref<2560x128xi32, #tpu.memory_space<hbm>>, %arg4: memref<2560x128xi32, #tpu.memory_space<hbm>>, %arg5: memref<632x128xf32, #tpu.memory_space<hbm>>, %arg6: memref<2x16x632x128xf32, #tpu.memory_space<hbm>>, %arg7: memref<40x128xi32, #tpu.memory_space<vmem>>, %arg8: memref<40x128xi32, #tpu.memory_space<vmem>>, %arg9: memref<128x128xf32, #tpu.memory_space<vmem>>, %arg10: memref<128x128xf32, #tpu.memory_space<vmem>>, %arg11: memref<10112x128xf32, #tpu.memory_space<vmem_shared>>, %arg12: memref<!tpu.dma_semaphore, #tpu.memory_space<semaphore_mem>>, %arg13: memref<!tpu.dma_semaphore, #tpu.memory_space<semaphore_mem>>) attributes {dimension_semantics = [#tpu.dimension_semantics<core_parallel>, #tpu.dimension_semantics<subcore_parallel>], iteration_bounds = array<i64: 2, 16>, scalar_prefetch = 0 : i64, scratch_operands = 7 : i64, tpu.core_type = #tpu.core_type<sc_vector_subcore>, window_params = [{transform_indices = #map}, {transform_indices = #map}, {transform_indices = #map}, {transform_indices = #map}, {transform_indices = #map1}]} {
    %mul3A = arith.constant 632 : i32
    %mul3A_0 = arith.muli %arg1, %mul3A : i32
    "tpu.region"() ({
      %run_scoped3A = tpu.sem_alloc : memref<!tpu.dma_semaphore, #tpu.memory_space<semaphore_mem>>
      %dma_start3A_105 = arith.constant 0 : i32
      %dma_start3A_106 = tpu.memref_slice %arg11[%mul3A_0, %dma_start3A_105] : memref<10112x128xf32, #tpu.memory_space<vmem_shared>> -> memref<632x128xf32, #tpu.memory_space<vmem_shared>>
      tpu.enqueue_dma source(%arg5 : memref<632x128xf32, #tpu.memory_space<hbm>>) target(%dma_start3A_106 : memref<632x128xf32, #tpu.memory_space<vmem_shared>>) target_semaphore(%run_scoped3A : memref<!tpu.dma_semaphore, #tpu.memory_space<semaphore_mem>>)
      %dma_wait3A_107 = arith.constant 0 : i32
      %dma_wait3A_108 = tpu.memref_slice %arg11[%mul3A_0, %dma_wait3A_107] : memref<10112x128xf32, #tpu.memory_space<vmem_shared>> -> memref<632x128xf32, #tpu.memory_space<vmem_shared>>
      tpu.wait_dma2 semaphore(%run_scoped3A : memref<!tpu.dma_semaphore, #tpu.memory_space<semaphore_mem>>) src(%arg5 : memref<632x128xf32, #tpu.memory_space<hbm>>) dst(%dma_wait3A_108 : memref<632x128xf32, #tpu.memory_space<vmem_shared>>)
      tpu.yield
    }) : () -> ()
    %mul3A_1 = arith.constant 1280 : i32
    %mul3A_2 = arith.muli %arg0, %mul3A_1 : i32
    %mul3A_3 = arith.constant 80 : i32
    %mul3A_4 = arith.muli %arg1, %mul3A_3 : i32
    %add3A = arith.addi %mul3A_2, %mul3A_4 : i32
    %barrier3A = arith.constant 0 : index
    tpu.barrier barrier_id(%barrier3A)
    %add3A_5 = arith.constant 0 : i32
    %add3A_6 = arith.addi %add3A, %add3A_5 : i32
    "tpu.region"() ({
      %run_scoped3A = tpu.sem_alloc : memref<!tpu.dma_semaphore, #tpu.memory_space<semaphore_mem>>
      %dma_start3A_105 = arith.constant 0 : i32
      %dma_start3A_106 = tpu.memref_slice %arg3[%add3A_6, %dma_start3A_105] : memref<2560x128xi32, #tpu.memory_space<hbm>> -> memref<40x128xi32, #tpu.memory_space<hbm>>
      %dma_start3A_107 = arith.constant 0 : i32
      %dma_start3A_108 = tpu.memref_slice %arg3[%add3A_6, %dma_start3A_107] : memref<2560x128xi32, #tpu.memory_space<hbm>> -> memref<40x128xi32, #tpu.memory_space<hbm>>
      tpu.enqueue_dma source(%dma_start3A_108 : memref<40x128xi32, #tpu.memory_space<hbm>>) target(%arg7 : memref<40x128xi32, #tpu.memory_space<vmem>>) target_semaphore(%run_scoped3A : memref<!tpu.dma_semaphore, #tpu.memory_space<semaphore_mem>>)
      %dma_wait3A_109 = arith.constant 0 : i32
      %dma_wait3A_110 = tpu.memref_slice %arg3[%add3A_6, %dma_wait3A_109] : memref<2560x128xi32, #tpu.memory_space<hbm>> -> memref<40x128xi32, #tpu.memory_space<hbm>>
      %dma_wait3A_111 = arith.constant 0 : i32
      %dma_wait3A_112 = tpu.memref_slice %arg3[%add3A_6, %dma_wait3A_111] : memref<2560x128xi32, #tpu.memory_space<hbm>> -> memref<40x128xi32, #tpu.memory_space<hbm>>
      tpu.wait_dma2 semaphore(%run_scoped3A : memref<!tpu.dma_semaphore, #tpu.memory_space<semaphore_mem>>) src(%dma_wait3A_112 : memref<40x128xi32, #tpu.memory_space<hbm>>) dst(%arg7 : memref<40x128xi32, #tpu.memory_space<vmem>>)
      tpu.yield
    }) : () -> ()
    %add3A_7 = arith.constant 0 : i32
    %add3A_8 = arith.addi %add3A, %add3A_7 : i32
    "tpu.region"() ({
      %run_scoped3A = tpu.sem_alloc : memref<!tpu.dma_semaphore, #tpu.memory_space<semaphore_mem>>
      %dma_start3A_105 = arith.constant 0 : i32
      %dma_start3A_106 = tpu.memref_slice %arg4[%add3A_8, %dma_start3A_105] : memref<2560x128xi32, #tpu.memory_space<hbm>> -> memref<40x128xi32, #tpu.memory_space<hbm>>
      %dma_start3A_107 = arith.constant 0 : i32
      %dma_start3A_108 = tpu.memref_slice %arg4[%add3A_8, %dma_start3A_107] : memref<2560x128xi32, #tpu.memory_space<hbm>> -> memref<40x128xi32, #tpu.memory_space<hbm>>
      tpu.enqueue_dma source(%dma_start3A_108 : memref<40x128xi32, #tpu.memory_space<hbm>>) target(%arg8 : memref<40x128xi32, #tpu.memory_space<vmem>>) target_semaphore(%run_scoped3A : memref<!tpu.dma_semaphore, #tpu.memory_space<semaphore_mem>>)
      %dma_wait3A_109 = arith.constant 0 : i32
      %dma_wait3A_110 = tpu.memref_slice %arg4[%add3A_8, %dma_wait3A_109] : memref<2560x128xi32, #tpu.memory_space<hbm>> -> memref<40x128xi32, #tpu.memory_space<hbm>>
      %dma_wait3A_111 = arith.constant 0 : i32
      %dma_wait3A_112 = tpu.memref_slice %arg4[%add3A_8, %dma_wait3A_111] : memref<2560x128xi32, #tpu.memory_space<hbm>> -> memref<40x128xi32, #tpu.memory_space<hbm>>
      tpu.wait_dma2 semaphore(%run_scoped3A : memref<!tpu.dma_semaphore, #tpu.memory_space<semaphore_mem>>) src(%dma_wait3A_112 : memref<40x128xi32, #tpu.memory_space<hbm>>) dst(%arg8 : memref<40x128xi32, #tpu.memory_space<vmem>>)
      tpu.yield
    }) : () -> ()
    %dma_start3A = arith.constant 0 : i32
    %dma_start3A_9 = arith.constant 0 : i32
    %dma_start3A_10 = arith.constant 0 : i32
    %dma_start3A_11 = tpu.memref_slice %arg9[%dma_start3A_9, %dma_start3A_10] : memref<128x128xf32, #tpu.memory_space<vmem>> -> memref<64x128xf32, #tpu.memory_space<vmem>>
    %dma_start3A_12 = arith.constant 0 : i32
    %dma_start3A_13 = tpu.memref_slice %arg7[%dma_start3A, %dma_start3A_12] : memref<40x128xi32, #tpu.memory_space<vmem>> -> memref<1x64xi32, #tpu.memory_space<vmem>>
    %dma_start3A_14 = tpu.memref_squeeze %dma_start3A_13 : memref<1x64xi32, #tpu.memory_space<vmem>> -> memref<64xi32, #tpu.memory_space<vmem>>
    %dma_start3A_15 = arith.constant 0 : i32
    %dma_start3A_16 = arith.constant 0 : i32
    %dma_start3A_17 = tpu.memref_slice %arg2[%dma_start3A_15, %dma_start3A_16] : memref<10112x128xf32, #tpu.memory_space<hbm>> -> memref<10112x128xf32, #tpu.memory_space<hbm>>
    tpu.enqueue_indirect_dma source(%dma_start3A_17 : memref<10112x128xf32, #tpu.memory_space<hbm>>) target(%dma_start3A_11 : memref<64x128xf32, #tpu.memory_space<vmem>>) offsets(%dma_start3A_14 : memref<64xi32, #tpu.memory_space<vmem>>) semaphore(%arg12 : memref<!tpu.dma_semaphore, #tpu.memory_space<semaphore_mem>>)
    %dma_start3A_18 = arith.constant 0 : i32
    %dma_start3A_19 = arith.constant 64 : i32
    %dma_start3A_20 = arith.constant 0 : i32
    %dma_start3A_21 = tpu.memref_slice %arg9[%dma_start3A_19, %dma_start3A_20] : memref<128x128xf32, #tpu.memory_space<vmem>> -> memref<64x128xf32, #tpu.memory_space<vmem>>
    %dma_start3A_22 = arith.constant 64 : i32
    %dma_start3A_23 = tpu.memref_slice %arg7[%dma_start3A_18, %dma_start3A_22] : memref<40x128xi32, #tpu.memory_space<vmem>> -> memref<1x64xi32, #tpu.memory_space<vmem>>
    %dma_start3A_24 = tpu.memref_squeeze %dma_start3A_23 : memref<1x64xi32, #tpu.memory_space<vmem>> -> memref<64xi32, #tpu.memory_space<vmem>>
    %dma_start3A_25 = arith.constant 0 : i32
    %dma_start3A_26 = arith.constant 0 : i32
    %dma_start3A_27 = tpu.memref_slice %arg2[%dma_start3A_25, %dma_start3A_26] : memref<10112x128xf32, #tpu.memory_space<hbm>> -> memref<10112x128xf32, #tpu.memory_space<hbm>>
    tpu.enqueue_indirect_dma source(%dma_start3A_27 : memref<10112x128xf32, #tpu.memory_space<hbm>>) target(%dma_start3A_21 : memref<64x128xf32, #tpu.memory_space<vmem>>) offsets(%dma_start3A_24 : memref<64xi32, #tpu.memory_space<vmem>>) semaphore(%arg12 : memref<!tpu.dma_semaphore, #tpu.memory_space<semaphore_mem>>)
    %scan3A = arith.constant 0 : i32
    %scan3A_28 = arith.constant 0 : i32
    %scan3A_29 = arith.constant 20 : i32
    %scan3A_30 = arith.addi %scan3A_28, %scan3A_29 : i32
    %scan3A_31 = arith.constant 1 : i32
    scf.for %scan3A_105 = %scan3A_28 to %scan3A_30 step %scan3A_31  : i32 {
      %mul3A_106 = arith.constant 2 : i32
      %mul3A_107 = arith.muli %mul3A_106, %scan3A_105 : i32
      %add3A_108 = arith.constant 1 : i32
      %add3A_109 = arith.addi %mul3A_107, %add3A_108 : i32
      %dma_start3A_110 = arith.constant 0 : i32
      %dma_start3A_111 = arith.constant 0 : i32
      %dma_start3A_112 = tpu.memref_slice %arg10[%dma_start3A_110, %dma_start3A_111] : memref<128x128xf32, #tpu.memory_space<vmem>> -> memref<64x128xf32, #tpu.memory_space<vmem>>
      %dma_start3A_113 = arith.constant 0 : i32
      %dma_start3A_114 = tpu.memref_slice %arg7[%add3A_109, %dma_start3A_113] : memref<40x128xi32, #tpu.memory_space<vmem>> -> memref<1x64xi32, #tpu.memory_space<vmem>>
      %dma_start3A_115 = tpu.memref_squeeze %dma_start3A_114 : memref<1x64xi32, #tpu.memory_space<vmem>> -> memref<64xi32, #tpu.memory_space<vmem>>
      %dma_start3A_116 = arith.constant 0 : i32
      %dma_start3A_117 = arith.constant 0 : i32
      %dma_start3A_118 = tpu.memref_slice %arg2[%dma_start3A_116, %dma_start3A_117] : memref<10112x128xf32, #tpu.memory_space<hbm>> -> memref<10112x128xf32, #tpu.memory_space<hbm>>
      tpu.enqueue_indirect_dma source(%dma_start3A_118 : memref<10112x128xf32, #tpu.memory_space<hbm>>) target(%dma_start3A_112 : memref<64x128xf32, #tpu.memory_space<vmem>>) offsets(%dma_start3A_115 : memref<64xi32, #tpu.memory_space<vmem>>) semaphore(%arg13 : memref<!tpu.dma_semaphore, #tpu.memory_space<semaphore_mem>>)
      %dma_start3A_119 = arith.constant 64 : i32
      %dma_start3A_120 = arith.constant 0 : i32
      %dma_start3A_121 = tpu.memref_slice %arg10[%dma_start3A_119, %dma_start3A_120] : memref<128x128xf32, #tpu.memory_space<vmem>> -> memref<64x128xf32, #tpu.memory_space<vmem>>
      %dma_start3A_122 = arith.constant 64 : i32
      %dma_start3A_123 = tpu.memref_slice %arg7[%add3A_109, %dma_start3A_122] : memref<40x128xi32, #tpu.memory_space<vmem>> -> memref<1x64xi32, #tpu.memory_space<vmem>>
      %dma_start3A_124 = tpu.memref_squeeze %dma_start3A_123 : memref<1x64xi32, #tpu.memory_space<vmem>> -> memref<64xi32, #tpu.memory_space<vmem>>
      %dma_start3A_125 = arith.constant 0 : i32
      %dma_start3A_126 = arith.constant 0 : i32
      %dma_start3A_127 = tpu.memref_slice %arg2[%dma_start3A_125, %dma_start3A_126] : memref<10112x128xf32, #tpu.memory_space<hbm>> -> memref<10112x128xf32, #tpu.memory_space<hbm>>
      tpu.enqueue_indirect_dma source(%dma_start3A_127 : memref<10112x128xf32, #tpu.memory_space<hbm>>) target(%dma_start3A_121 : memref<64x128xf32, #tpu.memory_space<vmem>>) offsets(%dma_start3A_124 : memref<64xi32, #tpu.memory_space<vmem>>) semaphore(%arg13 : memref<!tpu.dma_semaphore, #tpu.memory_space<semaphore_mem>>)
      %mul3A_128 = arith.constant 2 : i32
      %mul3A_129 = arith.muli %mul3A_128, %scan3A_105 : i32
      %dma_wait3A_130 = arith.constant 0 : i32
      %dma_wait3A_131 = arith.constant 0 : i32
      %dma_wait3A_132 = tpu.memref_slice %arg9[%dma_wait3A_130, %dma_wait3A_131] : memref<128x128xf32, #tpu.memory_space<vmem>> -> memref<64x128xf32, #tpu.memory_space<vmem>>
      %dma_wait3A_133 = arith.constant 0 : i32
      %dma_wait3A_134 = tpu.memref_slice %arg7[%mul3A_129, %dma_wait3A_133] : memref<40x128xi32, #tpu.memory_space<vmem>> -> memref<1x64xi32, #tpu.memory_space<vmem>>
      %dma_wait3A_135 = tpu.memref_squeeze %dma_wait3A_134 : memref<1x64xi32, #tpu.memory_space<vmem>> -> memref<64xi32, #tpu.memory_space<vmem>>
      %dma_wait3A_136 = arith.constant 0 : i32
      %dma_wait3A_137 = arith.constant 0 : i32
      %dma_wait3A_138 = tpu.memref_slice %arg2[%dma_wait3A_136, %dma_wait3A_137] : memref<10112x128xf32, #tpu.memory_space<hbm>> -> memref<10112x128xf32, #tpu.memory_space<hbm>>
      tpu.wait_indirect_dma semaphore(%arg12 : memref<!tpu.dma_semaphore, #tpu.memory_space<semaphore_mem>>) src(%dma_wait3A_138 : memref<10112x128xf32, #tpu.memory_space<hbm>>) dst(%dma_wait3A_132 : memref<64x128xf32, #tpu.memory_space<vmem>>)
      %dma_wait3A_139 = arith.constant 64 : i32
      %dma_wait3A_140 = arith.constant 0 : i32
      %dma_wait3A_141 = tpu.memref_slice %arg9[%dma_wait3A_139, %dma_wait3A_140] : memref<128x128xf32, #tpu.memory_space<vmem>> -> memref<64x128xf32, #tpu.memory_space<vmem>>
      %dma_wait3A_142 = arith.constant 64 : i32
      %dma_wait3A_143 = tpu.memref_slice %arg7[%mul3A_129, %dma_wait3A_142] : memref<40x128xi32, #tpu.memory_space<vmem>> -> memref<1x64xi32, #tpu.memory_space<vmem>>
      %dma_wait3A_144 = tpu.memref_squeeze %dma_wait3A_143 : memref<1x64xi32, #tpu.memory_space<vmem>> -> memref<64xi32, #tpu.memory_space<vmem>>
      %dma_wait3A_145 = arith.constant 0 : i32
      %dma_wait3A_146 = arith.constant 0 : i32
      %dma_wait3A_147 = tpu.memref_slice %arg2[%dma_wait3A_145, %dma_wait3A_146] : memref<10112x128xf32, #tpu.memory_space<hbm>> -> memref<10112x128xf32, #tpu.memory_space<hbm>>
      tpu.wait_indirect_dma semaphore(%arg12 : memref<!tpu.dma_semaphore, #tpu.memory_space<semaphore_mem>>) src(%dma_wait3A_147 : memref<10112x128xf32, #tpu.memory_space<hbm>>) dst(%dma_wait3A_141 : memref<64x128xf32, #tpu.memory_space<vmem>>)
      %mul3A_148 = arith.constant 2 : i32
      %mul3A_149 = arith.muli %mul3A_148, %scan3A_105 : i32
      "tpu.region"() ({
        %run_scoped3A = tpu.sem_alloc : memref<!tpu.dma_semaphore, #tpu.memory_space<semaphore_mem>>
        %dma_start3A_199 = arith.constant 0 : i32
        %dma_start3A_200 = tpu.memref_slice %arg8[%mul3A_149, %dma_start3A_199] : memref<40x128xi32, #tpu.memory_space<vmem>> -> memref<1x128xi32, #tpu.memory_space<vmem>>
        %dma_start3A_201 = tpu.memref_squeeze %dma_start3A_200 : memref<1x128xi32, #tpu.memory_space<vmem>> -> memref<128xi32, #tpu.memory_space<vmem>>
        %dma_start3A_202 = arith.constant 0 : i32
        %dma_start3A_203 = arith.constant 0 : i32
        %dma_start3A_204 = tpu.memref_slice %arg11[%dma_start3A_202, %dma_start3A_203] : memref<10112x128xf32, #tpu.memory_space<vmem_shared>> -> memref<10112x128xf32, #tpu.memory_space<vmem_shared>>
        tpu.enqueue_indirect_dma source(%arg9 : memref<128x128xf32, #tpu.memory_space<vmem>>) target(%dma_start3A_204 : memref<10112x128xf32, #tpu.memory_space<vmem_shared>>) offsets(%dma_start3A_201 : memref<128xi32, #tpu.memory_space<vmem>>) semaphore(%run_scoped3A : memref<!tpu.dma_semaphore, #tpu.memory_space<semaphore_mem>>) {add = true}
        %dma_wait3A_205 = arith.constant 0 : i32
        %dma_wait3A_206 = tpu.memref_slice %arg8[%mul3A_149, %dma_wait3A_205] : memref<40x128xi32, #tpu.memory_space<vmem>> -> memref<1x128xi32, #tpu.memory_space<vmem>>
        %dma_wait3A_207 = tpu.memref_squeeze %dma_wait3A_206 : memref<1x128xi32, #tpu.memory_space<vmem>> -> memref<128xi32, #tpu.memory_space<vmem>>
        %dma_wait3A_208 = arith.constant 0 : i32
        %dma_wait3A_209 = arith.constant 0 : i32
        %dma_wait3A_210 = tpu.memref_slice %arg11[%dma_wait3A_208, %dma_wait3A_209] : memref<10112x128xf32, #tpu.memory_space<vmem_shared>> -> memref<10112x128xf32, #tpu.memory_space<vmem_shared>>
        tpu.wait_indirect_dma semaphore(%run_scoped3A : memref<!tpu.dma_semaphore, #tpu.memory_space<semaphore_mem>>) src(%arg9 : memref<128x128xf32, #tpu.memory_space<vmem>>) dst(%dma_wait3A_210 : memref<10112x128xf32, #tpu.memory_space<vmem_shared>>)
        tpu.yield
      }) : () -> ()
      %mul3A_150 = arith.constant 2 : i32
      %mul3A_151 = arith.muli %mul3A_150, %scan3A_105 : i32
      %add3A_152 = arith.constant 2 : i32
      %add3A_153 = arith.addi %mul3A_151, %add3A_152 : i32
      %min3A = arith.constant 39 : i32
      %min3A_154 = arith.minsi %add3A_153, %min3A : i32
      %dma_start3A_155 = arith.constant 0 : i32
      %dma_start3A_156 = arith.constant 0 : i32
      %dma_start3A_157 = tpu.memref_slice %arg9[%dma_start3A_155, %dma_start3A_156] : memref<128x128xf32, #tpu.memory_space<vmem>> -> memref<64x128xf32, #tpu.memory_space<vmem>>
      %dma_start3A_158 = arith.constant 0 : i32
      %dma_start3A_159 = tpu.memref_slice %arg7[%min3A_154, %dma_start3A_158] : memref<40x128xi32, #tpu.memory_space<vmem>> -> memref<1x64xi32, #tpu.memory_space<vmem>>
      %dma_start3A_160 = tpu.memref_squeeze %dma_start3A_159 : memref<1x64xi32, #tpu.memory_space<vmem>> -> memref<64xi32, #tpu.memory_space<vmem>>
      %dma_start3A_161 = arith.constant 0 : i32
      %dma_start3A_162 = arith.constant 0 : i32
      %dma_start3A_163 = tpu.memref_slice %arg2[%dma_start3A_161, %dma_start3A_162] : memref<10112x128xf32, #tpu.memory_space<hbm>> -> memref<10112x128xf32, #tpu.memory_space<hbm>>
      tpu.enqueue_indirect_dma source(%dma_start3A_163 : memref<10112x128xf32, #tpu.memory_space<hbm>>) target(%dma_start3A_157 : memref<64x128xf32, #tpu.memory_space<vmem>>) offsets(%dma_start3A_160 : memref<64xi32, #tpu.memory_space<vmem>>) semaphore(%arg12 : memref<!tpu.dma_semaphore, #tpu.memory_space<semaphore_mem>>)
      %dma_start3A_164 = arith.constant 64 : i32
      %dma_start3A_165 = arith.constant 0 : i32
      %dma_start3A_166 = tpu.memref_slice %arg9[%dma_start3A_164, %dma_start3A_165] : memref<128x128xf32, #tpu.memory_space<vmem>> -> memref<64x128xf32, #tpu.memory_space<vmem>>
      %dma_start3A_167 = arith.constant 64 : i32
      %dma_start3A_168 = tpu.memref_slice %arg7[%min3A_154, %dma_start3A_167] : memref<40x128xi32, #tpu.memory_space<vmem>> -> memref<1x64xi32, #tpu.memory_space<vmem>>
      %dma_start3A_169 = tpu.memref_squeeze %dma_start3A_168 : memref<1x64xi32, #tpu.memory_space<vmem>> -> memref<64xi32, #tpu.memory_space<vmem>>
      %dma_start3A_170 = arith.constant 0 : i32
      %dma_start3A_171 = arith.constant 0 : i32
      %dma_start3A_172 = tpu.memref_slice %arg2[%dma_start3A_170, %dma_start3A_171] : memref<10112x128xf32, #tpu.memory_space<hbm>> -> memref<10112x128xf32, #tpu.memory_space<hbm>>
      tpu.enqueue_indirect_dma source(%dma_start3A_172 : memref<10112x128xf32, #tpu.memory_space<hbm>>) target(%dma_start3A_166 : memref<64x128xf32, #tpu.memory_space<vmem>>) offsets(%dma_start3A_169 : memref<64xi32, #tpu.memory_space<vmem>>) semaphore(%arg12 : memref<!tpu.dma_semaphore, #tpu.memory_space<semaphore_mem>>)
      %mul3A_173 = arith.constant 2 : i32
      %mul3A_174 = arith.muli %mul3A_173, %scan3A_105 : i32
      %add3A_175 = arith.constant 1 : i32
      %add3A_176 = arith.addi %mul3A_174, %add3A_175 : i32
      %dma_wait3A_177 = arith.constant 0 : i32
      %dma_wait3A_178 = arith.constant 0 : i32
      %dma_wait3A_179 = tpu.memref_slice %arg10[%dma_wait3A_177, %dma_wait3A_178] : memref<128x128xf32, #tpu.memory_space<vmem>> -> memref<64x128xf32, #tpu.memory_space<vmem>>
      %dma_wait3A_180 = arith.constant 0 : i32
      %dma_wait3A_181 = tpu.memref_slice %arg7[%add3A_176, %dma_wait3A_180] : memref<40x128xi32, #tpu.memory_space<vmem>> -> memref<1x64xi32, #tpu.memory_space<vmem>>
      %dma_wait3A_182 = tpu.memref_squeeze %dma_wait3A_181 : memref<1x64xi32, #tpu.memory_space<vmem>> -> memref<64xi32, #tpu.memory_space<vmem>>
      %dma_wait3A_183 = arith.constant 0 : i32
      %dma_wait3A_184 = arith.constant 0 : i32
      %dma_wait3A_185 = tpu.memref_slice %arg2[%dma_wait3A_183, %dma_wait3A_184] : memref<10112x128xf32, #tpu.memory_space<hbm>> -> memref<10112x128xf32, #tpu.memory_space<hbm>>
      tpu.wait_indirect_dma semaphore(%arg13 : memref<!tpu.dma_semaphore, #tpu.memory_space<semaphore_mem>>) src(%dma_wait3A_185 : memref<10112x128xf32, #tpu.memory_space<hbm>>) dst(%dma_wait3A_179 : memref<64x128xf32, #tpu.memory_space<vmem>>)
      %dma_wait3A_186 = arith.constant 64 : i32
      %dma_wait3A_187 = arith.constant 0 : i32
      %dma_wait3A_188 = tpu.memref_slice %arg10[%dma_wait3A_186, %dma_wait3A_187] : memref<128x128xf32, #tpu.memory_space<vmem>> -> memref<64x128xf32, #tpu.memory_space<vmem>>
      %dma_wait3A_189 = arith.constant 64 : i32
      %dma_wait3A_190 = tpu.memref_slice %arg7[%add3A_176, %dma_wait3A_189] : memref<40x128xi32, #tpu.memory_space<vmem>> -> memref<1x64xi32, #tpu.memory_space<vmem>>
      %dma_wait3A_191 = tpu.memref_squeeze %dma_wait3A_190 : memref<1x64xi32, #tpu.memory_space<vmem>> -> memref<64xi32, #tpu.memory_space<vmem>>
      %dma_wait3A_192 = arith.constant 0 : i32
      %dma_wait3A_193 = arith.constant 0 : i32
      %dma_wait3A_194 = tpu.memref_slice %arg2[%dma_wait3A_192, %dma_wait3A_193] : memref<10112x128xf32, #tpu.memory_space<hbm>> -> memref<10112x128xf32, #tpu.memory_space<hbm>>
      tpu.wait_indirect_dma semaphore(%arg13 : memref<!tpu.dma_semaphore, #tpu.memory_space<semaphore_mem>>) src(%dma_wait3A_194 : memref<10112x128xf32, #tpu.memory_space<hbm>>) dst(%dma_wait3A_188 : memref<64x128xf32, #tpu.memory_space<vmem>>)
      %mul3A_195 = arith.constant 2 : i32
      %mul3A_196 = arith.muli %mul3A_195, %scan3A_105 : i32
      %add3A_197 = arith.constant 1 : i32
      %add3A_198 = arith.addi %mul3A_196, %add3A_197 : i32
      "tpu.region"() ({
        %run_scoped3A = tpu.sem_alloc : memref<!tpu.dma_semaphore, #tpu.memory_space<semaphore_mem>>
        %dma_start3A_199 = arith.constant 0 : i32
        %dma_start3A_200 = tpu.memref_slice %arg8[%add3A_198, %dma_start3A_199] : memref<40x128xi32, #tpu.memory_space<vmem>> -> memref<1x128xi32, #tpu.memory_space<vmem>>
        %dma_start3A_201 = tpu.memref_squeeze %dma_start3A_200 : memref<1x128xi32, #tpu.memory_space<vmem>> -> memref<128xi32, #tpu.memory_space<vmem>>
        %dma_start3A_202 = arith.constant 0 : i32
        %dma_start3A_203 = arith.constant 0 : i32
        %dma_start3A_204 = tpu.memref_slice %arg11[%dma_start3A_202, %dma_start3A_203] : memref<10112x128xf32, #tpu.memory_space<vmem_shared>> -> memref<10112x128xf32, #tpu.memory_space<vmem_shared>>
        tpu.enqueue_indirect_dma source(%arg10 : memref<128x128xf32, #tpu.memory_space<vmem>>) target(%dma_start3A_204 : memref<10112x128xf32, #tpu.memory_space<vmem_shared>>) offsets(%dma_start3A_201 : memref<128xi32, #tpu.memory_space<vmem>>) semaphore(%run_scoped3A : memref<!tpu.dma_semaphore, #tpu.memory_space<semaphore_mem>>) {add = true}
        %dma_wait3A_205 = arith.constant 0 : i32
        %dma_wait3A_206 = tpu.memref_slice %arg8[%add3A_198, %dma_wait3A_205] : memref<40x128xi32, #tpu.memory_space<vmem>> -> memref<1x128xi32, #tpu.memory_space<vmem>>
        %dma_wait3A_207 = tpu.memref_squeeze %dma_wait3A_206 : memref<1x128xi32, #tpu.memory_space<vmem>> -> memref<128xi32, #tpu.memory_space<vmem>>
        %dma_wait3A_208 = arith.constant 0 : i32
        %dma_wait3A_209 = arith.constant 0 : i32
        %dma_wait3A_210 = tpu.memref_slice %arg11[%dma_wait3A_208, %dma_wait3A_209] : memref<10112x128xf32, #tpu.memory_space<vmem_shared>> -> memref<10112x128xf32, #tpu.memory_space<vmem_shared>>
        tpu.wait_indirect_dma semaphore(%run_scoped3A : memref<!tpu.dma_semaphore, #tpu.memory_space<semaphore_mem>>) src(%arg10 : memref<128x128xf32, #tpu.memory_space<vmem>>) dst(%dma_wait3A_210 : memref<10112x128xf32, #tpu.memory_space<vmem_shared>>)
        tpu.yield
      }) : () -> ()
    }
    %scan3A_32 = arith.constant 20 : i32
    %dma_wait3A = arith.constant 39 : i32
    %dma_wait3A_33 = arith.constant 0 : i32
    %dma_wait3A_34 = arith.constant 0 : i32
    %dma_wait3A_35 = tpu.memref_slice %arg9[%dma_wait3A_33, %dma_wait3A_34] : memref<128x128xf32, #tpu.memory_space<vmem>> -> memref<64x128xf32, #tpu.memory_space<vmem>>
    %dma_wait3A_36 = arith.constant 0 : i32
    %dma_wait3A_37 = tpu.memref_slice %arg7[%dma_wait3A, %dma_wait3A_36] : memref<40x128xi32, #tpu.memory_space<vmem>> -> memref<1x64xi32, #tpu.memory_space<vmem>>
    %dma_wait3A_38 = tpu.memref_squeeze %dma_wait3A_37 : memref<1x64xi32, #tpu.memory_space<vmem>> -> memref<64xi32, #tpu.memory_space<vmem>>
    %dma_wait3A_39 = arith.constant 0 : i32
    %dma_wait3A_40 = arith.constant 0 : i32
    %dma_wait3A_41 = tpu.memref_slice %arg2[%dma_wait3A_39, %dma_wait3A_40] : memref<10112x128xf32, #tpu.memory_space<hbm>> -> memref<10112x128xf32, #tpu.memory_space<hbm>>
    tpu.wait_indirect_dma semaphore(%arg12 : memref<!tpu.dma_semaphore, #tpu.memory_space<semaphore_mem>>) src(%dma_wait3A_41 : memref<10112x128xf32, #tpu.memory_space<hbm>>) dst(%dma_wait3A_35 : memref<64x128xf32, #tpu.memory_space<vmem>>)
    %dma_wait3A_42 = arith.constant 39 : i32
    %dma_wait3A_43 = arith.constant 64 : i32
    %dma_wait3A_44 = arith.constant 0 : i32
    %dma_wait3A_45 = tpu.memref_slice %arg9[%dma_wait3A_43, %dma_wait3A_44] : memref<128x128xf32, #tpu.memory_space<vmem>> -> memref<64x128xf32, #tpu.memory_space<vmem>>
    %dma_wait3A_46 = arith.constant 64 : i32
    %dma_wait3A_47 = tpu.memref_slice %arg7[%dma_wait3A_42, %dma_wait3A_46] : memref<40x128xi32, #tpu.memory_space<vmem>> -> memref<1x64xi32, #tpu.memory_space<vmem>>
    %dma_wait3A_48 = tpu.memref_squeeze %dma_wait3A_47 : memref<1x64xi32, #tpu.memory_space<vmem>> -> memref<64xi32, #tpu.memory_space<vmem>>
    %dma_wait3A_49 = arith.constant 0 : i32
    %dma_wait3A_50 = arith.constant 0 : i32
    %dma_wait3A_51 = tpu.memref_slice %arg2[%dma_wait3A_49, %dma_wait3A_50] : memref<10112x128xf32, #tpu.memory_space<hbm>> -> memref<10112x128xf32, #tpu.memory_space<hbm>>
    tpu.wait_indirect_dma semaphore(%arg12 : memref<!tpu.dma_semaphore, #tpu.memory_space<semaphore_mem>>) src(%dma_wait3A_51 : memref<10112x128xf32, #tpu.memory_space<hbm>>) dst(%dma_wait3A_45 : memref<64x128xf32, #tpu.memory_space<vmem>>)
    %add3A_52 = arith.constant 40 : i32
    %add3A_53 = arith.addi %add3A, %add3A_52 : i32
    "tpu.region"() ({
      %run_scoped3A = tpu.sem_alloc : memref<!tpu.dma_semaphore, #tpu.memory_space<semaphore_mem>>
      %dma_start3A_105 = arith.constant 0 : i32
      %dma_start3A_106 = tpu.memref_slice %arg3[%add3A_53, %dma_start3A_105] : memref<2560x128xi32, #tpu.memory_space<hbm>> -> memref<40x128xi32, #tpu.memory_space<hbm>>
      %dma_start3A_107 = arith.constant 0 : i32
      %dma_start3A_108 = tpu.memref_slice %arg3[%add3A_53, %dma_start3A_107] : memref<2560x128xi32, #tpu.memory_space<hbm>> -> memref<40x128xi32, #tpu.memory_space<hbm>>
      tpu.enqueue_dma source(%dma_start3A_108 : memref<40x128xi32, #tpu.memory_space<hbm>>) target(%arg7 : memref<40x128xi32, #tpu.memory_space<vmem>>) target_semaphore(%run_scoped3A : memref<!tpu.dma_semaphore, #tpu.memory_space<semaphore_mem>>)
      %dma_wait3A_109 = arith.constant 0 : i32
      %dma_wait3A_110 = tpu.memref_slice %arg3[%add3A_53, %dma_wait3A_109] : memref<2560x128xi32, #tpu.memory_space<hbm>> -> memref<40x128xi32, #tpu.memory_space<hbm>>
      %dma_wait3A_111 = arith.constant 0 : i32
      %dma_wait3A_112 = tpu.memref_slice %arg3[%add3A_53, %dma_wait3A_111] : memref<2560x128xi32, #tpu.memory_space<hbm>> -> memref<40x128xi32, #tpu.memory_space<hbm>>
      tpu.wait_dma2 semaphore(%run_scoped3A : memref<!tpu.dma_semaphore, #tpu.memory_space<semaphore_mem>>) src(%dma_wait3A_112 : memref<40x128xi32, #tpu.memory_space<hbm>>) dst(%arg7 : memref<40x128xi32, #tpu.memory_space<vmem>>)
      tpu.yield
    }) : () -> ()
    %add3A_54 = arith.constant 40 : i32
    %add3A_55 = arith.addi %add3A, %add3A_54 : i32
    "tpu.region"() ({
      %run_scoped3A = tpu.sem_alloc : memref<!tpu.dma_semaphore, #tpu.memory_space<semaphore_mem>>
      %dma_start3A_105 = arith.constant 0 : i32
      %dma_start3A_106 = tpu.memref_slice %arg4[%add3A_55, %dma_start3A_105] : memref<2560x128xi32, #tpu.memory_space<hbm>> -> memref<40x128xi32, #tpu.memory_space<hbm>>
      %dma_start3A_107 = arith.constant 0 : i32
      %dma_start3A_108 = tpu.memref_slice %arg4[%add3A_55, %dma_start3A_107] : memref<2560x128xi32, #tpu.memory_space<hbm>> -> memref<40x128xi32, #tpu.memory_space<hbm>>
      tpu.enqueue_dma source(%dma_start3A_108 : memref<40x128xi32, #tpu.memory_space<hbm>>) target(%arg8 : memref<40x128xi32, #tpu.memory_space<vmem>>) target_semaphore(%run_scoped3A : memref<!tpu.dma_semaphore, #tpu.memory_space<semaphore_mem>>)
      %dma_wait3A_109 = arith.constant 0 : i32
      %dma_wait3A_110 = tpu.memref_slice %arg4[%add3A_55, %dma_wait3A_109] : memref<2560x128xi32, #tpu.memory_space<hbm>> -> memref<40x128xi32, #tpu.memory_space<hbm>>
      %dma_wait3A_111 = arith.constant 0 : i32
      %dma_wait3A_112 = tpu.memref_slice %arg4[%add3A_55, %dma_wait3A_111] : memref<2560x128xi32, #tpu.memory_space<hbm>> -> memref<40x128xi32, #tpu.memory_space<hbm>>
      tpu.wait_dma2 semaphore(%run_scoped3A : memref<!tpu.dma_semaphore, #tpu.memory_space<semaphore_mem>>) src(%dma_wait3A_112 : memref<40x128xi32, #tpu.memory_space<hbm>>) dst(%arg8 : memref<40x128xi32, #tpu.memory_space<vmem>>)
      tpu.yield
    }) : () -> ()
    %dma_start3A_56 = arith.constant 0 : i32
    %dma_start3A_57 = arith.constant 0 : i32
    %dma_start3A_58 = arith.constant 0 : i32
    %dma_start3A_59 = tpu.memref_slice %arg9[%dma_start3A_57, %dma_start3A_58] : memref<128x128xf32, #tpu.memory_space<vmem>> -> memref<64x128xf32, #tpu.memory_space<vmem>>
    %dma_start3A_60 = arith.constant 0 : i32
    %dma_start3A_61 = tpu.memref_slice %arg7[%dma_start3A_56, %dma_start3A_60] : memref<40x128xi32, #tpu.memory_space<vmem>> -> memref<1x64xi32, #tpu.memory_space<vmem>>
    %dma_start3A_62 = tpu.memref_squeeze %dma_start3A_61 : memref<1x64xi32, #tpu.memory_space<vmem>> -> memref<64xi32, #tpu.memory_space<vmem>>
    %dma_start3A_63 = arith.constant 0 : i32
    %dma_start3A_64 = arith.constant 0 : i32
    %dma_start3A_65 = tpu.memref_slice %arg2[%dma_start3A_63, %dma_start3A_64] : memref<10112x128xf32, #tpu.memory_space<hbm>> -> memref<10112x128xf32, #tpu.memory_space<hbm>>
    tpu.enqueue_indirect_dma source(%dma_start3A_65 : memref<10112x128xf32, #tpu.memory_space<hbm>>) target(%dma_start3A_59 : memref<64x128xf32, #tpu.memory_space<vmem>>) offsets(%dma_start3A_62 : memref<64xi32, #tpu.memory_space<vmem>>) semaphore(%arg12 : memref<!tpu.dma_semaphore, #tpu.memory_space<semaphore_mem>>)
    %dma_start3A_66 = arith.constant 0 : i32
    %dma_start3A_67 = arith.constant 64 : i32
    %dma_start3A_68 = arith.constant 0 : i32
    %dma_start3A_69 = tpu.memref_slice %arg9[%dma_start3A_67, %dma_start3A_68] : memref<128x128xf32, #tpu.memory_space<vmem>> -> memref<64x128xf32, #tpu.memory_space<vmem>>
    %dma_start3A_70 = arith.constant 64 : i32
    %dma_start3A_71 = tpu.memref_slice %arg7[%dma_start3A_66, %dma_start3A_70] : memref<40x128xi32, #tpu.memory_space<vmem>> -> memref<1x64xi32, #tpu.memory_space<vmem>>
    %dma_start3A_72 = tpu.memref_squeeze %dma_start3A_71 : memref<1x64xi32, #tpu.memory_space<vmem>> -> memref<64xi32, #tpu.memory_space<vmem>>
    %dma_start3A_73 = arith.constant 0 : i32
    %dma_start3A_74 = arith.constant 0 : i32
    %dma_start3A_75 = tpu.memref_slice %arg2[%dma_start3A_73, %dma_start3A_74] : memref<10112x128xf32, #tpu.memory_space<hbm>> -> memref<10112x128xf32, #tpu.memory_space<hbm>>
    tpu.enqueue_indirect_dma source(%dma_start3A_75 : memref<10112x128xf32, #tpu.memory_space<hbm>>) target(%dma_start3A_69 : memref<64x128xf32, #tpu.memory_space<vmem>>) offsets(%dma_start3A_72 : memref<64xi32, #tpu.memory_space<vmem>>) semaphore(%arg12 : memref<!tpu.dma_semaphore, #tpu.memory_space<semaphore_mem>>)
    %scan3A_76 = arith.constant 0 : i32
    %scan3A_77 = arith.constant 0 : i32
    %scan3A_78 = arith.constant 20 : i32
    %scan3A_79 = arith.addi %scan3A_77, %scan3A_78 : i32
    %scan3A_80 = arith.constant 1 : i32
    scf.for %scan3A_105 = %scan3A_77 to %scan3A_79 step %scan3A_80  : i32 {
      %mul3A_106 = arith.constant 2 : i32
      %mul3A_107 = arith.muli %mul3A_106, %scan3A_105 : i32
      %add3A_108 = arith.constant 1 : i32
      %add3A_109 = arith.addi %mul3A_107, %add3A_108 : i32
      %dma_start3A_110 = arith.constant 0 : i32
      %dma_start3A_111 = arith.constant 0 : i32
      %dma_start3A_112 = tpu.memref_slice %arg10[%dma_start3A_110, %dma_start3A_111] : memref<128x128xf32, #tpu.memory_space<vmem>> -> memref<64x128xf32, #tpu.memory_space<vmem>>
      %dma_start3A_113 = arith.constant 0 : i32
      %dma_start3A_114 = tpu.memref_slice %arg7[%add3A_109, %dma_start3A_113] : memref<40x128xi32, #tpu.memory_space<vmem>> -> memref<1x64xi32, #tpu.memory_space<vmem>>
      %dma_start3A_115 = tpu.memref_squeeze %dma_start3A_114 : memref<1x64xi32, #tpu.memory_space<vmem>> -> memref<64xi32, #tpu.memory_space<vmem>>
      %dma_start3A_116 = arith.constant 0 : i32
      %dma_start3A_117 = arith.constant 0 : i32
      %dma_start3A_118 = tpu.memref_slice %arg2[%dma_start3A_116, %dma_start3A_117] : memref<10112x128xf32, #tpu.memory_space<hbm>> -> memref<10112x128xf32, #tpu.memory_space<hbm>>
      tpu.enqueue_indirect_dma source(%dma_start3A_118 : memref<10112x128xf32, #tpu.memory_space<hbm>>) target(%dma_start3A_112 : memref<64x128xf32, #tpu.memory_space<vmem>>) offsets(%dma_start3A_115 : memref<64xi32, #tpu.memory_space<vmem>>) semaphore(%arg13 : memref<!tpu.dma_semaphore, #tpu.memory_space<semaphore_mem>>)
      %dma_start3A_119 = arith.constant 64 : i32
      %dma_start3A_120 = arith.constant 0 : i32
      %dma_start3A_121 = tpu.memref_slice %arg10[%dma_start3A_119, %dma_start3A_120] : memref<128x128xf32, #tpu.memory_space<vmem>> -> memref<64x128xf32, #tpu.memory_space<vmem>>
      %dma_start3A_122 = arith.constant 64 : i32
      %dma_start3A_123 = tpu.memref_slice %arg7[%add3A_109, %dma_start3A_122] : memref<40x128xi32, #tpu.memory_space<vmem>> -> memref<1x64xi32, #tpu.memory_space<vmem>>
      %dma_start3A_124 = tpu.memref_squeeze %dma_start3A_123 : memref<1x64xi32, #tpu.memory_space<vmem>> -> memref<64xi32, #tpu.memory_space<vmem>>
      %dma_start3A_125 = arith.constant 0 : i32
      %dma_start3A_126 = arith.constant 0 : i32
      %dma_start3A_127 = tpu.memref_slice %arg2[%dma_start3A_125, %dma_start3A_126] : memref<10112x128xf32, #tpu.memory_space<hbm>> -> memref<10112x128xf32, #tpu.memory_space<hbm>>
      tpu.enqueue_indirect_dma source(%dma_start3A_127 : memref<10112x128xf32, #tpu.memory_space<hbm>>) target(%dma_start3A_121 : memref<64x128xf32, #tpu.memory_space<vmem>>) offsets(%dma_start3A_124 : memref<64xi32, #tpu.memory_space<vmem>>) semaphore(%arg13 : memref<!tpu.dma_semaphore, #tpu.memory_space<semaphore_mem>>)
      %mul3A_128 = arith.constant 2 : i32
      %mul3A_129 = arith.muli %mul3A_128, %scan3A_105 : i32
      %dma_wait3A_130 = arith.constant 0 : i32
      %dma_wait3A_131 = arith.constant 0 : i32
      %dma_wait3A_132 = tpu.memref_slice %arg9[%dma_wait3A_130, %dma_wait3A_131] : memref<128x128xf32, #tpu.memory_space<vmem>> -> memref<64x128xf32, #tpu.memory_space<vmem>>
      %dma_wait3A_133 = arith.constant 0 : i32
      %dma_wait3A_134 = tpu.memref_slice %arg7[%mul3A_129, %dma_wait3A_133] : memref<40x128xi32, #tpu.memory_space<vmem>> -> memref<1x64xi32, #tpu.memory_space<vmem>>
      %dma_wait3A_135 = tpu.memref_squeeze %dma_wait3A_134 : memref<1x64xi32, #tpu.memory_space<vmem>> -> memref<64xi32, #tpu.memory_space<vmem>>
      %dma_wait3A_136 = arith.constant 0 : i32
      %dma_wait3A_137 = arith.constant 0 : i32
      %dma_wait3A_138 = tpu.memref_slice %arg2[%dma_wait3A_136, %dma_wait3A_137] : memref<10112x128xf32, #tpu.memory_space<hbm>> -> memref<10112x128xf32, #tpu.memory_space<hbm>>
      tpu.wait_indirect_dma semaphore(%arg12 : memref<!tpu.dma_semaphore, #tpu.memory_space<semaphore_mem>>) src(%dma_wait3A_138 : memref<10112x128xf32, #tpu.memory_space<hbm>>) dst(%dma_wait3A_132 : memref<64x128xf32, #tpu.memory_space<vmem>>)
      %dma_wait3A_139 = arith.constant 64 : i32
      %dma_wait3A_140 = arith.constant 0 : i32
      %dma_wait3A_141 = tpu.memref_slice %arg9[%dma_wait3A_139, %dma_wait3A_140] : memref<128x128xf32, #tpu.memory_space<vmem>> -> memref<64x128xf32, #tpu.memory_space<vmem>>
      %dma_wait3A_142 = arith.constant 64 : i32
      %dma_wait3A_143 = tpu.memref_slice %arg7[%mul3A_129, %dma_wait3A_142] : memref<40x128xi32, #tpu.memory_space<vmem>> -> memref<1x64xi32, #tpu.memory_space<vmem>>
      %dma_wait3A_144 = tpu.memref_squeeze %dma_wait3A_143 : memref<1x64xi32, #tpu.memory_space<vmem>> -> memref<64xi32, #tpu.memory_space<vmem>>
      %dma_wait3A_145 = arith.constant 0 : i32
      %dma_wait3A_146 = arith.constant 0 : i32
      %dma_wait3A_147 = tpu.memref_slice %arg2[%dma_wait3A_145, %dma_wait3A_146] : memref<10112x128xf32, #tpu.memory_space<hbm>> -> memref<10112x128xf32, #tpu.memory_space<hbm>>
      tpu.wait_indirect_dma semaphore(%arg12 : memref<!tpu.dma_semaphore, #tpu.memory_space<semaphore_mem>>) src(%dma_wait3A_147 : memref<10112x128xf32, #tpu.memory_space<hbm>>) dst(%dma_wait3A_141 : memref<64x128xf32, #tpu.memory_space<vmem>>)
      %mul3A_148 = arith.constant 2 : i32
      %mul3A_149 = arith.muli %mul3A_148, %scan3A_105 : i32
      "tpu.region"() ({
        %run_scoped3A = tpu.sem_alloc : memref<!tpu.dma_semaphore, #tpu.memory_space<semaphore_mem>>
        %dma_start3A_199 = arith.constant 0 : i32
        %dma_start3A_200 = tpu.memref_slice %arg8[%mul3A_149, %dma_start3A_199] : memref<40x128xi32, #tpu.memory_space<vmem>> -> memref<1x128xi32, #tpu.memory_space<vmem>>
        %dma_start3A_201 = tpu.memref_squeeze %dma_start3A_200 : memref<1x128xi32, #tpu.memory_space<vmem>> -> memref<128xi32, #tpu.memory_space<vmem>>
        %dma_start3A_202 = arith.constant 0 : i32
        %dma_start3A_203 = arith.constant 0 : i32
        %dma_start3A_204 = tpu.memref_slice %arg11[%dma_start3A_202, %dma_start3A_203] : memref<10112x128xf32, #tpu.memory_space<vmem_shared>> -> memref<10112x128xf32, #tpu.memory_space<vmem_shared>>
        tpu.enqueue_indirect_dma source(%arg9 : memref<128x128xf32, #tpu.memory_space<vmem>>) target(%dma_start3A_204 : memref<10112x128xf32, #tpu.memory_space<vmem_shared>>) offsets(%dma_start3A_201 : memref<128xi32, #tpu.memory_space<vmem>>) semaphore(%run_scoped3A : memref<!tpu.dma_semaphore, #tpu.memory_space<semaphore_mem>>) {add = true}
        %dma_wait3A_205 = arith.constant 0 : i32
        %dma_wait3A_206 = tpu.memref_slice %arg8[%mul3A_149, %dma_wait3A_205] : memref<40x128xi32, #tpu.memory_space<vmem>> -> memref<1x128xi32, #tpu.memory_space<vmem>>
        %dma_wait3A_207 = tpu.memref_squeeze %dma_wait3A_206 : memref<1x128xi32, #tpu.memory_space<vmem>> -> memref<128xi32, #tpu.memory_space<vmem>>
        %dma_wait3A_208 = arith.constant 0 : i32
        %dma_wait3A_209 = arith.constant 0 : i32
        %dma_wait3A_210 = tpu.memref_slice %arg11[%dma_wait3A_208, %dma_wait3A_209] : memref<10112x128xf32, #tpu.memory_space<vmem_shared>> -> memref<10112x128xf32, #tpu.memory_space<vmem_shared>>
        tpu.wait_indirect_dma semaphore(%run_scoped3A : memref<!tpu.dma_semaphore, #tpu.memory_space<semaphore_mem>>) src(%arg9 : memref<128x128xf32, #tpu.memory_space<vmem>>) dst(%dma_wait3A_210 : memref<10112x128xf32, #tpu.memory_space<vmem_shared>>)
        tpu.yield
      }) : () -> ()
      %mul3A_150 = arith.constant 2 : i32
      %mul3A_151 = arith.muli %mul3A_150, %scan3A_105 : i32
      %add3A_152 = arith.constant 2 : i32
      %add3A_153 = arith.addi %mul3A_151, %add3A_152 : i32
      %min3A = arith.constant 39 : i32
      %min3A_154 = arith.minsi %add3A_153, %min3A : i32
      %dma_start3A_155 = arith.constant 0 : i32
      %dma_start3A_156 = arith.constant 0 : i32
      %dma_start3A_157 = tpu.memref_slice %arg9[%dma_start3A_155, %dma_start3A_156] : memref<128x128xf32, #tpu.memory_space<vmem>> -> memref<64x128xf32, #tpu.memory_space<vmem>>
      %dma_start3A_158 = arith.constant 0 : i32
      %dma_start3A_159 = tpu.memref_slice %arg7[%min3A_154, %dma_start3A_158] : memref<40x128xi32, #tpu.memory_space<vmem>> -> memref<1x64xi32, #tpu.memory_space<vmem>>
      %dma_start3A_160 = tpu.memref_squeeze %dma_start3A_159 : memref<1x64xi32, #tpu.memory_space<vmem>> -> memref<64xi32, #tpu.memory_space<vmem>>
      %dma_start3A_161 = arith.constant 0 : i32
      %dma_start3A_162 = arith.constant 0 : i32
      %dma_start3A_163 = tpu.memref_slice %arg2[%dma_start3A_161, %dma_start3A_162] : memref<10112x128xf32, #tpu.memory_space<hbm>> -> memref<10112x128xf32, #tpu.memory_space<hbm>>
      tpu.enqueue_indirect_dma source(%dma_start3A_163 : memref<10112x128xf32, #tpu.memory_space<hbm>>) target(%dma_start3A_157 : memref<64x128xf32, #tpu.memory_space<vmem>>) offsets(%dma_start3A_160 : memref<64xi32, #tpu.memory_space<vmem>>) semaphore(%arg12 : memref<!tpu.dma_semaphore, #tpu.memory_space<semaphore_mem>>)
      %dma_start3A_164 = arith.constant 64 : i32
      %dma_start3A_165 = arith.constant 0 : i32
      %dma_start3A_166 = tpu.memref_slice %arg9[%dma_start3A_164, %dma_start3A_165] : memref<128x128xf32, #tpu.memory_space<vmem>> -> memref<64x128xf32, #tpu.memory_space<vmem>>
      %dma_start3A_167 = arith.constant 64 : i32
      %dma_start3A_168 = tpu.memref_slice %arg7[%min3A_154, %dma_start3A_167] : memref<40x128xi32, #tpu.memory_space<vmem>> -> memref<1x64xi32, #tpu.memory_space<vmem>>
      %dma_start3A_169 = tpu.memref_squeeze %dma_start3A_168 : memref<1x64xi32, #tpu.memory_space<vmem>> -> memref<64xi32, #tpu.memory_space<vmem>>
      %dma_start3A_170 = arith.constant 0 : i32
      %dma_start3A_171 = arith.constant 0 : i32
      %dma_start3A_172 = tpu.memref_slice %arg2[%dma_start3A_170, %dma_start3A_171] : memref<10112x128xf32, #tpu.memory_space<hbm>> -> memref<10112x128xf32, #tpu.memory_space<hbm>>
      tpu.enqueue_indirect_dma source(%dma_start3A_172 : memref<10112x128xf32, #tpu.memory_space<hbm>>) target(%dma_start3A_166 : memref<64x128xf32, #tpu.memory_space<vmem>>) offsets(%dma_start3A_169 : memref<64xi32, #tpu.memory_space<vmem>>) semaphore(%arg12 : memref<!tpu.dma_semaphore, #tpu.memory_space<semaphore_mem>>)
      %mul3A_173 = arith.constant 2 : i32
      %mul3A_174 = arith.muli %mul3A_173, %scan3A_105 : i32
      %add3A_175 = arith.constant 1 : i32
      %add3A_176 = arith.addi %mul3A_174, %add3A_175 : i32
      %dma_wait3A_177 = arith.constant 0 : i32
      %dma_wait3A_178 = arith.constant 0 : i32
      %dma_wait3A_179 = tpu.memref_slice %arg10[%dma_wait3A_177, %dma_wait3A_178] : memref<128x128xf32, #tpu.memory_space<vmem>> -> memref<64x128xf32, #tpu.memory_space<vmem>>
      %dma_wait3A_180 = arith.constant 0 : i32
      %dma_wait3A_181 = tpu.memref_slice %arg7[%add3A_176, %dma_wait3A_180] : memref<40x128xi32, #tpu.memory_space<vmem>> -> memref<1x64xi32, #tpu.memory_space<vmem>>
      %dma_wait3A_182 = tpu.memref_squeeze %dma_wait3A_181 : memref<1x64xi32, #tpu.memory_space<vmem>> -> memref<64xi32, #tpu.memory_space<vmem>>
      %dma_wait3A_183 = arith.constant 0 : i32
      %dma_wait3A_184 = arith.constant 0 : i32
      %dma_wait3A_185 = tpu.memref_slice %arg2[%dma_wait3A_183, %dma_wait3A_184] : memref<10112x128xf32, #tpu.memory_space<hbm>> -> memref<10112x128xf32, #tpu.memory_space<hbm>>
      tpu.wait_indirect_dma semaphore(%arg13 : memref<!tpu.dma_semaphore, #tpu.memory_space<semaphore_mem>>) src(%dma_wait3A_185 : memref<10112x128xf32, #tpu.memory_space<hbm>>) dst(%dma_wait3A_179 : memref<64x128xf32, #tpu.memory_space<vmem>>)
      %dma_wait3A_186 = arith.constant 64 : i32
      %dma_wait3A_187 = arith.constant 0 : i32
      %dma_wait3A_188 = tpu.memref_slice %arg10[%dma_wait3A_186, %dma_wait3A_187] : memref<128x128xf32, #tpu.memory_space<vmem>> -> memref<64x128xf32, #tpu.memory_space<vmem>>
      %dma_wait3A_189 = arith.constant 64 : i32
      %dma_wait3A_190 = tpu.memref_slice %arg7[%add3A_176, %dma_wait3A_189] : memref<40x128xi32, #tpu.memory_space<vmem>> -> memref<1x64xi32, #tpu.memory_space<vmem>>
      %dma_wait3A_191 = tpu.memref_squeeze %dma_wait3A_190 : memref<1x64xi32, #tpu.memory_space<vmem>> -> memref<64xi32, #tpu.memory_space<vmem>>
      %dma_wait3A_192 = arith.constant 0 : i32
      %dma_wait3A_193 = arith.constant 0 : i32
      %dma_wait3A_194 = tpu.memref_slice %arg2[%dma_wait3A_192, %dma_wait3A_193] : memref<10112x128xf32, #tpu.memory_space<hbm>> -> memref<10112x128xf32, #tpu.memory_space<hbm>>
      tpu.wait_indirect_dma semaphore(%arg13 : memref<!tpu.dma_semaphore, #tpu.memory_space<semaphore_mem>>) src(%dma_wait3A_194 : memref<10112x128xf32, #tpu.memory_space<hbm>>) dst(%dma_wait3A_188 : memref<64x128xf32, #tpu.memory_space<vmem>>)
      %mul3A_195 = arith.constant 2 : i32
      %mul3A_196 = arith.muli %mul3A_195, %scan3A_105 : i32
      %add3A_197 = arith.constant 1 : i32
      %add3A_198 = arith.addi %mul3A_196, %add3A_197 : i32
      "tpu.region"() ({
        %run_scoped3A = tpu.sem_alloc : memref<!tpu.dma_semaphore, #tpu.memory_space<semaphore_mem>>
        %dma_start3A_199 = arith.constant 0 : i32
        %dma_start3A_200 = tpu.memref_slice %arg8[%add3A_198, %dma_start3A_199] : memref<40x128xi32, #tpu.memory_space<vmem>> -> memref<1x128xi32, #tpu.memory_space<vmem>>
        %dma_start3A_201 = tpu.memref_squeeze %dma_start3A_200 : memref<1x128xi32, #tpu.memory_space<vmem>> -> memref<128xi32, #tpu.memory_space<vmem>>
        %dma_start3A_202 = arith.constant 0 : i32
        %dma_start3A_203 = arith.constant 0 : i32
        %dma_start3A_204 = tpu.memref_slice %arg11[%dma_start3A_202, %dma_start3A_203] : memref<10112x128xf32, #tpu.memory_space<vmem_shared>> -> memref<10112x128xf32, #tpu.memory_space<vmem_shared>>
        tpu.enqueue_indirect_dma source(%arg10 : memref<128x128xf32, #tpu.memory_space<vmem>>) target(%dma_start3A_204 : memref<10112x128xf32, #tpu.memory_space<vmem_shared>>) offsets(%dma_start3A_201 : memref<128xi32, #tpu.memory_space<vmem>>) semaphore(%run_scoped3A : memref<!tpu.dma_semaphore, #tpu.memory_space<semaphore_mem>>) {add = true}
        %dma_wait3A_205 = arith.constant 0 : i32
        %dma_wait3A_206 = tpu.memref_slice %arg8[%add3A_198, %dma_wait3A_205] : memref<40x128xi32, #tpu.memory_space<vmem>> -> memref<1x128xi32, #tpu.memory_space<vmem>>
        %dma_wait3A_207 = tpu.memref_squeeze %dma_wait3A_206 : memref<1x128xi32, #tpu.memory_space<vmem>> -> memref<128xi32, #tpu.memory_space<vmem>>
        %dma_wait3A_208 = arith.constant 0 : i32
        %dma_wait3A_209 = arith.constant 0 : i32
        %dma_wait3A_210 = tpu.memref_slice %arg11[%dma_wait3A_208, %dma_wait3A_209] : memref<10112x128xf32, #tpu.memory_space<vmem_shared>> -> memref<10112x128xf32, #tpu.memory_space<vmem_shared>>
        tpu.wait_indirect_dma semaphore(%run_scoped3A : memref<!tpu.dma_semaphore, #tpu.memory_space<semaphore_mem>>) src(%arg10 : memref<128x128xf32, #tpu.memory_space<vmem>>) dst(%dma_wait3A_210 : memref<10112x128xf32, #tpu.memory_space<vmem_shared>>)
        tpu.yield
      }) : () -> ()
    }
    %scan3A_81 = arith.constant 20 : i32
    %dma_wait3A_82 = arith.constant 39 : i32
    %dma_wait3A_83 = arith.constant 0 : i32
    %dma_wait3A_84 = arith.constant 0 : i32
    %dma_wait3A_85 = tpu.memref_slice %arg9[%dma_wait3A_83, %dma_wait3A_84] : memref<128x128xf32, #tpu.memory_space<vmem>> -> memref<64x128xf32, #tpu.memory_space<vmem>>
    %dma_wait3A_86 = arith.constant 0 : i32
    %dma_wait3A_87 = tpu.memref_slice %arg7[%dma_wait3A_82, %dma_wait3A_86] : memref<40x128xi32, #tpu.memory_space<vmem>> -> memref<1x64xi32, #tpu.memory_space<vmem>>
    %dma_wait3A_88 = tpu.memref_squeeze %dma_wait3A_87 : memref<1x64xi32, #tpu.memory_space<vmem>> -> memref<64xi32, #tpu.memory_space<vmem>>
    %dma_wait3A_89 = arith.constant 0 : i32
    %dma_wait3A_90 = arith.constant 0 : i32
    %dma_wait3A_91 = tpu.memref_slice %arg2[%dma_wait3A_89, %dma_wait3A_90] : memref<10112x128xf32, #tpu.memory_space<hbm>> -> memref<10112x128xf32, #tpu.memory_space<hbm>>
    tpu.wait_indirect_dma semaphore(%arg12 : memref<!tpu.dma_semaphore, #tpu.memory_space<semaphore_mem>>) src(%dma_wait3A_91 : memref<10112x128xf32, #tpu.memory_space<hbm>>) dst(%dma_wait3A_85 : memref<64x128xf32, #tpu.memory_space<vmem>>)
    %dma_wait3A_92 = arith.constant 39 : i32
    %dma_wait3A_93 = arith.constant 64 : i32
    %dma_wait3A_94 = arith.constant 0 : i32
    %dma_wait3A_95 = tpu.memref_slice %arg9[%dma_wait3A_93, %dma_wait3A_94] : memref<128x128xf32, #tpu.memory_space<vmem>> -> memref<64x128xf32, #tpu.memory_space<vmem>>
    %dma_wait3A_96 = arith.constant 64 : i32
    %dma_wait3A_97 = tpu.memref_slice %arg7[%dma_wait3A_92, %dma_wait3A_96] : memref<40x128xi32, #tpu.memory_space<vmem>> -> memref<1x64xi32, #tpu.memory_space<vmem>>
    %dma_wait3A_98 = tpu.memref_squeeze %dma_wait3A_97 : memref<1x64xi32, #tpu.memory_space<vmem>> -> memref<64xi32, #tpu.memory_space<vmem>>
    %dma_wait3A_99 = arith.constant 0 : i32
    %dma_wait3A_100 = arith.constant 0 : i32
    %dma_wait3A_101 = tpu.memref_slice %arg2[%dma_wait3A_99, %dma_wait3A_100] : memref<10112x128xf32, #tpu.memory_space<hbm>> -> memref<10112x128xf32, #tpu.memory_space<hbm>>
    tpu.wait_indirect_dma semaphore(%arg12 : memref<!tpu.dma_semaphore, #tpu.memory_space<semaphore_mem>>) src(%dma_wait3A_101 : memref<10112x128xf32, #tpu.memory_space<hbm>>) dst(%dma_wait3A_95 : memref<64x128xf32, #tpu.memory_space<vmem>>)
    %barrier3A_102 = arith.constant 0 : index
    tpu.barrier barrier_id(%barrier3A_102)
    %mul3A_103 = arith.constant 632 : i32
    %mul3A_104 = arith.muli %arg1, %mul3A_103 : i32
    "tpu.region"() ({
      %run_scoped3A = tpu.sem_alloc : memref<!tpu.dma_semaphore, #tpu.memory_space<semaphore_mem>>
      %dma_start3A_105 = arith.constant 0 : i32
      %dma_start3A_106 = arith.constant 0 : i32
      %dma_start3A_107 = tpu.memref_slice %arg6[%arg0, %arg1, %dma_start3A_105, %dma_start3A_106] : memref<2x16x632x128xf32, #tpu.memory_space<hbm>> -> memref<1x1x632x128xf32, #tpu.memory_space<hbm>>
      %dma_start3A_108 = tpu.memref_squeeze %dma_start3A_107 : memref<1x1x632x128xf32, #tpu.memory_space<hbm>> -> memref<632x128xf32, #tpu.memory_space<hbm>>
      %dma_start3A_109 = arith.constant 0 : i32
      %dma_start3A_110 = tpu.memref_slice %arg11[%mul3A_104, %dma_start3A_109] : memref<10112x128xf32, #tpu.memory_space<vmem_shared>> -> memref<632x128xf32, #tpu.memory_space<vmem_shared>>
      tpu.enqueue_dma source(%dma_start3A_110 : memref<632x128xf32, #tpu.memory_space<vmem_shared>>) target(%dma_start3A_108 : memref<632x128xf32, #tpu.memory_space<hbm>>) target_semaphore(%run_scoped3A : memref<!tpu.dma_semaphore, #tpu.memory_space<semaphore_mem>>)
      %dma_wait3A_111 = arith.constant 0 : i32
      %dma_wait3A_112 = arith.constant 0 : i32
      %dma_wait3A_113 = tpu.memref_slice %arg6[%arg0, %arg1, %dma_wait3A_111, %dma_wait3A_112] : memref<2x16x632x128xf32, #tpu.memory_space<hbm>> -> memref<1x1x632x128xf32, #tpu.memory_space<hbm>>
      %dma_wait3A_114 = tpu.memref_squeeze %dma_wait3A_113 : memref<1x1x632x128xf32, #tpu.memory_space<hbm>> -> memref<632x128xf32, #tpu.memory_space<hbm>>
      %dma_wait3A_115 = arith.constant 0 : i32
      %dma_wait3A_116 = tpu.memref_slice %arg11[%mul3A_104, %dma_wait3A_115] : memref<10112x128xf32, #tpu.memory_space<vmem_shared>> -> memref<632x128xf32, #tpu.memory_space<vmem_shared>>
      tpu.wait_dma2 semaphore(%run_scoped3A : memref<!tpu.dma_semaphore, #tpu.memory_space<semaphore_mem>>) src(%dma_wait3A_116 : memref<632x128xf32, #tpu.memory_space<vmem_shared>>) dst(%dma_wait3A_114 : memref<632x128xf32, #tpu.memory_space<hbm>>)
      tpu.yield
    }) : () -> ()
    return
  }
}

#map = affine_map<(d0, d1) -> (0, 0)>
#map1 = affine_map<(d0, d1) -> (0, 0, 0, 0)>
module attributes {stable_mosaic.version = 14 : i64} {
  func.func @_sc_scatter(%arg0: i32, %arg1: i32, %arg2: memref<10112x128xf32, #tpu.memory_space<hbm>>, %arg3: memref<2560x128xi32, #tpu.memory_space<hbm>>, %arg4: memref<2560x128xi32, #tpu.memory_space<hbm>>, %arg5: memref<632x128xf32, #tpu.memory_space<hbm>>, %arg6: memref<2x16x632x128xf32, #tpu.memory_space<hbm>>, %arg7: memref<40x128xi32, #tpu.memory_space<vmem>>, %arg8: memref<40x128xi32, #tpu.memory_space<vmem>>, %arg9: memref<128x128xf32, #tpu.memory_space<vmem>>, %arg10: memref<128x128xf32, #tpu.memory_space<vmem>>, %arg11: memref<10112x128xf32, #tpu.memory_space<vmem_shared>>, %arg12: memref<!tpu.dma_semaphore, #tpu.memory_space<semaphore_mem>>, %arg13: memref<!tpu.dma_semaphore, #tpu.memory_space<semaphore_mem>>) attributes {dimension_semantics = [#tpu.dimension_semantics<core_parallel>, #tpu.dimension_semantics<subcore_parallel>], iteration_bounds = array<i64: 2, 16>, scalar_prefetch = 0 : i64, scratch_operands = 7 : i64, tpu.core_type = #tpu.core_type<sc_vector_subcore>, window_params = [{transform_indices = #map}, {transform_indices = #map}, {transform_indices = #map}, {transform_indices = #map}, {transform_indices = #map1}]} {
    %mul3A = arith.constant 632 : i32
    %mul3A_0 = arith.muli %arg1, %mul3A : i32
    "tpu.region"() ({
      %run_scoped3A = tpu.sem_alloc : memref<!tpu.dma_semaphore, #tpu.memory_space<semaphore_mem>>
      %dma_start3A_105 = arith.constant 0 : i32
      %dma_start3A_106 = tpu.memref_slice %arg11[%mul3A_0, %dma_start3A_105] : memref<10112x128xf32, #tpu.memory_space<vmem_shared>> -> memref<632x128xf32, #tpu.memory_space<vmem_shared>>
      tpu.enqueue_dma source(%arg5 : memref<632x128xf32, #tpu.memory_space<hbm>>) target(%dma_start3A_106 : memref<632x128xf32, #tpu.memory_space<vmem_shared>>) target_semaphore(%run_scoped3A : memref<!tpu.dma_semaphore, #tpu.memory_space<semaphore_mem>>)
      %dma_wait3A_107 = arith.constant 0 : i32
      %dma_wait3A_108 = tpu.memref_slice %arg11[%mul3A_0, %dma_wait3A_107] : memref<10112x128xf32, #tpu.memory_space<vmem_shared>> -> memref<632x128xf32, #tpu.memory_space<vmem_shared>>
      tpu.wait_dma2 semaphore(%run_scoped3A : memref<!tpu.dma_semaphore, #tpu.memory_space<semaphore_mem>>) src(%arg5 : memref<632x128xf32, #tpu.memory_space<hbm>>) dst(%dma_wait3A_108 : memref<632x128xf32, #tpu.memory_space<vmem_shared>>)
      tpu.yield
    }) : () -> ()
    %mul3A_1 = arith.constant 1280 : i32
    %mul3A_2 = arith.muli %arg0, %mul3A_1 : i32
    %mul3A_3 = arith.constant 80 : i32
    %mul3A_4 = arith.muli %arg1, %mul3A_3 : i32
    %add3A = arith.addi %mul3A_2, %mul3A_4 : i32
    %barrier3A = arith.constant 0 : index
    tpu.barrier barrier_id(%barrier3A)
    %add3A_5 = arith.constant 0 : i32
    %add3A_6 = arith.addi %add3A, %add3A_5 : i32
    "tpu.region"() ({
      %run_scoped3A = tpu.sem_alloc : memref<!tpu.dma_semaphore, #tpu.memory_space<semaphore_mem>>
      %dma_start3A_105 = arith.constant 0 : i32
      %dma_start3A_106 = tpu.memref_slice %arg3[%add3A_6, %dma_start3A_105] : memref<2560x128xi32, #tpu.memory_space<hbm>> -> memref<40x128xi32, #tpu.memory_space<hbm>>
      %dma_start3A_107 = arith.constant 0 : i32
      %dma_start3A_108 = tpu.memref_slice %arg3[%add3A_6, %dma_start3A_107] : memref<2560x128xi32, #tpu.memory_space<hbm>> -> memref<40x128xi32, #tpu.memory_space<hbm>>
      tpu.enqueue_dma source(%dma_start3A_108 : memref<40x128xi32, #tpu.memory_space<hbm>>) target(%arg7 : memref<40x128xi32, #tpu.memory_space<vmem>>) target_semaphore(%run_scoped3A : memref<!tpu.dma_semaphore, #tpu.memory_space<semaphore_mem>>)
      %dma_wait3A_109 = arith.constant 0 : i32
      %dma_wait3A_110 = tpu.memref_slice %arg3[%add3A_6, %dma_wait3A_109] : memref<2560x128xi32, #tpu.memory_space<hbm>> -> memref<40x128xi32, #tpu.memory_space<hbm>>
      %dma_wait3A_111 = arith.constant 0 : i32
      %dma_wait3A_112 = tpu.memref_slice %arg3[%add3A_6, %dma_wait3A_111] : memref<2560x128xi32, #tpu.memory_space<hbm>> -> memref<40x128xi32, #tpu.memory_space<hbm>>
      tpu.wait_dma2 semaphore(%run_scoped3A : memref<!tpu.dma_semaphore, #tpu.memory_space<semaphore_mem>>) src(%dma_wait3A_112 : memref<40x128xi32, #tpu.memory_space<hbm>>) dst(%arg7 : memref<40x128xi32, #tpu.memory_space<vmem>>)
      tpu.yield
    }) : () -> ()
    %add3A_7 = arith.constant 0 : i32
    %add3A_8 = arith.addi %add3A, %add3A_7 : i32
    "tpu.region"() ({
      %run_scoped3A = tpu.sem_alloc : memref<!tpu.dma_semaphore, #tpu.memory_space<semaphore_mem>>
      %dma_start3A_105 = arith.constant 0 : i32
      %dma_start3A_106 = tpu.memref_slice %arg4[%add3A_8, %dma_start3A_105] : memref<2560x128xi32, #tpu.memory_space<hbm>> -> memref<40x128xi32, #tpu.memory_space<hbm>>
      %dma_start3A_107 = arith.constant 0 : i32
      %dma_start3A_108 = tpu.memref_slice %arg4[%add3A_8, %dma_start3A_107] : memref<2560x128xi32, #tpu.memory_space<hbm>> -> memref<40x128xi32, #tpu.memory_space<hbm>>
      tpu.enqueue_dma source(%dma_start3A_108 : memref<40x128xi32, #tpu.memory_space<hbm>>) target(%arg8 : memref<40x128xi32, #tpu.memory_space<vmem>>) target_semaphore(%run_scoped3A : memref<!tpu.dma_semaphore, #tpu.memory_space<semaphore_mem>>)
      %dma_wait3A_109 = arith.constant 0 : i32
      %dma_wait3A_110 = tpu.memref_slice %arg4[%add3A_8, %dma_wait3A_109] : memref<2560x128xi32, #tpu.memory_space<hbm>> -> memref<40x128xi32, #tpu.memory_space<hbm>>
      %dma_wait3A_111 = arith.constant 0 : i32
      %dma_wait3A_112 = tpu.memref_slice %arg4[%add3A_8, %dma_wait3A_111] : memref<2560x128xi32, #tpu.memory_space<hbm>> -> memref<40x128xi32, #tpu.memory_space<hbm>>
      tpu.wait_dma2 semaphore(%run_scoped3A : memref<!tpu.dma_semaphore, #tpu.memory_space<semaphore_mem>>) src(%dma_wait3A_112 : memref<40x128xi32, #tpu.memory_space<hbm>>) dst(%arg8 : memref<40x128xi32, #tpu.memory_space<vmem>>)
      tpu.yield
    }) : () -> ()
    %dma_start3A = arith.constant 0 : i32
    %dma_start3A_9 = arith.constant 0 : i32
    %dma_start3A_10 = arith.constant 0 : i32
    %dma_start3A_11 = tpu.memref_slice %arg9[%dma_start3A_9, %dma_start3A_10] : memref<128x128xf32, #tpu.memory_space<vmem>> -> memref<64x128xf32, #tpu.memory_space<vmem>>
    %dma_start3A_12 = arith.constant 0 : i32
    %dma_start3A_13 = tpu.memref_slice %arg7[%dma_start3A, %dma_start3A_12] : memref<40x128xi32, #tpu.memory_space<vmem>> -> memref<1x64xi32, #tpu.memory_space<vmem>>
    %dma_start3A_14 = tpu.memref_squeeze %dma_start3A_13 : memref<1x64xi32, #tpu.memory_space<vmem>> -> memref<64xi32, #tpu.memory_space<vmem>>
    %dma_start3A_15 = arith.constant 0 : i32
    %dma_start3A_16 = arith.constant 0 : i32
    %dma_start3A_17 = tpu.memref_slice %arg2[%dma_start3A_15, %dma_start3A_16] : memref<10112x128xf32, #tpu.memory_space<hbm>> -> memref<10112x128xf32, #tpu.memory_space<hbm>>
    tpu.enqueue_indirect_dma source(%dma_start3A_17 : memref<10112x128xf32, #tpu.memory_space<hbm>>) target(%dma_start3A_11 : memref<64x128xf32, #tpu.memory_space<vmem>>) offsets(%dma_start3A_14 : memref<64xi32, #tpu.memory_space<vmem>>) semaphore(%arg12 : memref<!tpu.dma_semaphore, #tpu.memory_space<semaphore_mem>>)
    %dma_start3A_18 = arith.constant 0 : i32
    %dma_start3A_19 = arith.constant 64 : i32
    %dma_start3A_20 = arith.constant 0 : i32
    %dma_start3A_21 = tpu.memref_slice %arg9[%dma_start3A_19, %dma_start3A_20] : memref<128x128xf32, #tpu.memory_space<vmem>> -> memref<64x128xf32, #tpu.memory_space<vmem>>
    %dma_start3A_22 = arith.constant 64 : i32
    %dma_start3A_23 = tpu.memref_slice %arg7[%dma_start3A_18, %dma_start3A_22] : memref<40x128xi32, #tpu.memory_space<vmem>> -> memref<1x64xi32, #tpu.memory_space<vmem>>
    %dma_start3A_24 = tpu.memref_squeeze %dma_start3A_23 : memref<1x64xi32, #tpu.memory_space<vmem>> -> memref<64xi32, #tpu.memory_space<vmem>>
    %dma_start3A_25 = arith.constant 0 : i32
    %dma_start3A_26 = arith.constant 0 : i32
    %dma_start3A_27 = tpu.memref_slice %arg2[%dma_start3A_25, %dma_start3A_26] : memref<10112x128xf32, #tpu.memory_space<hbm>> -> memref<10112x128xf32, #tpu.memory_space<hbm>>
    tpu.enqueue_indirect_dma source(%dma_start3A_27 : memref<10112x128xf32, #tpu.memory_space<hbm>>) target(%dma_start3A_21 : memref<64x128xf32, #tpu.memory_space<vmem>>) offsets(%dma_start3A_24 : memref<64xi32, #tpu.memory_space<vmem>>) semaphore(%arg12 : memref<!tpu.dma_semaphore, #tpu.memory_space<semaphore_mem>>)
    %scan3A = arith.constant 0 : i32
    %scan3A_28 = arith.constant 0 : i32
    %scan3A_29 = arith.constant 20 : i32
    %scan3A_30 = arith.addi %scan3A_28, %scan3A_29 : i32
    %scan3A_31 = arith.constant 1 : i32
    scf.for %scan3A_105 = %scan3A_28 to %scan3A_30 step %scan3A_31  : i32 {
      %mul3A_106 = arith.constant 2 : i32
      %mul3A_107 = arith.muli %mul3A_106, %scan3A_105 : i32
      %add3A_108 = arith.constant 1 : i32
      %add3A_109 = arith.addi %mul3A_107, %add3A_108 : i32
      %dma_start3A_110 = arith.constant 0 : i32
      %dma_start3A_111 = arith.constant 0 : i32
      %dma_start3A_112 = tpu.memref_slice %arg10[%dma_start3A_110, %dma_start3A_111] : memref<128x128xf32, #tpu.memory_space<vmem>> -> memref<64x128xf32, #tpu.memory_space<vmem>>
      %dma_start3A_113 = arith.constant 0 : i32
      %dma_start3A_114 = tpu.memref_slice %arg7[%add3A_109, %dma_start3A_113] : memref<40x128xi32, #tpu.memory_space<vmem>> -> memref<1x64xi32, #tpu.memory_space<vmem>>
      %dma_start3A_115 = tpu.memref_squeeze %dma_start3A_114 : memref<1x64xi32, #tpu.memory_space<vmem>> -> memref<64xi32, #tpu.memory_space<vmem>>
      %dma_start3A_116 = arith.constant 0 : i32
      %dma_start3A_117 = arith.constant 0 : i32
      %dma_start3A_118 = tpu.memref_slice %arg2[%dma_start3A_116, %dma_start3A_117] : memref<10112x128xf32, #tpu.memory_space<hbm>> -> memref<10112x128xf32, #tpu.memory_space<hbm>>
      tpu.enqueue_indirect_dma source(%dma_start3A_118 : memref<10112x128xf32, #tpu.memory_space<hbm>>) target(%dma_start3A_112 : memref<64x128xf32, #tpu.memory_space<vmem>>) offsets(%dma_start3A_115 : memref<64xi32, #tpu.memory_space<vmem>>) semaphore(%arg13 : memref<!tpu.dma_semaphore, #tpu.memory_space<semaphore_mem>>)
      %dma_start3A_119 = arith.constant 64 : i32
      %dma_start3A_120 = arith.constant 0 : i32
      %dma_start3A_121 = tpu.memref_slice %arg10[%dma_start3A_119, %dma_start3A_120] : memref<128x128xf32, #tpu.memory_space<vmem>> -> memref<64x128xf32, #tpu.memory_space<vmem>>
      %dma_start3A_122 = arith.constant 64 : i32
      %dma_start3A_123 = tpu.memref_slice %arg7[%add3A_109, %dma_start3A_122] : memref<40x128xi32, #tpu.memory_space<vmem>> -> memref<1x64xi32, #tpu.memory_space<vmem>>
      %dma_start3A_124 = tpu.memref_squeeze %dma_start3A_123 : memref<1x64xi32, #tpu.memory_space<vmem>> -> memref<64xi32, #tpu.memory_space<vmem>>
      %dma_start3A_125 = arith.constant 0 : i32
      %dma_start3A_126 = arith.constant 0 : i32
      %dma_start3A_127 = tpu.memref_slice %arg2[%dma_start3A_125, %dma_start3A_126] : memref<10112x128xf32, #tpu.memory_space<hbm>> -> memref<10112x128xf32, #tpu.memory_space<hbm>>
      tpu.enqueue_indirect_dma source(%dma_start3A_127 : memref<10112x128xf32, #tpu.memory_space<hbm>>) target(%dma_start3A_121 : memref<64x128xf32, #tpu.memory_space<vmem>>) offsets(%dma_start3A_124 : memref<64xi32, #tpu.memory_space<vmem>>) semaphore(%arg13 : memref<!tpu.dma_semaphore, #tpu.memory_space<semaphore_mem>>)
      %mul3A_128 = arith.constant 2 : i32
      %mul3A_129 = arith.muli %mul3A_128, %scan3A_105 : i32
      %dma_wait3A_130 = arith.constant 0 : i32
      %dma_wait3A_131 = arith.constant 0 : i32
      %dma_wait3A_132 = tpu.memref_slice %arg9[%dma_wait3A_130, %dma_wait3A_131] : memref<128x128xf32, #tpu.memory_space<vmem>> -> memref<64x128xf32, #tpu.memory_space<vmem>>
      %dma_wait3A_133 = arith.constant 0 : i32
      %dma_wait3A_134 = tpu.memref_slice %arg7[%mul3A_129, %dma_wait3A_133] : memref<40x128xi32, #tpu.memory_space<vmem>> -> memref<1x64xi32, #tpu.memory_space<vmem>>
      %dma_wait3A_135 = tpu.memref_squeeze %dma_wait3A_134 : memref<1x64xi32, #tpu.memory_space<vmem>> -> memref<64xi32, #tpu.memory_space<vmem>>
      %dma_wait3A_136 = arith.constant 0 : i32
      %dma_wait3A_137 = arith.constant 0 : i32
      %dma_wait3A_138 = tpu.memref_slice %arg2[%dma_wait3A_136, %dma_wait3A_137] : memref<10112x128xf32, #tpu.memory_space<hbm>> -> memref<10112x128xf32, #tpu.memory_space<hbm>>
      tpu.wait_indirect_dma semaphore(%arg12 : memref<!tpu.dma_semaphore, #tpu.memory_space<semaphore_mem>>) src(%dma_wait3A_138 : memref<10112x128xf32, #tpu.memory_space<hbm>>) dst(%dma_wait3A_132 : memref<64x128xf32, #tpu.memory_space<vmem>>)
      %dma_wait3A_139 = arith.constant 64 : i32
      %dma_wait3A_140 = arith.constant 0 : i32
      %dma_wait3A_141 = tpu.memref_slice %arg9[%dma_wait3A_139, %dma_wait3A_140] : memref<128x128xf32, #tpu.memory_space<vmem>> -> memref<64x128xf32, #tpu.memory_space<vmem>>
      %dma_wait3A_142 = arith.constant 64 : i32
      %dma_wait3A_143 = tpu.memref_slice %arg7[%mul3A_129, %dma_wait3A_142] : memref<40x128xi32, #tpu.memory_space<vmem>> -> memref<1x64xi32, #tpu.memory_space<vmem>>
      %dma_wait3A_144 = tpu.memref_squeeze %dma_wait3A_143 : memref<1x64xi32, #tpu.memory_space<vmem>> -> memref<64xi32, #tpu.memory_space<vmem>>
      %dma_wait3A_145 = arith.constant 0 : i32
      %dma_wait3A_146 = arith.constant 0 : i32
      %dma_wait3A_147 = tpu.memref_slice %arg2[%dma_wait3A_145, %dma_wait3A_146] : memref<10112x128xf32, #tpu.memory_space<hbm>> -> memref<10112x128xf32, #tpu.memory_space<hbm>>
      tpu.wait_indirect_dma semaphore(%arg12 : memref<!tpu.dma_semaphore, #tpu.memory_space<semaphore_mem>>) src(%dma_wait3A_147 : memref<10112x128xf32, #tpu.memory_space<hbm>>) dst(%dma_wait3A_141 : memref<64x128xf32, #tpu.memory_space<vmem>>)
      %mul3A_148 = arith.constant 2 : i32
      %mul3A_149 = arith.muli %mul3A_148, %scan3A_105 : i32
      "tpu.region"() ({
        %run_scoped3A = tpu.sem_alloc : memref<!tpu.dma_semaphore, #tpu.memory_space<semaphore_mem>>
        %dma_start3A_199 = arith.constant 0 : i32
        %dma_start3A_200 = tpu.memref_slice %arg8[%mul3A_149, %dma_start3A_199] : memref<40x128xi32, #tpu.memory_space<vmem>> -> memref<1x128xi32, #tpu.memory_space<vmem>>
        %dma_start3A_201 = tpu.memref_squeeze %dma_start3A_200 : memref<1x128xi32, #tpu.memory_space<vmem>> -> memref<128xi32, #tpu.memory_space<vmem>>
        %dma_start3A_202 = arith.constant 0 : i32
        %dma_start3A_203 = arith.constant 0 : i32
        %dma_start3A_204 = tpu.memref_slice %arg11[%dma_start3A_202, %dma_start3A_203] : memref<10112x128xf32, #tpu.memory_space<vmem_shared>> -> memref<10112x128xf32, #tpu.memory_space<vmem_shared>>
        tpu.enqueue_indirect_dma source(%arg9 : memref<128x128xf32, #tpu.memory_space<vmem>>) target(%dma_start3A_204 : memref<10112x128xf32, #tpu.memory_space<vmem_shared>>) offsets(%dma_start3A_201 : memref<128xi32, #tpu.memory_space<vmem>>) semaphore(%run_scoped3A : memref<!tpu.dma_semaphore, #tpu.memory_space<semaphore_mem>>) {add = true}
        %dma_wait3A_205 = arith.constant 0 : i32
        %dma_wait3A_206 = tpu.memref_slice %arg8[%mul3A_149, %dma_wait3A_205] : memref<40x128xi32, #tpu.memory_space<vmem>> -> memref<1x128xi32, #tpu.memory_space<vmem>>
        %dma_wait3A_207 = tpu.memref_squeeze %dma_wait3A_206 : memref<1x128xi32, #tpu.memory_space<vmem>> -> memref<128xi32, #tpu.memory_space<vmem>>
        %dma_wait3A_208 = arith.constant 0 : i32
        %dma_wait3A_209 = arith.constant 0 : i32
        %dma_wait3A_210 = tpu.memref_slice %arg11[%dma_wait3A_208, %dma_wait3A_209] : memref<10112x128xf32, #tpu.memory_space<vmem_shared>> -> memref<10112x128xf32, #tpu.memory_space<vmem_shared>>
        tpu.wait_indirect_dma semaphore(%run_scoped3A : memref<!tpu.dma_semaphore, #tpu.memory_space<semaphore_mem>>) src(%arg9 : memref<128x128xf32, #tpu.memory_space<vmem>>) dst(%dma_wait3A_210 : memref<10112x128xf32, #tpu.memory_space<vmem_shared>>)
        tpu.yield
      }) : () -> ()
      %mul3A_150 = arith.constant 2 : i32
      %mul3A_151 = arith.muli %mul3A_150, %scan3A_105 : i32
      %add3A_152 = arith.constant 2 : i32
      %add3A_153 = arith.addi %mul3A_151, %add3A_152 : i32
      %min3A = arith.constant 39 : i32
      %min3A_154 = arith.minsi %add3A_153, %min3A : i32
      %dma_start3A_155 = arith.constant 0 : i32
      %dma_start3A_156 = arith.constant 0 : i32
      %dma_start3A_157 = tpu.memref_slice %arg9[%dma_start3A_155, %dma_start3A_156] : memref<128x128xf32, #tpu.memory_space<vmem>> -> memref<64x128xf32, #tpu.memory_space<vmem>>
      %dma_start3A_158 = arith.constant 0 : i32
      %dma_start3A_159 = tpu.memref_slice %arg7[%min3A_154, %dma_start3A_158] : memref<40x128xi32, #tpu.memory_space<vmem>> -> memref<1x64xi32, #tpu.memory_space<vmem>>
      %dma_start3A_160 = tpu.memref_squeeze %dma_start3A_159 : memref<1x64xi32, #tpu.memory_space<vmem>> -> memref<64xi32, #tpu.memory_space<vmem>>
      %dma_start3A_161 = arith.constant 0 : i32
      %dma_start3A_162 = arith.constant 0 : i32
      %dma_start3A_163 = tpu.memref_slice %arg2[%dma_start3A_161, %dma_start3A_162] : memref<10112x128xf32, #tpu.memory_space<hbm>> -> memref<10112x128xf32, #tpu.memory_space<hbm>>
      tpu.enqueue_indirect_dma source(%dma_start3A_163 : memref<10112x128xf32, #tpu.memory_space<hbm>>) target(%dma_start3A_157 : memref<64x128xf32, #tpu.memory_space<vmem>>) offsets(%dma_start3A_160 : memref<64xi32, #tpu.memory_space<vmem>>) semaphore(%arg12 : memref<!tpu.dma_semaphore, #tpu.memory_space<semaphore_mem>>)
      %dma_start3A_164 = arith.constant 64 : i32
      %dma_start3A_165 = arith.constant 0 : i32
      %dma_start3A_166 = tpu.memref_slice %arg9[%dma_start3A_164, %dma_start3A_165] : memref<128x128xf32, #tpu.memory_space<vmem>> -> memref<64x128xf32, #tpu.memory_space<vmem>>
      %dma_start3A_167 = arith.constant 64 : i32
      %dma_start3A_168 = tpu.memref_slice %arg7[%min3A_154, %dma_start3A_167] : memref<40x128xi32, #tpu.memory_space<vmem>> -> memref<1x64xi32, #tpu.memory_space<vmem>>
      %dma_start3A_169 = tpu.memref_squeeze %dma_start3A_168 : memref<1x64xi32, #tpu.memory_space<vmem>> -> memref<64xi32, #tpu.memory_space<vmem>>
      %dma_start3A_170 = arith.constant 0 : i32
      %dma_start3A_171 = arith.constant 0 : i32
      %dma_start3A_172 = tpu.memref_slice %arg2[%dma_start3A_170, %dma_start3A_171] : memref<10112x128xf32, #tpu.memory_space<hbm>> -> memref<10112x128xf32, #tpu.memory_space<hbm>>
      tpu.enqueue_indirect_dma source(%dma_start3A_172 : memref<10112x128xf32, #tpu.memory_space<hbm>>) target(%dma_start3A_166 : memref<64x128xf32, #tpu.memory_space<vmem>>) offsets(%dma_start3A_169 : memref<64xi32, #tpu.memory_space<vmem>>) semaphore(%arg12 : memref<!tpu.dma_semaphore, #tpu.memory_space<semaphore_mem>>)
      %mul3A_173 = arith.constant 2 : i32
      %mul3A_174 = arith.muli %mul3A_173, %scan3A_105 : i32
      %add3A_175 = arith.constant 1 : i32
      %add3A_176 = arith.addi %mul3A_174, %add3A_175 : i32
      %dma_wait3A_177 = arith.constant 0 : i32
      %dma_wait3A_178 = arith.constant 0 : i32
      %dma_wait3A_179 = tpu.memref_slice %arg10[%dma_wait3A_177, %dma_wait3A_178] : memref<128x128xf32, #tpu.memory_space<vmem>> -> memref<64x128xf32, #tpu.memory_space<vmem>>
      %dma_wait3A_180 = arith.constant 0 : i32
      %dma_wait3A_181 = tpu.memref_slice %arg7[%add3A_176, %dma_wait3A_180] : memref<40x128xi32, #tpu.memory_space<vmem>> -> memref<1x64xi32, #tpu.memory_space<vmem>>
      %dma_wait3A_182 = tpu.memref_squeeze %dma_wait3A_181 : memref<1x64xi32, #tpu.memory_space<vmem>> -> memref<64xi32, #tpu.memory_space<vmem>>
      %dma_wait3A_183 = arith.constant 0 : i32
      %dma_wait3A_184 = arith.constant 0 : i32
      %dma_wait3A_185 = tpu.memref_slice %arg2[%dma_wait3A_183, %dma_wait3A_184] : memref<10112x128xf32, #tpu.memory_space<hbm>> -> memref<10112x128xf32, #tpu.memory_space<hbm>>
      tpu.wait_indirect_dma semaphore(%arg13 : memref<!tpu.dma_semaphore, #tpu.memory_space<semaphore_mem>>) src(%dma_wait3A_185 : memref<10112x128xf32, #tpu.memory_space<hbm>>) dst(%dma_wait3A_179 : memref<64x128xf32, #tpu.memory_space<vmem>>)
      %dma_wait3A_186 = arith.constant 64 : i32
      %dma_wait3A_187 = arith.constant 0 : i32
      %dma_wait3A_188 = tpu.memref_slice %arg10[%dma_wait3A_186, %dma_wait3A_187] : memref<128x128xf32, #tpu.memory_space<vmem>> -> memref<64x128xf32, #tpu.memory_space<vmem>>
      %dma_wait3A_189 = arith.constant 64 : i32
      %dma_wait3A_190 = tpu.memref_slice %arg7[%add3A_176, %dma_wait3A_189] : memref<40x128xi32, #tpu.memory_space<vmem>> -> memref<1x64xi32, #tpu.memory_space<vmem>>
      %dma_wait3A_191 = tpu.memref_squeeze %dma_wait3A_190 : memref<1x64xi32, #tpu.memory_space<vmem>> -> memref<64xi32, #tpu.memory_space<vmem>>
      %dma_wait3A_192 = arith.constant 0 : i32
      %dma_wait3A_193 = arith.constant 0 : i32
      %dma_wait3A_194 = tpu.memref_slice %arg2[%dma_wait3A_192, %dma_wait3A_193] : memref<10112x128xf32, #tpu.memory_space<hbm>> -> memref<10112x128xf32, #tpu.memory_space<hbm>>
      tpu.wait_indirect_dma semaphore(%arg13 : memref<!tpu.dma_semaphore, #tpu.memory_space<semaphore_mem>>) src(%dma_wait3A_194 : memref<10112x128xf32, #tpu.memory_space<hbm>>) dst(%dma_wait3A_188 : memref<64x128xf32, #tpu.memory_space<vmem>>)
      %mul3A_195 = arith.constant 2 : i32
      %mul3A_196 = arith.muli %mul3A_195, %scan3A_105 : i32
      %add3A_197 = arith.constant 1 : i32
      %add3A_198 = arith.addi %mul3A_196, %add3A_197 : i32
      "tpu.region"() ({
        %run_scoped3A = tpu.sem_alloc : memref<!tpu.dma_semaphore, #tpu.memory_space<semaphore_mem>>
        %dma_start3A_199 = arith.constant 0 : i32
        %dma_start3A_200 = tpu.memref_slice %arg8[%add3A_198, %dma_start3A_199] : memref<40x128xi32, #tpu.memory_space<vmem>> -> memref<1x128xi32, #tpu.memory_space<vmem>>
        %dma_start3A_201 = tpu.memref_squeeze %dma_start3A_200 : memref<1x128xi32, #tpu.memory_space<vmem>> -> memref<128xi32, #tpu.memory_space<vmem>>
        %dma_start3A_202 = arith.constant 0 : i32
        %dma_start3A_203 = arith.constant 0 : i32
        %dma_start3A_204 = tpu.memref_slice %arg11[%dma_start3A_202, %dma_start3A_203] : memref<10112x128xf32, #tpu.memory_space<vmem_shared>> -> memref<10112x128xf32, #tpu.memory_space<vmem_shared>>
        tpu.enqueue_indirect_dma source(%arg10 : memref<128x128xf32, #tpu.memory_space<vmem>>) target(%dma_start3A_204 : memref<10112x128xf32, #tpu.memory_space<vmem_shared>>) offsets(%dma_start3A_201 : memref<128xi32, #tpu.memory_space<vmem>>) semaphore(%run_scoped3A : memref<!tpu.dma_semaphore, #tpu.memory_space<semaphore_mem>>) {add = true}
        %dma_wait3A_205 = arith.constant 0 : i32
        %dma_wait3A_206 = tpu.memref_slice %arg8[%add3A_198, %dma_wait3A_205] : memref<40x128xi32, #tpu.memory_space<vmem>> -> memref<1x128xi32, #tpu.memory_space<vmem>>
        %dma_wait3A_207 = tpu.memref_squeeze %dma_wait3A_206 : memref<1x128xi32, #tpu.memory_space<vmem>> -> memref<128xi32, #tpu.memory_space<vmem>>
        %dma_wait3A_208 = arith.constant 0 : i32
        %dma_wait3A_209 = arith.constant 0 : i32
        %dma_wait3A_210 = tpu.memref_slice %arg11[%dma_wait3A_208, %dma_wait3A_209] : memref<10112x128xf32, #tpu.memory_space<vmem_shared>> -> memref<10112x128xf32, #tpu.memory_space<vmem_shared>>
        tpu.wait_indirect_dma semaphore(%run_scoped3A : memref<!tpu.dma_semaphore, #tpu.memory_space<semaphore_mem>>) src(%arg10 : memref<128x128xf32, #tpu.memory_space<vmem>>) dst(%dma_wait3A_210 : memref<10112x128xf32, #tpu.memory_space<vmem_shared>>)
        tpu.yield
      }) : () -> ()
    }
    %scan3A_32 = arith.constant 20 : i32
    %dma_wait3A = arith.constant 39 : i32
    %dma_wait3A_33 = arith.constant 0 : i32
    %dma_wait3A_34 = arith.constant 0 : i32
    %dma_wait3A_35 = tpu.memref_slice %arg9[%dma_wait3A_33, %dma_wait3A_34] : memref<128x128xf32, #tpu.memory_space<vmem>> -> memref<64x128xf32, #tpu.memory_space<vmem>>
    %dma_wait3A_36 = arith.constant 0 : i32
    %dma_wait3A_37 = tpu.memref_slice %arg7[%dma_wait3A, %dma_wait3A_36] : memref<40x128xi32, #tpu.memory_space<vmem>> -> memref<1x64xi32, #tpu.memory_space<vmem>>
    %dma_wait3A_38 = tpu.memref_squeeze %dma_wait3A_37 : memref<1x64xi32, #tpu.memory_space<vmem>> -> memref<64xi32, #tpu.memory_space<vmem>>
    %dma_wait3A_39 = arith.constant 0 : i32
    %dma_wait3A_40 = arith.constant 0 : i32
    %dma_wait3A_41 = tpu.memref_slice %arg2[%dma_wait3A_39, %dma_wait3A_40] : memref<10112x128xf32, #tpu.memory_space<hbm>> -> memref<10112x128xf32, #tpu.memory_space<hbm>>
    tpu.wait_indirect_dma semaphore(%arg12 : memref<!tpu.dma_semaphore, #tpu.memory_space<semaphore_mem>>) src(%dma_wait3A_41 : memref<10112x128xf32, #tpu.memory_space<hbm>>) dst(%dma_wait3A_35 : memref<64x128xf32, #tpu.memory_space<vmem>>)
    %dma_wait3A_42 = arith.constant 39 : i32
    %dma_wait3A_43 = arith.constant 64 : i32
    %dma_wait3A_44 = arith.constant 0 : i32
    %dma_wait3A_45 = tpu.memref_slice %arg9[%dma_wait3A_43, %dma_wait3A_44] : memref<128x128xf32, #tpu.memory_space<vmem>> -> memref<64x128xf32, #tpu.memory_space<vmem>>
    %dma_wait3A_46 = arith.constant 64 : i32
    %dma_wait3A_47 = tpu.memref_slice %arg7[%dma_wait3A_42, %dma_wait3A_46] : memref<40x128xi32, #tpu.memory_space<vmem>> -> memref<1x64xi32, #tpu.memory_space<vmem>>
    %dma_wait3A_48 = tpu.memref_squeeze %dma_wait3A_47 : memref<1x64xi32, #tpu.memory_space<vmem>> -> memref<64xi32, #tpu.memory_space<vmem>>
    %dma_wait3A_49 = arith.constant 0 : i32
    %dma_wait3A_50 = arith.constant 0 : i32
    %dma_wait3A_51 = tpu.memref_slice %arg2[%dma_wait3A_49, %dma_wait3A_50] : memref<10112x128xf32, #tpu.memory_space<hbm>> -> memref<10112x128xf32, #tpu.memory_space<hbm>>
    tpu.wait_indirect_dma semaphore(%arg12 : memref<!tpu.dma_semaphore, #tpu.memory_space<semaphore_mem>>) src(%dma_wait3A_51 : memref<10112x128xf32, #tpu.memory_space<hbm>>) dst(%dma_wait3A_45 : memref<64x128xf32, #tpu.memory_space<vmem>>)
    %add3A_52 = arith.constant 40 : i32
    %add3A_53 = arith.addi %add3A, %add3A_52 : i32
    "tpu.region"() ({
      %run_scoped3A = tpu.sem_alloc : memref<!tpu.dma_semaphore, #tpu.memory_space<semaphore_mem>>
      %dma_start3A_105 = arith.constant 0 : i32
      %dma_start3A_106 = tpu.memref_slice %arg3[%add3A_53, %dma_start3A_105] : memref<2560x128xi32, #tpu.memory_space<hbm>> -> memref<40x128xi32, #tpu.memory_space<hbm>>
      %dma_start3A_107 = arith.constant 0 : i32
      %dma_start3A_108 = tpu.memref_slice %arg3[%add3A_53, %dma_start3A_107] : memref<2560x128xi32, #tpu.memory_space<hbm>> -> memref<40x128xi32, #tpu.memory_space<hbm>>
      tpu.enqueue_dma source(%dma_start3A_108 : memref<40x128xi32, #tpu.memory_space<hbm>>) target(%arg7 : memref<40x128xi32, #tpu.memory_space<vmem>>) target_semaphore(%run_scoped3A : memref<!tpu.dma_semaphore, #tpu.memory_space<semaphore_mem>>)
      %dma_wait3A_109 = arith.constant 0 : i32
      %dma_wait3A_110 = tpu.memref_slice %arg3[%add3A_53, %dma_wait3A_109] : memref<2560x128xi32, #tpu.memory_space<hbm>> -> memref<40x128xi32, #tpu.memory_space<hbm>>
      %dma_wait3A_111 = arith.constant 0 : i32
      %dma_wait3A_112 = tpu.memref_slice %arg3[%add3A_53, %dma_wait3A_111] : memref<2560x128xi32, #tpu.memory_space<hbm>> -> memref<40x128xi32, #tpu.memory_space<hbm>>
      tpu.wait_dma2 semaphore(%run_scoped3A : memref<!tpu.dma_semaphore, #tpu.memory_space<semaphore_mem>>) src(%dma_wait3A_112 : memref<40x128xi32, #tpu.memory_space<hbm>>) dst(%arg7 : memref<40x128xi32, #tpu.memory_space<vmem>>)
      tpu.yield
    }) : () -> ()
    %add3A_54 = arith.constant 40 : i32
    %add3A_55 = arith.addi %add3A, %add3A_54 : i32
    "tpu.region"() ({
      %run_scoped3A = tpu.sem_alloc : memref<!tpu.dma_semaphore, #tpu.memory_space<semaphore_mem>>
      %dma_start3A_105 = arith.constant 0 : i32
      %dma_start3A_106 = tpu.memref_slice %arg4[%add3A_55, %dma_start3A_105] : memref<2560x128xi32, #tpu.memory_space<hbm>> -> memref<40x128xi32, #tpu.memory_space<hbm>>
      %dma_start3A_107 = arith.constant 0 : i32
      %dma_start3A_108 = tpu.memref_slice %arg4[%add3A_55, %dma_start3A_107] : memref<2560x128xi32, #tpu.memory_space<hbm>> -> memref<40x128xi32, #tpu.memory_space<hbm>>
      tpu.enqueue_dma source(%dma_start3A_108 : memref<40x128xi32, #tpu.memory_space<hbm>>) target(%arg8 : memref<40x128xi32, #tpu.memory_space<vmem>>) target_semaphore(%run_scoped3A : memref<!tpu.dma_semaphore, #tpu.memory_space<semaphore_mem>>)
      %dma_wait3A_109 = arith.constant 0 : i32
      %dma_wait3A_110 = tpu.memref_slice %arg4[%add3A_55, %dma_wait3A_109] : memref<2560x128xi32, #tpu.memory_space<hbm>> -> memref<40x128xi32, #tpu.memory_space<hbm>>
      %dma_wait3A_111 = arith.constant 0 : i32
      %dma_wait3A_112 = tpu.memref_slice %arg4[%add3A_55, %dma_wait3A_111] : memref<2560x128xi32, #tpu.memory_space<hbm>> -> memref<40x128xi32, #tpu.memory_space<hbm>>
      tpu.wait_dma2 semaphore(%run_scoped3A : memref<!tpu.dma_semaphore, #tpu.memory_space<semaphore_mem>>) src(%dma_wait3A_112 : memref<40x128xi32, #tpu.memory_space<hbm>>) dst(%arg8 : memref<40x128xi32, #tpu.memory_space<vmem>>)
      tpu.yield
    }) : () -> ()
    %dma_start3A_56 = arith.constant 0 : i32
    %dma_start3A_57 = arith.constant 0 : i32
    %dma_start3A_58 = arith.constant 0 : i32
    %dma_start3A_59 = tpu.memref_slice %arg9[%dma_start3A_57, %dma_start3A_58] : memref<128x128xf32, #tpu.memory_space<vmem>> -> memref<64x128xf32, #tpu.memory_space<vmem>>
    %dma_start3A_60 = arith.constant 0 : i32
    %dma_start3A_61 = tpu.memref_slice %arg7[%dma_start3A_56, %dma_start3A_60] : memref<40x128xi32, #tpu.memory_space<vmem>> -> memref<1x64xi32, #tpu.memory_space<vmem>>
    %dma_start3A_62 = tpu.memref_squeeze %dma_start3A_61 : memref<1x64xi32, #tpu.memory_space<vmem>> -> memref<64xi32, #tpu.memory_space<vmem>>
    %dma_start3A_63 = arith.constant 0 : i32
    %dma_start3A_64 = arith.constant 0 : i32
    %dma_start3A_65 = tpu.memref_slice %arg2[%dma_start3A_63, %dma_start3A_64] : memref<10112x128xf32, #tpu.memory_space<hbm>> -> memref<10112x128xf32, #tpu.memory_space<hbm>>
    tpu.enqueue_indirect_dma source(%dma_start3A_65 : memref<10112x128xf32, #tpu.memory_space<hbm>>) target(%dma_start3A_59 : memref<64x128xf32, #tpu.memory_space<vmem>>) offsets(%dma_start3A_62 : memref<64xi32, #tpu.memory_space<vmem>>) semaphore(%arg12 : memref<!tpu.dma_semaphore, #tpu.memory_space<semaphore_mem>>)
    %dma_start3A_66 = arith.constant 0 : i32
    %dma_start3A_67 = arith.constant 64 : i32
    %dma_start3A_68 = arith.constant 0 : i32
    %dma_start3A_69 = tpu.memref_slice %arg9[%dma_start3A_67, %dma_start3A_68] : memref<128x128xf32, #tpu.memory_space<vmem>> -> memref<64x128xf32, #tpu.memory_space<vmem>>
    %dma_start3A_70 = arith.constant 64 : i32
    %dma_start3A_71 = tpu.memref_slice %arg7[%dma_start3A_66, %dma_start3A_70] : memref<40x128xi32, #tpu.memory_space<vmem>> -> memref<1x64xi32, #tpu.memory_space<vmem>>
    %dma_start3A_72 = tpu.memref_squeeze %dma_start3A_71 : memref<1x64xi32, #tpu.memory_space<vmem>> -> memref<64xi32, #tpu.memory_space<vmem>>
    %dma_start3A_73 = arith.constant 0 : i32
    %dma_start3A_74 = arith.constant 0 : i32
    %dma_start3A_75 = tpu.memref_slice %arg2[%dma_start3A_73, %dma_start3A_74] : memref<10112x128xf32, #tpu.memory_space<hbm>> -> memref<10112x128xf32, #tpu.memory_space<hbm>>
    tpu.enqueue_indirect_dma source(%dma_start3A_75 : memref<10112x128xf32, #tpu.memory_space<hbm>>) target(%dma_start3A_69 : memref<64x128xf32, #tpu.memory_space<vmem>>) offsets(%dma_start3A_72 : memref<64xi32, #tpu.memory_space<vmem>>) semaphore(%arg12 : memref<!tpu.dma_semaphore, #tpu.memory_space<semaphore_mem>>)
    %scan3A_76 = arith.constant 0 : i32
    %scan3A_77 = arith.constant 0 : i32
    %scan3A_78 = arith.constant 20 : i32
    %scan3A_79 = arith.addi %scan3A_77, %scan3A_78 : i32
    %scan3A_80 = arith.constant 1 : i32
    scf.for %scan3A_105 = %scan3A_77 to %scan3A_79 step %scan3A_80  : i32 {
      %mul3A_106 = arith.constant 2 : i32
      %mul3A_107 = arith.muli %mul3A_106, %scan3A_105 : i32
      %add3A_108 = arith.constant 1 : i32
      %add3A_109 = arith.addi %mul3A_107, %add3A_108 : i32
      %dma_start3A_110 = arith.constant 0 : i32
      %dma_start3A_111 = arith.constant 0 : i32
      %dma_start3A_112 = tpu.memref_slice %arg10[%dma_start3A_110, %dma_start3A_111] : memref<128x128xf32, #tpu.memory_space<vmem>> -> memref<64x128xf32, #tpu.memory_space<vmem>>
      %dma_start3A_113 = arith.constant 0 : i32
      %dma_start3A_114 = tpu.memref_slice %arg7[%add3A_109, %dma_start3A_113] : memref<40x128xi32, #tpu.memory_space<vmem>> -> memref<1x64xi32, #tpu.memory_space<vmem>>
      %dma_start3A_115 = tpu.memref_squeeze %dma_start3A_114 : memref<1x64xi32, #tpu.memory_space<vmem>> -> memref<64xi32, #tpu.memory_space<vmem>>
      %dma_start3A_116 = arith.constant 0 : i32
      %dma_start3A_117 = arith.constant 0 : i32
      %dma_start3A_118 = tpu.memref_slice %arg2[%dma_start3A_116, %dma_start3A_117] : memref<10112x128xf32, #tpu.memory_space<hbm>> -> memref<10112x128xf32, #tpu.memory_space<hbm>>
      tpu.enqueue_indirect_dma source(%dma_start3A_118 : memref<10112x128xf32, #tpu.memory_space<hbm>>) target(%dma_start3A_112 : memref<64x128xf32, #tpu.memory_space<vmem>>) offsets(%dma_start3A_115 : memref<64xi32, #tpu.memory_space<vmem>>) semaphore(%arg13 : memref<!tpu.dma_semaphore, #tpu.memory_space<semaphore_mem>>)
      %dma_start3A_119 = arith.constant 64 : i32
      %dma_start3A_120 = arith.constant 0 : i32
      %dma_start3A_121 = tpu.memref_slice %arg10[%dma_start3A_119, %dma_start3A_120] : memref<128x128xf32, #tpu.memory_space<vmem>> -> memref<64x128xf32, #tpu.memory_space<vmem>>
      %dma_start3A_122 = arith.constant 64 : i32
      %dma_start3A_123 = tpu.memref_slice %arg7[%add3A_109, %dma_start3A_122] : memref<40x128xi32, #tpu.memory_space<vmem>> -> memref<1x64xi32, #tpu.memory_space<vmem>>
      %dma_start3A_124 = tpu.memref_squeeze %dma_start3A_123 : memref<1x64xi32, #tpu.memory_space<vmem>> -> memref<64xi32, #tpu.memory_space<vmem>>
      %dma_start3A_125 = arith.constant 0 : i32
      %dma_start3A_126 = arith.constant 0 : i32
      %dma_start3A_127 = tpu.memref_slice %arg2[%dma_start3A_125, %dma_start3A_126] : memref<10112x128xf32, #tpu.memory_space<hbm>> -> memref<10112x128xf32, #tpu.memory_space<hbm>>
      tpu.enqueue_indirect_dma source(%dma_start3A_127 : memref<10112x128xf32, #tpu.memory_space<hbm>>) target(%dma_start3A_121 : memref<64x128xf32, #tpu.memory_space<vmem>>) offsets(%dma_start3A_124 : memref<64xi32, #tpu.memory_space<vmem>>) semaphore(%arg13 : memref<!tpu.dma_semaphore, #tpu.memory_space<semaphore_mem>>)
      %mul3A_128 = arith.constant 2 : i32
      %mul3A_129 = arith.muli %mul3A_128, %scan3A_105 : i32
      %dma_wait3A_130 = arith.constant 0 : i32
      %dma_wait3A_131 = arith.constant 0 : i32
      %dma_wait3A_132 = tpu.memref_slice %arg9[%dma_wait3A_130, %dma_wait3A_131] : memref<128x128xf32, #tpu.memory_space<vmem>> -> memref<64x128xf32, #tpu.memory_space<vmem>>
      %dma_wait3A_133 = arith.constant 0 : i32
      %dma_wait3A_134 = tpu.memref_slice %arg7[%mul3A_129, %dma_wait3A_133] : memref<40x128xi32, #tpu.memory_space<vmem>> -> memref<1x64xi32, #tpu.memory_space<vmem>>
      %dma_wait3A_135 = tpu.memref_squeeze %dma_wait3A_134 : memref<1x64xi32, #tpu.memory_space<vmem>> -> memref<64xi32, #tpu.memory_space<vmem>>
      %dma_wait3A_136 = arith.constant 0 : i32
      %dma_wait3A_137 = arith.constant 0 : i32
      %dma_wait3A_138 = tpu.memref_slice %arg2[%dma_wait3A_136, %dma_wait3A_137] : memref<10112x128xf32, #tpu.memory_space<hbm>> -> memref<10112x128xf32, #tpu.memory_space<hbm>>
      tpu.wait_indirect_dma semaphore(%arg12 : memref<!tpu.dma_semaphore, #tpu.memory_space<semaphore_mem>>) src(%dma_wait3A_138 : memref<10112x128xf32, #tpu.memory_space<hbm>>) dst(%dma_wait3A_132 : memref<64x128xf32, #tpu.memory_space<vmem>>)
      %dma_wait3A_139 = arith.constant 64 : i32
      %dma_wait3A_140 = arith.constant 0 : i32
      %dma_wait3A_141 = tpu.memref_slice %arg9[%dma_wait3A_139, %dma_wait3A_140] : memref<128x128xf32, #tpu.memory_space<vmem>> -> memref<64x128xf32, #tpu.memory_space<vmem>>
      %dma_wait3A_142 = arith.constant 64 : i32
      %dma_wait3A_143 = tpu.memref_slice %arg7[%mul3A_129, %dma_wait3A_142] : memref<40x128xi32, #tpu.memory_space<vmem>> -> memref<1x64xi32, #tpu.memory_space<vmem>>
      %dma_wait3A_144 = tpu.memref_squeeze %dma_wait3A_143 : memref<1x64xi32, #tpu.memory_space<vmem>> -> memref<64xi32, #tpu.memory_space<vmem>>
      %dma_wait3A_145 = arith.constant 0 : i32
      %dma_wait3A_146 = arith.constant 0 : i32
      %dma_wait3A_147 = tpu.memref_slice %arg2[%dma_wait3A_145, %dma_wait3A_146] : memref<10112x128xf32, #tpu.memory_space<hbm>> -> memref<10112x128xf32, #tpu.memory_space<hbm>>
      tpu.wait_indirect_dma semaphore(%arg12 : memref<!tpu.dma_semaphore, #tpu.memory_space<semaphore_mem>>) src(%dma_wait3A_147 : memref<10112x128xf32, #tpu.memory_space<hbm>>) dst(%dma_wait3A_141 : memref<64x128xf32, #tpu.memory_space<vmem>>)
      %mul3A_148 = arith.constant 2 : i32
      %mul3A_149 = arith.muli %mul3A_148, %scan3A_105 : i32
      "tpu.region"() ({
        %run_scoped3A = tpu.sem_alloc : memref<!tpu.dma_semaphore, #tpu.memory_space<semaphore_mem>>
        %dma_start3A_199 = arith.constant 0 : i32
        %dma_start3A_200 = tpu.memref_slice %arg8[%mul3A_149, %dma_start3A_199] : memref<40x128xi32, #tpu.memory_space<vmem>> -> memref<1x128xi32, #tpu.memory_space<vmem>>
        %dma_start3A_201 = tpu.memref_squeeze %dma_start3A_200 : memref<1x128xi32, #tpu.memory_space<vmem>> -> memref<128xi32, #tpu.memory_space<vmem>>
        %dma_start3A_202 = arith.constant 0 : i32
        %dma_start3A_203 = arith.constant 0 : i32
        %dma_start3A_204 = tpu.memref_slice %arg11[%dma_start3A_202, %dma_start3A_203] : memref<10112x128xf32, #tpu.memory_space<vmem_shared>> -> memref<10112x128xf32, #tpu.memory_space<vmem_shared>>
        tpu.enqueue_indirect_dma source(%arg9 : memref<128x128xf32, #tpu.memory_space<vmem>>) target(%dma_start3A_204 : memref<10112x128xf32, #tpu.memory_space<vmem_shared>>) offsets(%dma_start3A_201 : memref<128xi32, #tpu.memory_space<vmem>>) semaphore(%run_scoped3A : memref<!tpu.dma_semaphore, #tpu.memory_space<semaphore_mem>>) {add = true}
        %dma_wait3A_205 = arith.constant 0 : i32
        %dma_wait3A_206 = tpu.memref_slice %arg8[%mul3A_149, %dma_wait3A_205] : memref<40x128xi32, #tpu.memory_space<vmem>> -> memref<1x128xi32, #tpu.memory_space<vmem>>
        %dma_wait3A_207 = tpu.memref_squeeze %dma_wait3A_206 : memref<1x128xi32, #tpu.memory_space<vmem>> -> memref<128xi32, #tpu.memory_space<vmem>>
        %dma_wait3A_208 = arith.constant 0 : i32
        %dma_wait3A_209 = arith.constant 0 : i32
        %dma_wait3A_210 = tpu.memref_slice %arg11[%dma_wait3A_208, %dma_wait3A_209] : memref<10112x128xf32, #tpu.memory_space<vmem_shared>> -> memref<10112x128xf32, #tpu.memory_space<vmem_shared>>
        tpu.wait_indirect_dma semaphore(%run_scoped3A : memref<!tpu.dma_semaphore, #tpu.memory_space<semaphore_mem>>) src(%arg9 : memref<128x128xf32, #tpu.memory_space<vmem>>) dst(%dma_wait3A_210 : memref<10112x128xf32, #tpu.memory_space<vmem_shared>>)
        tpu.yield
      }) : () -> ()
      %mul3A_150 = arith.constant 2 : i32
      %mul3A_151 = arith.muli %mul3A_150, %scan3A_105 : i32
      %add3A_152 = arith.constant 2 : i32
      %add3A_153 = arith.addi %mul3A_151, %add3A_152 : i32
      %min3A = arith.constant 39 : i32
      %min3A_154 = arith.minsi %add3A_153, %min3A : i32
      %dma_start3A_155 = arith.constant 0 : i32
      %dma_start3A_156 = arith.constant 0 : i32
      %dma_start3A_157 = tpu.memref_slice %arg9[%dma_start3A_155, %dma_start3A_156] : memref<128x128xf32, #tpu.memory_space<vmem>> -> memref<64x128xf32, #tpu.memory_space<vmem>>
      %dma_start3A_158 = arith.constant 0 : i32
      %dma_start3A_159 = tpu.memref_slice %arg7[%min3A_154, %dma_start3A_158] : memref<40x128xi32, #tpu.memory_space<vmem>> -> memref<1x64xi32, #tpu.memory_space<vmem>>
      %dma_start3A_160 = tpu.memref_squeeze %dma_start3A_159 : memref<1x64xi32, #tpu.memory_space<vmem>> -> memref<64xi32, #tpu.memory_space<vmem>>
      %dma_start3A_161 = arith.constant 0 : i32
      %dma_start3A_162 = arith.constant 0 : i32
      %dma_start3A_163 = tpu.memref_slice %arg2[%dma_start3A_161, %dma_start3A_162] : memref<10112x128xf32, #tpu.memory_space<hbm>> -> memref<10112x128xf32, #tpu.memory_space<hbm>>
      tpu.enqueue_indirect_dma source(%dma_start3A_163 : memref<10112x128xf32, #tpu.memory_space<hbm>>) target(%dma_start3A_157 : memref<64x128xf32, #tpu.memory_space<vmem>>) offsets(%dma_start3A_160 : memref<64xi32, #tpu.memory_space<vmem>>) semaphore(%arg12 : memref<!tpu.dma_semaphore, #tpu.memory_space<semaphore_mem>>)
      %dma_start3A_164 = arith.constant 64 : i32
      %dma_start3A_165 = arith.constant 0 : i32
      %dma_start3A_166 = tpu.memref_slice %arg9[%dma_start3A_164, %dma_start3A_165] : memref<128x128xf32, #tpu.memory_space<vmem>> -> memref<64x128xf32, #tpu.memory_space<vmem>>
      %dma_start3A_167 = arith.constant 64 : i32
      %dma_start3A_168 = tpu.memref_slice %arg7[%min3A_154, %dma_start3A_167] : memref<40x128xi32, #tpu.memory_space<vmem>> -> memref<1x64xi32, #tpu.memory_space<vmem>>
      %dma_start3A_169 = tpu.memref_squeeze %dma_start3A_168 : memref<1x64xi32, #tpu.memory_space<vmem>> -> memref<64xi32, #tpu.memory_space<vmem>>
      %dma_start3A_170 = arith.constant 0 : i32
      %dma_start3A_171 = arith.constant 0 : i32
      %dma_start3A_172 = tpu.memref_slice %arg2[%dma_start3A_170, %dma_start3A_171] : memref<10112x128xf32, #tpu.memory_space<hbm>> -> memref<10112x128xf32, #tpu.memory_space<hbm>>
      tpu.enqueue_indirect_dma source(%dma_start3A_172 : memref<10112x128xf32, #tpu.memory_space<hbm>>) target(%dma_start3A_166 : memref<64x128xf32, #tpu.memory_space<vmem>>) offsets(%dma_start3A_169 : memref<64xi32, #tpu.memory_space<vmem>>) semaphore(%arg12 : memref<!tpu.dma_semaphore, #tpu.memory_space<semaphore_mem>>)
      %mul3A_173 = arith.constant 2 : i32
      %mul3A_174 = arith.muli %mul3A_173, %scan3A_105 : i32
      %add3A_175 = arith.constant 1 : i32
      %add3A_176 = arith.addi %mul3A_174, %add3A_175 : i32
      %dma_wait3A_177 = arith.constant 0 : i32
      %dma_wait3A_178 = arith.constant 0 : i32
      %dma_wait3A_179 = tpu.memref_slice %arg10[%dma_wait3A_177, %dma_wait3A_178] : memref<128x128xf32, #tpu.memory_space<vmem>> -> memref<64x128xf32, #tpu.memory_space<vmem>>
      %dma_wait3A_180 = arith.constant 0 : i32
      %dma_wait3A_181 = tpu.memref_slice %arg7[%add3A_176, %dma_wait3A_180] : memref<40x128xi32, #tpu.memory_space<vmem>> -> memref<1x64xi32, #tpu.memory_space<vmem>>
      %dma_wait3A_182 = tpu.memref_squeeze %dma_wait3A_181 : memref<1x64xi32, #tpu.memory_space<vmem>> -> memref<64xi32, #tpu.memory_space<vmem>>
      %dma_wait3A_183 = arith.constant 0 : i32
      %dma_wait3A_184 = arith.constant 0 : i32
      %dma_wait3A_185 = tpu.memref_slice %arg2[%dma_wait3A_183, %dma_wait3A_184] : memref<10112x128xf32, #tpu.memory_space<hbm>> -> memref<10112x128xf32, #tpu.memory_space<hbm>>
      tpu.wait_indirect_dma semaphore(%arg13 : memref<!tpu.dma_semaphore, #tpu.memory_space<semaphore_mem>>) src(%dma_wait3A_185 : memref<10112x128xf32, #tpu.memory_space<hbm>>) dst(%dma_wait3A_179 : memref<64x128xf32, #tpu.memory_space<vmem>>)
      %dma_wait3A_186 = arith.constant 64 : i32
      %dma_wait3A_187 = arith.constant 0 : i32
      %dma_wait3A_188 = tpu.memref_slice %arg10[%dma_wait3A_186, %dma_wait3A_187] : memref<128x128xf32, #tpu.memory_space<vmem>> -> memref<64x128xf32, #tpu.memory_space<vmem>>
      %dma_wait3A_189 = arith.constant 64 : i32
      %dma_wait3A_190 = tpu.memref_slice %arg7[%add3A_176, %dma_wait3A_189] : memref<40x128xi32, #tpu.memory_space<vmem>> -> memref<1x64xi32, #tpu.memory_space<vmem>>
      %dma_wait3A_191 = tpu.memref_squeeze %dma_wait3A_190 : memref<1x64xi32, #tpu.memory_space<vmem>> -> memref<64xi32, #tpu.memory_space<vmem>>
      %dma_wait3A_192 = arith.constant 0 : i32
      %dma_wait3A_193 = arith.constant 0 : i32
      %dma_wait3A_194 = tpu.memref_slice %arg2[%dma_wait3A_192, %dma_wait3A_193] : memref<10112x128xf32, #tpu.memory_space<hbm>> -> memref<10112x128xf32, #tpu.memory_space<hbm>>
      tpu.wait_indirect_dma semaphore(%arg13 : memref<!tpu.dma_semaphore, #tpu.memory_space<semaphore_mem>>) src(%dma_wait3A_194 : memref<10112x128xf32, #tpu.memory_space<hbm>>) dst(%dma_wait3A_188 : memref<64x128xf32, #tpu.memory_space<vmem>>)
      %mul3A_195 = arith.constant 2 : i32
      %mul3A_196 = arith.muli %mul3A_195, %scan3A_105 : i32
      %add3A_197 = arith.constant 1 : i32
      %add3A_198 = arith.addi %mul3A_196, %add3A_197 : i32
      "tpu.region"() ({
        %run_scoped3A = tpu.sem_alloc : memref<!tpu.dma_semaphore, #tpu.memory_space<semaphore_mem>>
        %dma_start3A_199 = arith.constant 0 : i32
        %dma_start3A_200 = tpu.memref_slice %arg8[%add3A_198, %dma_start3A_199] : memref<40x128xi32, #tpu.memory_space<vmem>> -> memref<1x128xi32, #tpu.memory_space<vmem>>
        %dma_start3A_201 = tpu.memref_squeeze %dma_start3A_200 : memref<1x128xi32, #tpu.memory_space<vmem>> -> memref<128xi32, #tpu.memory_space<vmem>>
        %dma_start3A_202 = arith.constant 0 : i32
        %dma_start3A_203 = arith.constant 0 : i32
        %dma_start3A_204 = tpu.memref_slice %arg11[%dma_start3A_202, %dma_start3A_203] : memref<10112x128xf32, #tpu.memory_space<vmem_shared>> -> memref<10112x128xf32, #tpu.memory_space<vmem_shared>>
        tpu.enqueue_indirect_dma source(%arg10 : memref<128x128xf32, #tpu.memory_space<vmem>>) target(%dma_start3A_204 : memref<10112x128xf32, #tpu.memory_space<vmem_shared>>) offsets(%dma_start3A_201 : memref<128xi32, #tpu.memory_space<vmem>>) semaphore(%run_scoped3A : memref<!tpu.dma_semaphore, #tpu.memory_space<semaphore_mem>>) {add = true}
        %dma_wait3A_205 = arith.constant 0 : i32
        %dma_wait3A_206 = tpu.memref_slice %arg8[%add3A_198, %dma_wait3A_205] : memref<40x128xi32, #tpu.memory_space<vmem>> -> memref<1x128xi32, #tpu.memory_space<vmem>>
        %dma_wait3A_207 = tpu.memref_squeeze %dma_wait3A_206 : memref<1x128xi32, #tpu.memory_space<vmem>> -> memref<128xi32, #tpu.memory_space<vmem>>
        %dma_wait3A_208 = arith.constant 0 : i32
        %dma_wait3A_209 = arith.constant 0 : i32
        %dma_wait3A_210 = tpu.memref_slice %arg11[%dma_wait3A_208, %dma_wait3A_209] : memref<10112x128xf32, #tpu.memory_space<vmem_shared>> -> memref<10112x128xf32, #tpu.memory_space<vmem_shared>>
        tpu.wait_indirect_dma semaphore(%run_scoped3A : memref<!tpu.dma_semaphore, #tpu.memory_space<semaphore_mem>>) src(%arg10 : memref<128x128xf32, #tpu.memory_space<vmem>>) dst(%dma_wait3A_210 : memref<10112x128xf32, #tpu.memory_space<vmem_shared>>)
        tpu.yield
      }) : () -> ()
    }
    %scan3A_81 = arith.constant 20 : i32
    %dma_wait3A_82 = arith.constant 39 : i32
    %dma_wait3A_83 = arith.constant 0 : i32
    %dma_wait3A_84 = arith.constant 0 : i32
    %dma_wait3A_85 = tpu.memref_slice %arg9[%dma_wait3A_83, %dma_wait3A_84] : memref<128x128xf32, #tpu.memory_space<vmem>> -> memref<64x128xf32, #tpu.memory_space<vmem>>
    %dma_wait3A_86 = arith.constant 0 : i32
    %dma_wait3A_87 = tpu.memref_slice %arg7[%dma_wait3A_82, %dma_wait3A_86] : memref<40x128xi32, #tpu.memory_space<vmem>> -> memref<1x64xi32, #tpu.memory_space<vmem>>
    %dma_wait3A_88 = tpu.memref_squeeze %dma_wait3A_87 : memref<1x64xi32, #tpu.memory_space<vmem>> -> memref<64xi32, #tpu.memory_space<vmem>>
    %dma_wait3A_89 = arith.constant 0 : i32
    %dma_wait3A_90 = arith.constant 0 : i32
    %dma_wait3A_91 = tpu.memref_slice %arg2[%dma_wait3A_89, %dma_wait3A_90] : memref<10112x128xf32, #tpu.memory_space<hbm>> -> memref<10112x128xf32, #tpu.memory_space<hbm>>
    tpu.wait_indirect_dma semaphore(%arg12 : memref<!tpu.dma_semaphore, #tpu.memory_space<semaphore_mem>>) src(%dma_wait3A_91 : memref<10112x128xf32, #tpu.memory_space<hbm>>) dst(%dma_wait3A_85 : memref<64x128xf32, #tpu.memory_space<vmem>>)
    %dma_wait3A_92 = arith.constant 39 : i32
    %dma_wait3A_93 = arith.constant 64 : i32
    %dma_wait3A_94 = arith.constant 0 : i32
    %dma_wait3A_95 = tpu.memref_slice %arg9[%dma_wait3A_93, %dma_wait3A_94] : memref<128x128xf32, #tpu.memory_space<vmem>> -> memref<64x128xf32, #tpu.memory_space<vmem>>
    %dma_wait3A_96 = arith.constant 64 : i32
    %dma_wait3A_97 = tpu.memref_slice %arg7[%dma_wait3A_92, %dma_wait3A_96] : memref<40x128xi32, #tpu.memory_space<vmem>> -> memref<1x64xi32, #tpu.memory_space<vmem>>
    %dma_wait3A_98 = tpu.memref_squeeze %dma_wait3A_97 : memref<1x64xi32, #tpu.memory_space<vmem>> -> memref<64xi32, #tpu.memory_space<vmem>>
    %dma_wait3A_99 = arith.constant 0 : i32
    %dma_wait3A_100 = arith.constant 0 : i32
    %dma_wait3A_101 = tpu.memref_slice %arg2[%dma_wait3A_99, %dma_wait3A_100] : memref<10112x128xf32, #tpu.memory_space<hbm>> -> memref<10112x128xf32, #tpu.memory_space<hbm>>
    tpu.wait_indirect_dma semaphore(%arg12 : memref<!tpu.dma_semaphore, #tpu.memory_space<semaphore_mem>>) src(%dma_wait3A_101 : memref<10112x128xf32, #tpu.memory_space<hbm>>) dst(%dma_wait3A_95 : memref<64x128xf32, #tpu.memory_space<vmem>>)
    %barrier3A_102 = arith.constant 0 : index
    tpu.barrier barrier_id(%barrier3A_102)
    %mul3A_103 = arith.constant 632 : i32
    %mul3A_104 = arith.muli %arg1, %mul3A_103 : i32
    "tpu.region"() ({
      %run_scoped3A = tpu.sem_alloc : memref<!tpu.dma_semaphore, #tpu.memory_space<semaphore_mem>>
      %dma_start3A_105 = arith.constant 0 : i32
      %dma_start3A_106 = arith.constant 0 : i32
      %dma_start3A_107 = tpu.memref_slice %arg6[%arg0, %arg1, %dma_start3A_105, %dma_start3A_106] : memref<2x16x632x128xf32, #tpu.memory_space<hbm>> -> memref<1x1x632x128xf32, #tpu.memory_space<hbm>>
      %dma_start3A_108 = tpu.memref_squeeze %dma_start3A_107 : memref<1x1x632x128xf32, #tpu.memory_space<hbm>> -> memref<632x128xf32, #tpu.memory_space<hbm>>
      %dma_start3A_109 = arith.constant 0 : i32
      %dma_start3A_110 = tpu.memref_slice %arg11[%mul3A_104, %dma_start3A_109] : memref<10112x128xf32, #tpu.memory_space<vmem_shared>> -> memref<632x128xf32, #tpu.memory_space<vmem_shared>>
      tpu.enqueue_dma source(%dma_start3A_110 : memref<632x128xf32, #tpu.memory_space<vmem_shared>>) target(%dma_start3A_108 : memref<632x128xf32, #tpu.memory_space<hbm>>) target_semaphore(%run_scoped3A : memref<!tpu.dma_semaphore, #tpu.memory_space<semaphore_mem>>)
      %dma_wait3A_111 = arith.constant 0 : i32
      %dma_wait3A_112 = arith.constant 0 : i32
      %dma_wait3A_113 = tpu.memref_slice %arg6[%arg0, %arg1, %dma_wait3A_111, %dma_wait3A_112] : memref<2x16x632x128xf32, #tpu.memory_space<hbm>> -> memref<1x1x632x128xf32, #tpu.memory_space<hbm>>
      %dma_wait3A_114 = tpu.memref_squeeze %dma_wait3A_113 : memref<1x1x632x128xf32, #tpu.memory_space<hbm>> -> memref<632x128xf32, #tpu.memory_space<hbm>>
      %dma_wait3A_115 = arith.constant 0 : i32
      %dma_wait3A_116 = tpu.memref_slice %arg11[%mul3A_104, %dma_wait3A_115] : memref<10112x128xf32, #tpu.memory_space<vmem_shared>> -> memref<632x128xf32, #tpu.memory_space<vmem_shared>>
      tpu.wait_dma2 semaphore(%run_scoped3A : memref<!tpu.dma_semaphore, #tpu.memory_space<semaphore_mem>>) src(%dma_wait3A_116 : memref<632x128xf32, #tpu.memory_space<vmem_shared>>) dst(%dma_wait3A_114 : memref<632x128xf32, #tpu.memory_space<hbm>>)
      tpu.yield
    }) : () -> ()
    return
  }
}

module attributes {stable_mosaic.version = 14 : i64} {
  func.func @_mm1_body(%arg0: i32, %arg1: memref<632x128xf32, #tpu.memory_space<vmem>>, %arg2: memref<128x128xf32, #tpu.memory_space<vmem>>, %arg3: memref<2x632x128xf32, #tpu.memory_space<vmem>>, %arg4: memref<632x128xf32, #tpu.memory_space<vmem>>) attributes {dimension_semantics = [#tpu.dimension_semantics<arbitrary>], iteration_bounds = array<i64: 16>, scalar_prefetch = 0 : i64, scratch_operands = 0 : i64, tpu.core_type = #tpu.core_type<tc>, window_params = [{transform_indices = @transform_0, window_bounds = array<i64: 632, 128>}, {pipeline_mode = #tpu.pipeline_mode<synchronous>, transform_indices = @transform_1, window_bounds = array<i64: 128, 128>}, {transform_indices = @transform_2, window_bounds = array<i64: 2, 632, 128>}, {transform_indices = @transform_3, window_bounds = array<i64: 632, 128>}]} {
    %get3A = arith.constant 0 : index
    %get3A_0 = arith.constant 0 : index
    %get3A_1 = vector.load %arg1[%get3A, %get3A_0] : memref<632x128xf32, #tpu.memory_space<vmem>>, vector<632x128xf32>
    %get3A_2 = arith.constant 0 : index
    %get3A_3 = arith.constant 0 : index
    %get3A_4 = vector.load %arg2[%get3A_2, %get3A_3] : memref<128x128xf32, #tpu.memory_space<vmem>>, vector<128x128xf32>
    %dot_general3A = arith.constant dense<0.000000e+00> : vector<632x128xf32>
    %dot_general3A_5 = tpu.matmul %get3A_1, %get3A_4, %dot_general3A {dimension_numbers = #tpu.dot_dimension_numbers<[1], [0], [0], [1], [0, 0, 1, 1], [], []>, transpose_lhs_hint = false} : vector<632x128xf32>, vector<128x128xf32>, vector<632x128xf32> -> vector<632x128xf32>
    %get3A_6 = arith.constant 0 : index
    %get3A_7 = arith.constant 0 : index
    %get3A_8 = arith.constant 0 : index
    %get3A_9 = vector.load %arg3[%get3A_6, %get3A_7, %get3A_8] : memref<2x632x128xf32, #tpu.memory_space<vmem>>, vector<1x632x1xf32>
    %get3A_10 = vector.shape_cast %get3A_9 : vector<1x632x1xf32> to vector<632x1xf32>
    %add3A = arith.constant 1.000000e+00 : f32
    %add3A_11 = vector.broadcast %add3A : f32 to vector<632x1xf32>
    %add3A_12 = arith.addf %add3A_11, %get3A_10 : vector<632x1xf32>
    %get3A_13 = arith.constant 1 : index
    %get3A_14 = arith.constant 0 : index
    %get3A_15 = arith.constant 0 : index
    %get3A_16 = vector.load %arg3[%get3A_13, %get3A_14, %get3A_15] : memref<2x632x128xf32, #tpu.memory_space<vmem>>, vector<1x632x1xf32>
    %get3A_17 = vector.shape_cast %get3A_16 : vector<1x632x1xf32> to vector<632x1xf32>
    %add3A_18 = arith.addf %add3A_12, %get3A_17 : vector<632x1xf32>
    %rsqrt3A = math.rsqrt %add3A_18 : vector<632x1xf32>
    %mul3A = vector.broadcast %rsqrt3A : vector<632x1xf32> to vector<632x128xf32>
    %mul3A_19 = arith.mulf %dot_general3A_5, %mul3A : vector<632x128xf32>
    %swap3A = arith.constant 0 : index
    %swap3A_20 = arith.constant 0 : index
    %swap3A_21 = vector.load %arg4[%swap3A, %swap3A_20] : memref<632x128xf32, #tpu.memory_space<vmem>>, vector<632x128xf32>
    tpu.vector_store %arg4[%swap3A, %swap3A_20], %mul3A_19 {strides = array<i32>} : memref<632x128xf32, #tpu.memory_space<vmem>>, vector<632x128xf32>,
    return
  }
  func.func @transform_0(%arg0: i32) -> (i32, i32) {
    %c0_i32 = arith.constant 0 : i32
    %c0_i32_0 = arith.constant 0 : i32
    return %arg0, %c0_i32 : i32, i32
  }
  func.func @transform_1(%arg0: i32) -> (i32, i32) {
    %c0_i32 = arith.constant 0 : i32
    %c0_i32_0 = arith.constant 0 : i32
    %c0_i32_1 = arith.constant 0 : i32
    return %c0_i32, %c0_i32_0 : i32, i32
  }
  func.func @transform_2(%arg0: i32) -> (i32, i32, i32) {
    %c0_i32 = arith.constant 0 : i32
    %c0_i32_0 = arith.constant 0 : i32
    %c0_i32_1 = arith.constant 0 : i32
    return %c0_i32, %arg0, %c0_i32_0 : i32, i32, i32
  }
  func.func @transform_3(%arg0: i32) -> (i32, i32) {
    %c0_i32 = arith.constant 0 : i32
    %c0_i32_0 = arith.constant 0 : i32
    return %arg0, %c0_i32 : i32, i32
  }
}

module attributes {stable_mosaic.version = 14 : i64} {
  func.func @_mm2_body(%arg0: i32, %arg1: memref<2x632x128xf32, #tpu.memory_space<vmem>>, %arg2: memref<632x128xf32, #tpu.memory_space<vmem>>, %arg3: memref<2x632x128xf32, #tpu.memory_space<vmem>>, %arg4: memref<128x128xf32, #tpu.memory_space<vmem>>, %arg5: memref<1x128xf32, #tpu.memory_space<vmem>>, %arg6: memref<632x128xf32, #tpu.memory_space<vmem>>) attributes {dimension_semantics = [#tpu.dimension_semantics<arbitrary>], iteration_bounds = array<i64: 16>, scalar_prefetch = 0 : i64, scratch_operands = 0 : i64, tpu.core_type = #tpu.core_type<tc>, window_params = [{transform_indices = @transform_0, window_bounds = array<i64: 2, 632, 128>}, {transform_indices = @transform_1, window_bounds = array<i64: 632, 128>}, {transform_indices = @transform_2, window_bounds = array<i64: 2, 632, 128>}, {pipeline_mode = #tpu.pipeline_mode<synchronous>, transform_indices = @transform_3, window_bounds = array<i64: 128, 128>}, {pipeline_mode = #tpu.pipeline_mode<synchronous>, transform_indices = @transform_4, window_bounds = array<i64: 1, 128>}, {transform_indices = @transform_5, window_bounds = array<i64: 632, 128>}]} {
    %get3A = arith.constant 0 : index
    %get3A_0 = arith.constant 0 : index
    %get3A_1 = arith.constant 0 : index
    %get3A_2 = vector.load %arg3[%get3A, %get3A_0, %get3A_1] : memref<2x632x128xf32, #tpu.memory_space<vmem>>, vector<1x632x1xf32>
    %get3A_3 = vector.shape_cast %get3A_2 : vector<1x632x1xf32> to vector<632x1xf32>
    %add3A = arith.constant 1.000000e+00 : f32
    %add3A_4 = vector.broadcast %add3A : f32 to vector<632x1xf32>
    %add3A_5 = arith.addf %add3A_4, %get3A_3 : vector<632x1xf32>
    %get3A_6 = arith.constant 1 : index
    %get3A_7 = arith.constant 0 : index
    %get3A_8 = arith.constant 0 : index
    %get3A_9 = vector.load %arg3[%get3A_6, %get3A_7, %get3A_8] : memref<2x632x128xf32, #tpu.memory_space<vmem>>, vector<1x632x1xf32>
    %get3A_10 = vector.shape_cast %get3A_9 : vector<1x632x1xf32> to vector<632x1xf32>
    %add3A_11 = arith.addf %add3A_5, %get3A_10 : vector<632x1xf32>
    %rsqrt3A = math.rsqrt %add3A_11 : vector<632x1xf32>
    %get3A_12 = arith.constant 0 : index
    %get3A_13 = arith.constant 0 : index
    %get3A_14 = arith.constant 0 : index
    %get3A_15 = vector.load %arg1[%get3A_12, %get3A_13, %get3A_14] : memref<2x632x128xf32, #tpu.memory_space<vmem>>, vector<1x632x128xf32>
    %get3A_16 = vector.shape_cast %get3A_15 : vector<1x632x128xf32> to vector<632x128xf32>
    %get3A_17 = arith.constant 1 : index
    %get3A_18 = arith.constant 0 : index
    %get3A_19 = arith.constant 0 : index
    %get3A_20 = vector.load %arg1[%get3A_17, %get3A_18, %get3A_19] : memref<2x632x128xf32, #tpu.memory_space<vmem>>, vector<1x632x128xf32>
    %get3A_21 = vector.shape_cast %get3A_20 : vector<1x632x128xf32> to vector<632x128xf32>
    %add3A_22 = arith.addf %get3A_16, %get3A_21 : vector<632x128xf32>
    %get3A_23 = arith.constant 0 : index
    %get3A_24 = arith.constant 0 : index
    %get3A_25 = vector.load %arg2[%get3A_23, %get3A_24] : memref<632x128xf32, #tpu.memory_space<vmem>>, vector<632x128xf32>
    %add3A_26 = arith.addf %add3A_22, %get3A_25 : vector<632x128xf32>
    %mul3A = vector.broadcast %rsqrt3A : vector<632x1xf32> to vector<632x128xf32>
    %mul3A_27 = arith.mulf %add3A_26, %mul3A : vector<632x128xf32>
    %get3A_28 = arith.constant 0 : index
    %get3A_29 = arith.constant 0 : index
    %get3A_30 = vector.load %arg5[%get3A_28, %get3A_29] : memref<1x128xf32, #tpu.memory_space<vmem>>, vector<1x128xf32>
    %add3A_31 = vector.broadcast %get3A_30 : vector<1x128xf32> to vector<632x128xf32>
    %add3A_32 = arith.addf %mul3A_27, %add3A_31 : vector<632x128xf32>
    %max3A = arith.constant 0.000000e+00 : f32
    %max3A_33 = vector.broadcast %max3A : f32 to vector<632x128xf32>
    %max3A_34 = arith.maximumf %add3A_32, %max3A_33 : vector<632x128xf32>
    %get3A_35 = arith.constant 0 : index
    %get3A_36 = arith.constant 0 : index
    %get3A_37 = vector.load %arg4[%get3A_35, %get3A_36] : memref<128x128xf32, #tpu.memory_space<vmem>>, vector<128x128xf32>
    %dot_general3A = arith.constant dense<0.000000e+00> : vector<632x128xf32>
    %dot_general3A_38 = tpu.matmul %max3A_34, %get3A_37, %dot_general3A {dimension_numbers = #tpu.dot_dimension_numbers<[1], [0], [0], [1], [0, 0, 1, 1], [], []>, transpose_lhs_hint = false} : vector<632x128xf32>, vector<128x128xf32>, vector<632x128xf32> -> vector<632x128xf32>
    %mul3A_39 = vector.broadcast %rsqrt3A : vector<632x1xf32> to vector<632x128xf32>
    %mul3A_40 = arith.mulf %dot_general3A_38, %mul3A_39 : vector<632x128xf32>
    %swap3A = arith.constant 0 : index
    %swap3A_41 = arith.constant 0 : index
    %swap3A_42 = vector.load %arg6[%swap3A, %swap3A_41] : memref<632x128xf32, #tpu.memory_space<vmem>>, vector<632x128xf32>
    tpu.vector_store %arg6[%swap3A, %swap3A_41], %mul3A_40 {strides = array<i32>} : memref<632x128xf32, #tpu.memory_space<vmem>>, vector<632x128xf32>,
    return
  }
  func.func @transform_0(%arg0: i32) -> (i32, i32, i32) {
    %c0_i32 = arith.constant 0 : i32
    %c0_i32_0 = arith.constant 0 : i32
    %c0_i32_1 = arith.constant 0 : i32
    return %c0_i32, %arg0, %c0_i32_0 : i32, i32, i32
  }
  func.func @transform_1(%arg0: i32) -> (i32, i32) {
    %c0_i32 = arith.constant 0 : i32
    %c0_i32_0 = arith.constant 0 : i32
    return %arg0, %c0_i32 : i32, i32
  }
  func.func @transform_2(%arg0: i32) -> (i32, i32, i32) {
    %c0_i32 = arith.constant 0 : i32
    %c0_i32_0 = arith.constant 0 : i32
    %c0_i32_1 = arith.constant 0 : i32
    return %c0_i32, %arg0, %c0_i32_0 : i32, i32, i32
  }
  func.func @transform_3(%arg0: i32) -> (i32, i32) {
    %c0_i32 = arith.constant 0 : i32
    %c0_i32_0 = arith.constant 0 : i32
    %c0_i32_1 = arith.constant 0 : i32
    return %c0_i32, %c0_i32_0 : i32, i32
  }
  func.func @transform_4(%arg0: i32) -> (i32, i32) {
    %c0_i32 = arith.constant 0 : i32
    %c0_i32_0 = arith.constant 0 : i32
    %c0_i32_1 = arith.constant 0 : i32
    return %c0_i32, %c0_i32_0 : i32, i32
  }
  func.func @transform_5(%arg0: i32) -> (i32, i32) {
    %c0_i32 = arith.constant 0 : i32
    %c0_i32_0 = arith.constant 0 : i32
    return %arg0, %c0_i32 : i32, i32
  }
}

module attributes {stable_mosaic.version = 14 : i64} {
  func.func @_fin_body(%arg0: i32, %arg1: memref<2x632x128xf32, #tpu.memory_space<vmem>>, %arg2: memref<632x128xf32, #tpu.memory_space<vmem>>, %arg3: memref<2x632x128xf32, #tpu.memory_space<vmem>>, %arg4: memref<1x128xf32, #tpu.memory_space<vmem>>, %arg5: memref<632x128xf32, #tpu.memory_space<vmem>>) attributes {dimension_semantics = [#tpu.dimension_semantics<arbitrary>], iteration_bounds = array<i64: 16>, scalar_prefetch = 0 : i64, scratch_operands = 0 : i64, tpu.core_type = #tpu.core_type<tc>, window_params = [{transform_indices = @transform_0, window_bounds = array<i64: 2, 632, 128>}, {transform_indices = @transform_1, window_bounds = array<i64: 632, 128>}, {transform_indices = @transform_2, window_bounds = array<i64: 2, 632, 128>}, {pipeline_mode = #tpu.pipeline_mode<synchronous>, transform_indices = @transform_3, window_bounds = array<i64: 1, 128>}, {transform_indices = @transform_4, window_bounds = array<i64: 632, 128>}]} {
    %get3A = arith.constant 0 : index
    %get3A_0 = arith.constant 0 : index
    %get3A_1 = arith.constant 0 : index
    %get3A_2 = vector.load %arg1[%get3A, %get3A_0, %get3A_1] : memref<2x632x128xf32, #tpu.memory_space<vmem>>, vector<1x632x128xf32>
    %get3A_3 = vector.shape_cast %get3A_2 : vector<1x632x128xf32> to vector<632x128xf32>
    %get3A_4 = arith.constant 1 : index
    %get3A_5 = arith.constant 0 : index
    %get3A_6 = arith.constant 0 : index
    %get3A_7 = vector.load %arg1[%get3A_4, %get3A_5, %get3A_6] : memref<2x632x128xf32, #tpu.memory_space<vmem>>, vector<1x632x128xf32>
    %get3A_8 = vector.shape_cast %get3A_7 : vector<1x632x128xf32> to vector<632x128xf32>
    %add3A = arith.addf %get3A_3, %get3A_8 : vector<632x128xf32>
    %get3A_9 = arith.constant 0 : index
    %get3A_10 = arith.constant 0 : index
    %get3A_11 = vector.load %arg2[%get3A_9, %get3A_10] : memref<632x128xf32, #tpu.memory_space<vmem>>, vector<632x128xf32>
    %add3A_12 = arith.addf %add3A, %get3A_11 : vector<632x128xf32>
    %get3A_13 = arith.constant 0 : index
    %get3A_14 = arith.constant 0 : index
    %get3A_15 = arith.constant 0 : index
    %get3A_16 = vector.load %arg3[%get3A_13, %get3A_14, %get3A_15] : memref<2x632x128xf32, #tpu.memory_space<vmem>>, vector<1x632x1xf32>
    %get3A_17 = vector.shape_cast %get3A_16 : vector<1x632x1xf32> to vector<632x1xf32>
    %add3A_18 = arith.constant 1.000000e+00 : f32
    %add3A_19 = vector.broadcast %add3A_18 : f32 to vector<632x1xf32>
    %add3A_20 = arith.addf %add3A_19, %get3A_17 : vector<632x1xf32>
    %get3A_21 = arith.constant 1 : index
    %get3A_22 = arith.constant 0 : index
    %get3A_23 = arith.constant 0 : index
    %get3A_24 = vector.load %arg3[%get3A_21, %get3A_22, %get3A_23] : memref<2x632x128xf32, #tpu.memory_space<vmem>>, vector<1x632x1xf32>
    %get3A_25 = vector.shape_cast %get3A_24 : vector<1x632x1xf32> to vector<632x1xf32>
    %add3A_26 = arith.addf %add3A_20, %get3A_25 : vector<632x1xf32>
    %rsqrt3A = math.rsqrt %add3A_26 : vector<632x1xf32>
    %mul3A = vector.broadcast %rsqrt3A : vector<632x1xf32> to vector<632x128xf32>
    %mul3A_27 = arith.mulf %add3A_12, %mul3A : vector<632x128xf32>
    %get3A_28 = arith.constant 0 : index
    %get3A_29 = arith.constant 0 : index
    %get3A_30 = vector.load %arg4[%get3A_28, %get3A_29] : memref<1x128xf32, #tpu.memory_space<vmem>>, vector<1x128xf32>
    %add3A_31 = vector.broadcast %get3A_30 : vector<1x128xf32> to vector<632x128xf32>
    %add3A_32 = arith.addf %mul3A_27, %add3A_31 : vector<632x128xf32>
    %swap3A = arith.constant 0 : index
    %swap3A_33 = arith.constant 0 : index
    %swap3A_34 = vector.load %arg5[%swap3A, %swap3A_33] : memref<632x128xf32, #tpu.memory_space<vmem>>, vector<632x128xf32>
    tpu.vector_store %arg5[%swap3A, %swap3A_33], %add3A_32 {strides = array<i32>} : memref<632x128xf32, #tpu.memory_space<vmem>>, vector<632x128xf32>,
    return
  }
  func.func @transform_0(%arg0: i32) -> (i32, i32, i32) {
    %c0_i32 = arith.constant 0 : i32
    %c0_i32_0 = arith.constant 0 : i32
    %c0_i32_1 = arith.constant 0 : i32
    return %c0_i32, %arg0, %c0_i32_0 : i32, i32, i32
  }
  func.func @transform_1(%arg0: i32) -> (i32, i32) {
    %c0_i32 = arith.constant 0 : i32
    %c0_i32_0 = arith.constant 0 : i32
    return %arg0, %c0_i32 : i32, i32
  }
  func.func @transform_2(%arg0: i32) -> (i32, i32, i32) {
    %c0_i32 = arith.constant 0 : i32
    %c0_i32_0 = arith.constant 0 : i32
    %c0_i32_1 = arith.constant 0 : i32
    return %c0_i32, %arg0, %c0_i32_0 : i32, i32, i32
  }
  func.func @transform_3(%arg0: i32) -> (i32, i32) {
    %c0_i32 = arith.constant 0 : i32
    %c0_i32_0 = arith.constant 0 : i32
    %c0_i32_1 = arith.constant 0 : i32
    return %c0_i32, %c0_i32_0 : i32, i32
  }
  func.func @transform_4(%arg0: i32) -> (i32, i32) {
    %c0_i32 = arith.constant 0 : i32
    %c0_i32_0 = arith.constant 0 : i32
    return %arg0, %c0_i32 : i32, i32
  }
}

</mosaic_0001>

<sc_bundles>
// kernel: kernel.11.cloned.1.call-start
scs
__scs_entry_jumppad:
0x0: {  	(pc) =	sbr.rel $0x88, $3  }
0x1: {  	(tag) =	ssettag $0x0;
	lr =	simm.s32 $0x1  }
0x2: {  	[smem:$0x3F9B] =	sst lr;
	_ =	strace $0xD0000000  }
0x3: {  	_ = 	snop  }
0x4: {  	_ = 	snop  }
0x5: {  	_ = 	snop  }
0x6: {  	_ = 	snop  }
0x7: {  	_ = 	snop  }
__scs_overlays_trampoline_lowered:
0x8: {  	[smem:$0x3FAA] =	sst s0  }
0x9: {  	[smem:$0x3FAB] =	sst s1  }
0xa: {  	[smem:$0x3FAC] =	sst s2  }
0xb: {  	[smem:$0x3FAD] =	sst s3  }
0xc: {  	[smem:$0x3FAE] =	sst s4  }
0xd: {  	[smem:$0x3FAF] =	sst s5  }
0xe: {  	[smem:$0x3FB0] =	sst s6  }
0xf: {  	[smem:$0x3FB1] =	sst s7  }
0x10: {  	[smem:$0x3FB2] =	sst s8  }
0x11: {  	[smem:$0x3FB3] =	sst s9;
	s0 =	simm.s32 @!p0 $0x0  }
0x12: {  	s1 =	sld [smem:$0x3F99];
	s0 =	simm.s32 @p0 $0x1  }
0x13: {  	[smem:$0x3FB4] =	sst s0;
	s0 =	simm.s32 @!p1 $0x0  }
0x14: {  	s2 =	sld [smem:$0x3F98];
	s0 =	simm.s32 @p1 $0x1  }
0x15: {  	[smem:$0x3FB5] =	sst s0;
	s0 =	simm.s32 @!p2 $0x0  }
0x16: {  	s3 =	sld [smem:$0x3FDB];
	s0 =	simm.s32 @p2 $0x1  }
0x17: {  	s4 =	simm.s32 $0x1BF5;
	[smem:$0x3FB7] =	sst s0  }
0x18: {  	s0 =	sld [smem:$0x3F9A];
	_ =	swait.ge [sflag:s4], $0x0  }
0x19: {  	s7 =	sld [smem:$0x3F9B]  }
0x1a: {  	s8 =	sadd.s32 $0xFFFFE003, lr  }
0x1b: {  	s9 =	sadd.s32 $0xFFFFFEF7, lr;
	s5 =	simm.s32 $0xFFFFFFFF;
	p2 =	slt.u32 s8, $0xFFFFF086  }
0x1c: {  	p1 =	slt.u32 s9, $0xF7A;
	s5 =	simm.s32 @!p2 $0x0  }
0x1d: {  	s5 =	simm.s32 @p1 $0x1;
	p0 =	seq.s32 s7, s2  }
0x1e: {  	s7 =	smul.u32 @!p0 $0xF7A, s2;
	p2 =	seq.s32 @!p0 s5, $0x0  }
0x1f: {  	s9 =	smul.u32 $0xF7A, s1;
	s8 =	simm.s32 @!p0 $0x1BF5;
	p2 =	por !p2, p0  }
0x20: {  	[sflag:s8] =	ssyncset.s32 @!p0 $0xFFFFF086;
	s6 =	sadd.s32 @!p0 s3, s7;
	s7 =	simm.s32 @!p0 $0x108  }
0x21: {  	s3 =	sadd.s32 s3, s9;
	s6 =	sadd.s32 @!p0 $0x88, s6;
	s7 =	simm.s32 @p2 $0x1082  }
0x22: {  	[simem:s7], [sflag:s8] =	dma.local @!p0 [hbm:s6], $0xF7A  }
0x23: {  	s9 =	sor.u32 $0xD0000000, s2;
	s6 =	simm.s32 $0x108;
	_ =	swait.ge @!p0 [sflag:s8], $0x0  }
0x24: {  	s3 =	sadd.s32 $0x88, s3;
	s6 =	simm.s32 @!p1 $0x1082;
	[sflag:s4] =	ssyncset.s32 $0xFFFFF086  }
0x25: {  	[simem:s6], [sflag:s4] =	dma.local [hbm:s3], $0xF7A  }
0x26: {  	[smem:$0x3F9B] =	sst s1;
	(tag) =	ssettag s2;
	_ =	strace s9  }
0x27: {  	s1 =	sld [smem:$0x3FAB]  }
0x28: {  	s2 =	sld [smem:$0x3FAC]  }
0x29: {  	s4 =	sld [smem:$0x3FAE]  }
0x2a: {  	p0 =	seq.s32 s5, $0x0;
	s5 =	sld [smem:$0x3FAF]  }
0x2b: {  	s6 =	sld [smem:$0x3FB0]  }
0x2c: {  	s7 =	sld [smem:$0x3FB1]  }
0x2d: {  	s3 =	simm.s32 $0x108;
	s8 =	sld [smem:$0x3FB2]  }
0x2e: {  	s3 =	simm.s32 @!p0 $0x1082;
	s9 =	sld [smem:$0x3FB3]  }
0x2f: {  	lr =	sadd.s32 s0, s3;
	s0 =	sld [smem:$0x3FAA]  }
0x30: {  	s3 =	sld [smem:$0x3FAD]  }
0x31: {  	[smem:$0x3FB6] =	sst s10  }
0x32: {  	s10 =	sld [smem:$0x3FB4];
	_ =	sdelay $0x3  }
0x33: {  	p0 =	seq.s32 s10, $0x1;
	s10 =	sld [smem:$0x3FB6];
	_ =	sdelay $0x3  }
0x34: {  	[smem:$0x3FB6] =	sst s10  }
0x35: {  	s10 =	sld [smem:$0x3FB5];
	_ =	sdelay $0x3  }
0x36: {  	p1 =	seq.s32 s10, $0x1;
	s10 =	sld [smem:$0x3FB6];
	_ =	sdelay $0x3  }
0x37: {  	[smem:$0x3FB6] =	sst s10  }
0x38: {  	s10 =	sld [smem:$0x3FB7]  }
0x39: {  	_ = 	snop;
	(pc) =	sbr.ind lr, $3  }
0x3a: {  	_ = 	snop  }
0x3b: {  	_ = 	snop  }
0x3c: {  	p2 =	seq.s32 s10, $0x1;
	s10 =	sld [smem:$0x3FB6]  }
0x3d: {  	_ =	shalt  }
0x3e: {  	_ =	shalt  }
0x3f: {  	_ =	shalt  }
0x40: {  	_ =	shalt  }
0x41: {  	_ =	shalt  }
0x42: {  	_ =	shalt  }
0x43: {  	_ =	shalt  }
0x44: {  	_ =	shalt  }
0x45: {  	_ =	shalt  }
0x46: {  	_ =	shalt  }
0x47: {  	_ =	shalt  }
0x48: {  	_ =	shalt  }
0x49: {  	_ =	shalt  }
0x4a: {  	_ =	shalt  }
0x4b: {  	_ =	shalt  }
0x4c: {  	_ =	shalt  }
0x4d: {  	_ =	shalt  }
0x4e: {  	_ =	shalt  }
0x4f: {  	_ =	shalt  }
0x50: {  	_ =	shalt  }
0x51: {  	_ =	shalt  }
0x52: {  	_ =	shalt  }
0x53: {  	_ =	shalt  }
0x54: {  	_ =	shalt  }
0x55: {  	_ =	shalt  }
0x56: {  	_ =	shalt  }
0x57: {  	_ =	shalt  }
0x58: {  	_ =	shalt  }
0x59: {  	_ =	shalt  }
0x5a: {  	_ =	shalt  }
0x5b: {  	_ =	shalt  }
0x5c: {  	_ =	shalt  }
0x5d: {  	_ =	shalt  }
0x5e: {  	_ =	shalt  }
0x5f: {  	_ =	shalt  }
0x60: {  	_ =	shalt  }
0x61: {  	_ =	shalt  }
0x62: {  	_ =	shalt  }
0x63: {  	_ =	shalt  }
0x64: {  	_ =	shalt  }
0x65: {  	_ =	shalt  }
0x66: {  	_ =	shalt  }
0x67: {  	_ =	shalt  }
0x68: {  	_ =	shalt  }
0x69: {  	_ =	shalt  }
0x6a: {  	_ =	shalt  }
0x6b: {  	_ =	shalt  }
0x6c: {  	_ =	shalt  }
0x6d: {  	_ =	shalt  }
0x6e: {  	_ =	shalt  }
0x6f: {  	_ =	shalt  }
0x70: {  	_ =	shalt  }
0x71: {  	_ =	shalt  }
0x72: {  	_ =	shalt  }
0x73: {  	_ =	shalt  }
0x74: {  	_ =	shalt  }
0x75: {  	_ =	shalt  }
0x76: {  	_ =	shalt  }
0x77: {  	_ =	shalt  }
0x78: {  	_ =	shalt  }
0x79: {  	_ =	shalt  }
0x7a: {  	_ =	shalt  }
0x7b: {  	_ =	shalt  }
0x7c: {  	_ =	shalt  }
0x7d: {  	_ =	shalt  }
0x7e: {  	_ =	shalt  }
0x7f: {  	_ =	shalt  }
0x80: {  	_ =	shalt  }
0x81: {  	_ =	shalt  }
0x82: {  	_ =	shalt  }
0x83: {  	_ =	shalt  }
0x84: {  	_ =	shalt  }
0x85: {  	_ =	shalt  }
0x86: {  	_ =	shalt  }
0x87: {  	_ =	shalt  }
.Lfunc_end0:
.L_simem_size_0:
called_computation.1_lowered:
.L_overlay_start_0:
0x88: {  	s2 =	sld [smem:$0x3FD9]  }
0x89: {  	s3 =	sld [smem:$0x3FFE];
	_ =	sdelay $0x1  }
0x8a: {  	s1 =	srdreg.scid  }
0x8b: {  	s0 =	sand.u32 $0x1, s1  }
0x8c: {  	s17 =	sshll.u32 s0, $0xA;
	s2 =	sadd.s32 s3, s2  }
0x8d: {  	s2 =	sadd.s32 s2, s17  }
0x8e: {  	[smem:$0x3FC2] =	sst s2  }
0x8f: {  	_ = 	snop  }
0x90: {  	s2 =	sld [smem:$0x3FD0];
	(tm) =	ssettm $0x1  }
0x91: {  	s18 =	sld [smem:$0x3FFB];
	_ =	sdelay $0x3  }
0x92: {  	_ =	strace s18  }
0x93: {  	s3 =	sld [smem:$0x3FFC];
	_ =	sdelay $0x3  }
0x94: {  	_ =	strace s3  }
0x95: {  	s3 =	sld [smem:$0x3FFD];
	_ =	sdelay $0x3  }
0x96: {  	_ =	strace s3  }
0x97: {  	_ =	strace $0x8FFFFFFF  }
0x98: {  	s19 =	sld [smem:$0x3FDB];
	_ =	sdelay $0x1  }
0x99: {  	s4 =	simm.s32 $_scs_section_size  }
0x9a: {  	s5 =	simm.s32 $_size__tile_overlayer_lowered;
	s6 =	simm.s32 $_tile_overlayer_lowered  }
0x9b: {  	s22 =	simm.s32 $0x1BFF;
	s21 =	sshll.u32 s6, $0x1;
	s3 =	sadd.s32 s4, s19  }
0x9c: {  	s7 =	simm.s32 $0x0;
	s20 =	sshll.u32 s5, $0x1;
	s5 =	sadd.s32 s21, s3  }
0x9d: {  	[timem:s7], [sflag:s22] =	dma.local [hbm:s5], s20  }
0x9e: {  	_ =	swait.ge [sflag:s22], s20  }
0x9f: {  	s4 =	ssub.s32 $0x0, s20;
	[sflag:s22] =	ssyncset.done $0x0  }
0xa0: {  	[sflag:s22] =	ssyncadd.s32 s4;
	_ =	sdelay $0x1  }
0xa1: {  	s23 =	simm.s32 $0x1B8B  }
0xa2: {  	_ =	swait.ge [sflag:s23], $0x1  }
0xa3: {  	[sflag:s23] =	ssyncset.done $0x0  }
0xa4: {  	s25 =	simm.s32 $0x1B8E;
	s24 =	sld [smem:$0x3FFE];
	[sflag:s23] =	ssyncadd.s32 $0xFFFFFFFF  }
0xa5: {  	s26 =	simm.s32 $execute0_lowered;
	[smem:$0x3FD2] =	sst s25  }
0xa6: {  	s5 =	sshll.u32 s26, $0x1;
	_ =	strace $0x80000049;
	[dreg:$0x1] =	wrdreg $0xFFFFFFFF  }
0xa7: {  	s28 =	simm.s32 $_size_execute0_lowered;
	s3 =	sadd.s32 s3, s5;
	[dreg:$0x0] =	wrdreg $0x0  }
0xa8: {  	s5 =	sshll.u32 s28, $0x1;
	[dreg:$0x2] =	wrdreg s3  }
0xa9: {  	[dreg:$0x3] =	wrdreg s5  }
0xaa: {  	[dreg:$0x4] =	wrdreg $0xC0  }
0xab: {  	_ =	task [dreg:s7], $0x5FFFF  }
0xac: {  	[dreg:$0x1] =	wrdreg $0xFFFFFFFF  }
0xad: {  	[dreg:$0x0] =	wrdreg $0x60  }
0xae: {  	[dreg:$0x2] =	wrdreg s24  }
0xaf: {  	[dreg:$0x3] =	wrdreg s2  }
0xb0: {  	[dreg:$0x4] =	wrdreg $0xA8000  }
0xb1: {  	[dreg:$0x5] =	wrdreg $0x9  }
0xb2: {  	_ =	task.clear_ibuf [dreg:s7], $0x6FFFF;
	_ =	strace $0x90000049  }
0xb3: {  	s29 =	simm.s32 $0x9;
	_ =	strace $0x8000004B  }
0xb4: {  	_ =	swait.ge [sflag:s29], $0x1  }
0xb5: {  	[sflag:s29] =	ssyncadd.s32 $0xFFFFFFFF  }
0xb6: {  	_ =	strace $0x9000004B  }
0xb7: {  	_ =	sfence  }
0xb8: {  	s30 =	sld [smem:$0x0];
	_ =	sdelay $0x2  }
0xb9: {  	s31 =	sshll.u32 s1, $0xD;
	s1 =	sshrl.u32 s1, $0x2  }
0xba: {  	s3 =	sand.u32 $0x4000, s31;
	s1 =	sadd.s32 s1, s30  }
0xbb: {  	s0 =	sor.u32 s3, s0;
	s1 =	sshll.u32 s1, $0x11  }
0xbc: {  	s0 =	sor.u32 s1, s0  }
0xbd: {  	s0 =	sadd.s32 $0x8F2B, s0  }
0xbe: {  	[sflag:s0] =	ssyncadd.remote.s32 $0x1  }
0xbf: {  	_ =	sfence.sel $0xFFFF  }
0xc0: {  	[dreg:$0x0] =	wrdreg $0xFFFFFFFF;
	(pc) =	sbr.abs _section_cstart, $3  }
0xc1: {  	[dreg:$0x1] =	wrdreg $0xFFFFFFFF  }
0xc2: {  	_ =	task.clear_ibuf [dreg:s7], $0x2FFFF;
	_ =	strace $0x9FFFFFFF  }
0xc3: {  	(tm) =	ssettm $0x7FFFFFFF  }
tec
execute0_lowered:
.L_overlay_start_1:
0x0: {  	(tag) =	ssettag $0x1  }
0x1: {  	s6 =	rddreg [dreg:$0x0]  }
0x2: {  	s10 =	rddreg [dreg:$0x1]  }
0x3: {  	s1 =	rddreg [dreg:$0x2];
	s2 =	srdreg.scid;
	s3 =	simm.s32 $0x0  }
0x4: {  	s0 =	stileid.u32;
	s16 =	simm.s32 $0x40;
	s17 =	simm.s32 $0x2800  }
0x5: {  	s18 =	simm.s32 $0x4800;
	s19 =	simm.s32 $0x6800;
	s20 =	simm.s32 $0x8800  }
0x6: {  	s21 =	simm.s32 $0x1;
	s28 =	simm.s32 $0x2780;
	s8 =	smul.u32 $0x13C00, s0  }
0x7: {  	s29 =	simm.s32 $0x0;
	s5 =	sand.u32 $0x1, s2;
	s9 =	smul.u32 $0x4F000, s0  }
0x8: {  	[smem:$0x7FF] =	sst s3;
	s4 =	sadd.s32 $0x5EA00, s6;
	s13 =	smul.u32 $0x50, s0  }
0x9: {  	s11 =	sadd.s32 $0x2A00, s6;
	s23 =	sadd.s32 $0xD200, s6;
	s7 =	smul.u32 $0x13C000, s5  }
0xa: {  	s31 =	sshll.u32 s0, $0x6;
	_ =	strace $0x8000004A;
	s22 =	smul.u32 $0x500, s5  }
0xb: {  	s12 =	ssub.s32 $0x2, s5;
	[dreg:$0x4] =	wrdreg s23;
	s23 =	simm.s32 $0x2  }
0xc: {  	s24 =	sshrl.u32 s12, $0x1;
	s25 =	sshrl.u32 s9, $0x2;
	s7 =	sadd.s32 s8, s7  }
0xd: {  	s12 =	ssub.s32 s12, s24;
	s26 =	sadd.s32 s13, s22;
	s30 =	sadd.s32 s25, s1  }
0xe: {  	s22 =	simm.s32 $0x80;
	s24 =	simm.s32 $0x1380;
	s25 =	simm.s32 $0x13C0  }
0xf: {  	s7 =	sshrl.u32 s7, $0x3;
	s8 =	sshll.u32 s26, $0x4;
	s12 =	smax.u32 s12, $0x1  }
0x10: {  	s13 =	sshrl.u32 s30, $0x3;
	s26 =	simm.s32 $0x2700;
	s14 =	sadd.s32 s7, s6  }
0x11: {  	s6 =	sor.u32 $0x1C03, s31;
	s7 =	sadd.s32 s11, s8;
	s15 =	sadd.s32 $0x280, s8  }
0x12: {  	s8 =	sadd.s32 s10, s8;
	s9 =	sadd.s32 s11, s15;
	s10 =	sadd.s32 s10, s15  }
0x13: {  	s11 =	sadd.s32 $0x86200, s14;
	s14 =	simm.s32 $0x3;
	s15 =	simm.s32 $0x1400  }
.LBB2_1:
0x14: {  	s0 =	rddreg [dreg:$0x4]  }
0x15: {  	[spmem:s13], [sflag:s6] =	dma.local [hbm:s0], $0x2780  }
0x16: {  	_ =	swait.ge [sflag:s14], $0x2780  }
0x17: {  	[sflag:s14] =	ssyncset.done $0x0  }
0x18: {  	[sflag:s14] =	ssyncadd.s32 $0xFFFFD880  }
0x19: {  	[bflag:$0x0] =	sbarrier.arrive $0xFFFF  }
0x1a: {  	[tilespmem:s3], [sflag:$0x3] =	stream.linear.gather [hbm4b:s7+s3], $0x1400, $0x38;
	[tilespmem:$0x1E400] =	vst v63  }
0x1b: {  	_ =	swait.ge [sflag:s14], $0x1400  }
0x1c: {  	[sflag:s14] =	ssyncset.done $0x0  }
0x1d: {  	[sflag:s14] =	ssyncadd.s32 $0xFFFFEC00  }
0x1e: {  	[tilespmem:s15], [sflag:$0x3] =	stream.linear.gather [hbm4b:s8+s3], $0x1400, $0x38;
	[tilespmem:$0x1E400] =	vst v63  }
0x1f: {  	_ =	swait.ge [sflag:s14], $0x1400  }
0x20: {  	[sflag:s14] =	ssyncset.done $0x0  }
0x21: {  	[sflag:s14] =	ssyncadd.s32 $0xFFFFEC00  }
0x22: {  	[tilespmem:s17], [sflag:$0x1] =	stream.indirect.gather [hbm4b:s4+s16], $0x80, s3, s16, $0xb8;
	[tilespmem:$0x1E400] =	vst v63  }
0x23: {  	_ = 	snop  }
0x24: {  	[tilespmem:s18], [sflag:$0x1] =	stream.indirect.gather [hbm4b:s4+s16], $0x80, s16, s16, $0xb8;
	[tilespmem:$0x1E400] =	vst v63  }
0x25: {  	s30 =	simm.s32 $0x80  }
0x26: {  	[tilespmem:s19], [sflag:$0x2] =	stream.indirect.gather [hbm4b:s4+s16], $0x80, s30, s16, $0xb8;
	[tilespmem:$0x1E400] =	vst v63  }
0x27: {  	s30 =	simm.s32 $0xC0  }
0x28: {  	[tilespmem:s20], [sflag:$0x2] =	stream.indirect.gather [hbm4b:s4+s16], $0x80, s30, s16, $0xb8;
	[tilespmem:$0x1E400] =	vst v63  }
0x29: {  	_ =	swait.ge [sflag:s21], $0x2000  }
0x2a: {  	[sflag:s21] =	ssyncset.done $0x0  }
0x2b: {  	[sflag:s21] =	ssyncadd.s32 $0xFFFFE000  }
0x2c: {  	_ =	swait.ge [sflag:s21], $0x2000  }
0x2d: {  	[sflag:s21] =	ssyncset.done $0x0  }
0x2e: {  	s30 =	simm.s32 $0x1400;
	[sflag:s21] =	ssyncadd.s32 $0xFFFFE000  }
0x2f: {  	[spmem:s1] =	stream.indirect.scatter.add.f32 [tilespmem:s17], [sflag:$0x3], $0x80, s30, s22, $0xb8;
	[tilespmem:$0x1E400] =	vst v63  }
0x30: {  	_ =	swait.ge [sflag:s14], $0x4000  }
0x31: {  	[sflag:s14] =	ssyncset.done $0x0  }
0x32: {  	s30 =	simm.s32 $0x100;
	[sflag:s14] =	ssyncadd.s32 $0xFFFFC000  }
0x33: {  	[tilespmem:s17], [sflag:$0x1] =	stream.indirect.gather [hbm4b:s4+s16], $0x80, s30, s16, $0xb8;
	[tilespmem:$0x1E400] =	vst v63  }
0x34: {  	s30 =	simm.s32 $0x140  }
0x35: {  	[tilespmem:s18], [sflag:$0x1] =	stream.indirect.gather [hbm4b:s4+s16], $0x80, s30, s16, $0xb8;
	[tilespmem:$0x1E400] =	vst v63  }
0x36: {  	_ =	swait.ge [sflag:s23], $0x2000  }
0x37: {  	[sflag:s23] =	ssyncset.done $0x0  }
0x38: {  	[sflag:s23] =	ssyncadd.s32 $0xFFFFE000  }
0x39: {  	_ =	swait.ge [sflag:s23], $0x2000  }
0x3a: {  	[sflag:s23] =	ssyncset.done $0x0  }
0x3b: {  	s30 =	simm.s32 $0x1480;
	[sflag:s23] =	ssyncadd.s32 $0xFFFFE000  }
0x3c: {  	[spmem:s1] =	stream.indirect.scatter.add.f32 [tilespmem:s19], [sflag:$0x3], $0x80, s30, s22, $0xb8;
	[tilespmem:$0x1E400] =	vst v63  }
0x3d: {  	_ =	swait.ge [sflag:s14], $0x4000  }
0x3e: {  	s31 =	simm.s32 $0x800;
	s30 =	simm.s32 $0x100;
	[sflag:s14] =	ssyncset.done $0x0  }
.LBB2_2:
0x3f: {  	s0 =	sadd.s32 $0x80, s30  }
0x40: {  	[sflag:s14] =	ssyncadd.s32 $0xFFFFC000;
	s2 =	smov.u32 s31;
	s5 =	sadd.s32 $0x400, s31  }
0x41: {  	[tilespmem:s19], [sflag:$0x2] =	stream.indirect.gather [hbm4b:s4+s16], $0x80, s0, s16, $0xb8;
	[tilespmem:$0x1E400] =	vst v63  }
0x42: {  	p0 =	sne.s32 s31, $0x4800;
	s0 =	sadd.s32 $0xC0, s30  }
0x43: {  	[tilespmem:s20], [sflag:$0x2] =	stream.indirect.gather [hbm4b:s4+s16], $0x80, s0, s16, $0xb8;
	[tilespmem:$0x1E400] =	vst v63  }
0x44: {  	_ =	swait.ge [sflag:s21], $0x2000  }
0x45: {  	[sflag:s21] =	ssyncset.done $0x0  }
0x46: {  	[sflag:s21] =	ssyncadd.s32 $0xFFFFE000  }
0x47: {  	_ =	swait.ge [sflag:s21], $0x2000  }
0x48: {  	[sflag:s21] =	ssyncset.done $0x0  }
0x49: {  	s0 =	sadd.s32 $0x1400, s30;
	[sflag:s21] =	ssyncadd.s32 $0xFFFFE000  }
0x4a: {  	[spmem:s1] =	stream.indirect.scatter.add.f32 [tilespmem:s17], [sflag:$0x3], $0x80, s0, s22, $0xb8;
	[tilespmem:$0x1E400] =	vst v63  }
0x4b: {  	_ =	swait.ge [sflag:s14], $0x4000  }
0x4c: {  	[sflag:s14] =	ssyncset.done $0x0  }
0x4d: {  	s0 =	sadd.s32 $0x100, s30;
	[sflag:s14] =	ssyncadd.s32 $0xFFFFC000  }
0x4e: {  	[tilespmem:s17], [sflag:$0x1] =	stream.indirect.gather [hbm4b:s4+s16], $0x80, s0, s16, $0xb8;
	[tilespmem:$0x1E400] =	vst v63  }
0x4f: {  	s0 =	sadd.s32 $0x140, s30  }
0x50: {  	[tilespmem:s18], [sflag:$0x1] =	stream.indirect.gather [hbm4b:s4+s16], $0x80, s0, s16, $0xb8;
	[tilespmem:$0x1E400] =	vst v63  }
0x51: {  	_ =	swait.ge [sflag:s23], $0x2000  }
0x52: {  	[sflag:s23] =	ssyncset.done $0x0  }
0x53: {  	[sflag:s23] =	ssyncadd.s32 $0xFFFFE000  }
0x54: {  	_ =	swait.ge [sflag:s23], $0x2000  }
.Ltmp0:
0x55: {  	[sflag:s23] =	ssyncset.done $0x0;
	(pc) =	sbr.rel @p0 .LBB2_2-.Ltmp0, $4  }
0x56: {  	s0 =	sadd.s32 $0x1480, s30;
	[sflag:s23] =	ssyncadd.s32 $0xFFFFE000  }
0x57: {  	[spmem:s1] =	stream.indirect.scatter.add.f32 [tilespmem:s19], [sflag:$0x3], $0x80, s0, s22, $0xb8;
	[tilespmem:$0x1E400] =	vst v63  }
0x58: {  	_ =	swait.ge [sflag:s14], $0x4000  }
0x59: {  	s31 =	smov.u32 s5;
	s30 =	sshra.s32 s2, $0x2;
	[sflag:s14] =	ssyncset.done $0x0  }
0x5a: {  	s0 =	sadd.s32 $0x80, s30;
	[sflag:s14] =	ssyncadd.s32 $0xFFFFC000  }
0x5b: {  	[tilespmem:s19], [sflag:$0x2] =	stream.indirect.gather [hbm4b:s4+s16], $0x80, s0, s16, $0xb8;
	[tilespmem:$0x1E400] =	vst v63  }
0x5c: {  	s2 =	sadd.s32 $0xC0, s30  }
0x5d: {  	[tilespmem:s20], [sflag:$0x2] =	stream.indirect.gather [hbm4b:s4+s16], $0x80, s2, s16, $0xb8;
	[tilespmem:$0x1E400] =	vst v63  }
0x5e: {  	_ =	swait.ge [sflag:s21], $0x2000  }
0x5f: {  	[sflag:s21] =	ssyncset.done $0x0  }
0x60: {  	[sflag:s21] =	ssyncadd.s32 $0xFFFFE000  }
0x61: {  	_ =	swait.ge [sflag:s21], $0x2000  }
0x62: {  	[sflag:s21] =	ssyncset.done $0x0  }
0x63: {  	s5 =	sadd.s32 $0x1400, s30;
	[sflag:s21] =	ssyncadd.s32 $0xFFFFE000  }
0x64: {  	[spmem:s1] =	stream.indirect.scatter.add.f32 [tilespmem:s17], [sflag:$0x3], $0x80, s5, s22, $0xb8;
	[tilespmem:$0x1E400] =	vst v63  }
0x65: {  	_ =	swait.ge [sflag:s14], $0x4000  }
0x66: {  	[sflag:s14] =	ssyncset.done $0x0  }
0x67: {  	s2 =	sadd.s32 $0x100, s30;
	[sflag:s14] =	ssyncadd.s32 $0xFFFFC000  }
0x68: {  	[tilespmem:s17], [sflag:$0x1] =	stream.indirect.gather [hbm4b:s4+s16], $0x80, s2, s16, $0xb8;
	[tilespmem:$0x1E400] =	vst v63  }
0x69: {  	s5 =	sadd.s32 $0x140, s30  }
0x6a: {  	[tilespmem:s18], [sflag:$0x1] =	stream.indirect.gather [hbm4b:s4+s16], $0x80, s5, s16, $0xb8;
	[tilespmem:$0x1E400] =	vst v63  }
0x6b: {  	_ =	swait.ge [sflag:s23], $0x2000  }
0x6c: {  	[sflag:s23] =	ssyncset.done $0x0  }
0x6d: {  	[sflag:s23] =	ssyncadd.s32 $0xFFFFE000  }
0x6e: {  	_ =	swait.ge [sflag:s23], $0x2000  }
0x6f: {  	[sflag:s23] =	ssyncset.done $0x0  }
0x70: {  	s2 =	sadd.s32 $0x1480, s30;
	[sflag:s23] =	ssyncadd.s32 $0xFFFFE000  }
0x71: {  	[spmem:s1] =	stream.indirect.scatter.add.f32 [tilespmem:s19], [sflag:$0x3], $0x80, s2, s22, $0xb8;
	[tilespmem:$0x1E400] =	vst v63  }
0x72: {  	_ =	swait.ge [sflag:s14], $0x4000  }
0x73: {  	[sflag:s14] =	ssyncset.done $0x0  }
0x74: {  	[sflag:s14] =	ssyncadd.s32 $0xFFFFC000  }
0x75: {  	[tilespmem:s19], [sflag:$0x2] =	stream.indirect.gather [hbm4b:s4+s16], $0x80, s24, s16, $0xb8;
	[tilespmem:$0x1E400] =	vst v63  }
0x76: {  	_ = 	snop  }
0x77: {  	[tilespmem:s20], [sflag:$0x2] =	stream.indirect.gather [hbm4b:s4+s16], $0x80, s25, s16, $0xb8;
	[tilespmem:$0x1E400] =	vst v63  }
0x78: {  	_ =	swait.ge [sflag:s21], $0x2000  }
0x79: {  	[sflag:s21] =	ssyncset.done $0x0  }
0x7a: {  	[sflag:s21] =	ssyncadd.s32 $0xFFFFE000  }
0x7b: {  	_ =	swait.ge [sflag:s21], $0x2000  }
0x7c: {  	[sflag:s21] =	ssyncset.done $0x0  }
0x7d: {  	[sflag:s21] =	ssyncadd.s32 $0xFFFFE000  }
0x7e: {  	[spmem:s1] =	stream.indirect.scatter.add.f32 [tilespmem:s17], [sflag:$0x3], $0x80, s26, s22, $0xb8;
	[tilespmem:$0x1E400] =	vst v63  }
0x7f: {  	_ =	swait.ge [sflag:s14], $0x4000  }
0x80: {  	[sflag:s14] =	ssyncset.done $0x0  }
0x81: {  	[sflag:s14] =	ssyncadd.s32 $0xFFFFC000  }
0x82: {  	[tilespmem:s17], [sflag:$0x1] =	stream.indirect.gather [hbm4b:s4+s16], $0x80, s24, s16, $0xb8;
	[tilespmem:$0x1E400] =	vst v63  }
0x83: {  	_ = 	snop  }
0x84: {  	[tilespmem:s18], [sflag:$0x1] =	stream.indirect.gather [hbm4b:s4+s16], $0x80, s25, s16, $0xb8;
	[tilespmem:$0x1E400] =	vst v63  }
0x85: {  	_ =	swait.ge [sflag:s23], $0x2000  }
0x86: {  	[sflag:s23] =	ssyncset.done $0x0  }
0x87: {  	[sflag:s23] =	ssyncadd.s32 $0xFFFFE000  }
0x88: {  	_ =	swait.ge [sflag:s23], $0x2000  }
0x89: {  	[sflag:s23] =	ssyncset.done $0x0  }
0x8a: {  	[sflag:s23] =	ssyncadd.s32 $0xFFFFE000  }
0x8b: {  	[spmem:s1] =	stream.indirect.scatter.add.f32 [tilespmem:s19], [sflag:$0x3], $0x80, s28, s22, $0xb8;
	[tilespmem:$0x1E400] =	vst v63  }
0x8c: {  	_ =	swait.ge [sflag:s14], $0x4000  }
0x8d: {  	[sflag:s14] =	ssyncset.done $0x0  }
0x8e: {  	[sflag:s14] =	ssyncadd.s32 $0xFFFFC000  }
0x8f: {  	_ =	swait.ge [sflag:s21], $0x2000  }
0x90: {  	[sflag:s21] =	ssyncset.done $0x0  }
0x91: {  	[sflag:s21] =	ssyncadd.s32 $0xFFFFE000  }
0x92: {  	_ =	swait.ge [sflag:s21], $0x2000  }
0x93: {  	[sflag:s21] =	ssyncset.done $0x0  }
0x94: {  	s5 =	simm.s32 $0x0;
	[sflag:s21] =	ssyncadd.s32 $0xFFFFE000  }
0x95: {  	[tilespmem:s5], [sflag:$0x3] =	stream.linear.gather [hbm4b:s9+s5], $0x1400, $0x38;
	[tilespmem:$0x1E400] =	vst v63  }
0x96: {  	_ =	swait.ge [sflag:s14], $0x1400  }
0x97: {  	[sflag:s14] =	ssyncset.done $0x0  }
0x98: {  	[sflag:s14] =	ssyncadd.s32 $0xFFFFEC00  }
0x99: {  	[tilespmem:s15], [sflag:$0x3] =	stream.linear.gather [hbm4b:s10+s5], $0x1400, $0x38;
	[tilespmem:$0x1E400] =	vst v63  }
0x9a: {  	_ =	swait.ge [sflag:s14], $0x1400  }
0x9b: {  	[sflag:s14] =	ssyncset.done $0x0  }
0x9c: {  	[sflag:s14] =	ssyncadd.s32 $0xFFFFEC00  }
0x9d: {  	[tilespmem:s17], [sflag:$0x1] =	stream.indirect.gather [hbm4b:s4+s16], $0x80, s5, s16, $0xb8;
	[tilespmem:$0x1E400] =	vst v63  }
0x9e: {  	_ = 	snop  }
0x9f: {  	[tilespmem:s18], [sflag:$0x1] =	stream.indirect.gather [hbm4b:s4+s16], $0x80, s16, s16, $0xb8;
	[tilespmem:$0x1E400] =	vst v63  }
0xa0: {  	s2 =	simm.s32 $0x80  }
0xa1: {  	[tilespmem:s19], [sflag:$0x2] =	stream.indirect.gather [hbm4b:s4+s16], $0x80, s2, s16, $0xb8;
	[tilespmem:$0x1E400] =	vst v63  }
0xa2: {  	s5 =	simm.s32 $0xC0  }
0xa3: {  	[tilespmem:s20], [sflag:$0x2] =	stream.indirect.gather [hbm4b:s4+s16], $0x80, s5, s16, $0xb8;
	[tilespmem:$0x1E400] =	vst v63  }
0xa4: {  	_ =	swait.ge [sflag:s21], $0x2000  }
0xa5: {  	[sflag:s21] =	ssyncset.done $0x0  }
0xa6: {  	[sflag:s21] =	ssyncadd.s32 $0xFFFFE000  }
0xa7: {  	_ =	swait.ge [sflag:s21], $0x2000  }
0xa8: {  	[sflag:s21] =	ssyncset.done $0x0  }
0xa9: {  	s2 =	simm.s32 $0x1400;
	[sflag:s21] =	ssyncadd.s32 $0xFFFFE000  }
0xaa: {  	[spmem:s1] =	stream.indirect.scatter.add.f32 [tilespmem:s17], [sflag:$0x3], $0x80, s2, s22, $0xb8;
	[tilespmem:$0x1E400] =	vst v63  }
0xab: {  	_ =	swait.ge [sflag:s14], $0x4000  }
0xac: {  	[sflag:s14] =	ssyncset.done $0x0  }
0xad: {  	s5 =	simm.s32 $0x100;
	[sflag:s14] =	ssyncadd.s32 $0xFFFFC000  }
0xae: {  	[tilespmem:s17], [sflag:$0x1] =	stream.indirect.gather [hbm4b:s4+s16], $0x80, s5, s16, $0xb8;
	[tilespmem:$0x1E400] =	vst v63  }
0xaf: {  	s2 =	simm.s32 $0x140  }
0xb0: {  	[tilespmem:s18], [sflag:$0x1] =	stream.indirect.gather [hbm4b:s4+s16], $0x80, s2, s16, $0xb8;
	[tilespmem:$0x1E400] =	vst v63  }
0xb1: {  	_ =	swait.ge [sflag:s23], $0x2000  }
0xb2: {  	[sflag:s23] =	ssyncset.done $0x0  }
0xb3: {  	[sflag:s23] =	ssyncadd.s32 $0xFFFFE000  }
0xb4: {  	_ =	swait.ge [sflag:s23], $0x2000  }
0xb5: {  	[sflag:s23] =	ssyncset.done $0x0  }
0xb6: {  	s5 =	simm.s32 $0x1480;
	[sflag:s23] =	ssyncadd.s32 $0xFFFFE000  }
0xb7: {  	[spmem:s1] =	stream.indirect.scatter.add.f32 [tilespmem:s19], [sflag:$0x3], $0x80, s5, s22, $0xb8;
	[tilespmem:$0x1E400] =	vst v63  }
0xb8: {  	_ =	swait.ge [sflag:s14], $0x4000  }
0xb9: {  	s31 =	simm.s32 $0x800;
	s30 =	simm.s32 $0x100;
	[sflag:s14] =	ssyncset.done $0x0  }
.LBB2_4:
0xba: {  	s0 =	sadd.s32 $0x80, s30  }
0xbb: {  	[sflag:s14] =	ssyncadd.s32 $0xFFFFC000;
	s2 =	smov.u32 s31;
	s5 =	sadd.s32 $0x400, s31  }
0xbc: {  	[tilespmem:s19], [sflag:$0x2] =	stream.indirect.gather [hbm4b:s4+s16], $0x80, s0, s16, $0xb8;
	[tilespmem:$0x1E400] =	vst v63  }
0xbd: {  	p0 =	sne.s32 s31, $0x4800;
	s0 =	sadd.s32 $0xC0, s30  }
0xbe: {  	[tilespmem:s20], [sflag:$0x2] =	stream.indirect.gather [hbm4b:s4+s16], $0x80, s0, s16, $0xb8;
	[tilespmem:$0x1E400] =	vst v63  }
0xbf: {  	_ =	swait.ge [sflag:s21], $0x2000  }
0xc0: {  	[sflag:s21] =	ssyncset.done $0x0  }
0xc1: {  	[sflag:s21] =	ssyncadd.s32 $0xFFFFE000  }
0xc2: {  	_ =	swait.ge [sflag:s21], $0x2000  }
0xc3: {  	[sflag:s21] =	ssyncset.done $0x0  }
0xc4: {  	s0 =	sadd.s32 $0x1400, s30;
	[sflag:s21] =	ssyncadd.s32 $0xFFFFE000  }
0xc5: {  	[spmem:s1] =	stream.indirect.scatter.add.f32 [tilespmem:s17], [sflag:$0x3], $0x80, s0, s22, $0xb8;
	[tilespmem:$0x1E400] =	vst v63  }
0xc6: {  	_ =	swait.ge [sflag:s14], $0x4000  }
0xc7: {  	[sflag:s14] =	ssyncset.done $0x0  }
0xc8: {  	s0 =	sadd.s32 $0x100, s30;
	[sflag:s14] =	ssyncadd.s32 $0xFFFFC000  }
0xc9: {  	[tilespmem:s17], [sflag:$0x1] =	stream.indirect.gather [hbm4b:s4+s16], $0x80, s0, s16, $0xb8;
	[tilespmem:$0x1E400] =	vst v63  }
0xca: {  	s0 =	sadd.s32 $0x140, s30  }
0xcb: {  	[tilespmem:s18], [sflag:$0x1] =	stream.indirect.gather [hbm4b:s4+s16], $0x80, s0, s16, $0xb8;
	[tilespmem:$0x1E400] =	vst v63  }
0xcc: {  	_ =	swait.ge [sflag:s23], $0x2000  }
0xcd: {  	[sflag:s23] =	ssyncset.done $0x0  }
0xce: {  	[sflag:s23] =	ssyncadd.s32 $0xFFFFE000  }
0xcf: {  	_ =	swait.ge [sflag:s23], $0x2000  }
.Ltmp1:
0xd0: {  	[sflag:s23] =	ssyncset.done $0x0;
	(pc) =	sbr.rel @p0 .LBB2_4-.Ltmp1, $4  }
0xd1: {  	s0 =	sadd.s32 $0x1480, s30;
	[sflag:s23] =	ssyncadd.s32 $0xFFFFE000  }
0xd2: {  	[spmem:s1] =	stream.indirect.scatter.add.f32 [tilespmem:s19], [sflag:$0x3], $0x80, s0, s22, $0xb8;
	[tilespmem:$0x1E400] =	vst v63  }
0xd3: {  	_ =	swait.ge [sflag:s14], $0x4000  }
0xd4: {  	s31 =	smov.u32 s5;
	s30 =	sshra.s32 s2, $0x2;
	[sflag:s14] =	ssyncset.done $0x0  }
0xd5: {  	s0 =	sadd.s32 $0x80, s30;
	[sflag:s14] =	ssyncadd.s32 $0xFFFFC000  }
0xd6: {  	[tilespmem:s19], [sflag:$0x2] =	stream.indirect.gather [hbm4b:s4+s16], $0x80, s0, s16, $0xb8;
	[tilespmem:$0x1E400] =	vst v63  }
0xd7: {  	s5 =	sadd.s32 $0xC0, s30  }
0xd8: {  	[tilespmem:s20], [sflag:$0x2] =	stream.indirect.gather [hbm4b:s4+s16], $0x80, s5, s16, $0xb8;
	[tilespmem:$0x1E400] =	vst v63  }
0xd9: {  	_ =	swait.ge [sflag:s21], $0x2000  }
0xda: {  	[sflag:s21] =	ssyncset.done $0x0  }
0xdb: {  	[sflag:s21] =	ssyncadd.s32 $0xFFFFE000  }
0xdc: {  	_ =	swait.ge [sflag:s21], $0x2000  }
0xdd: {  	[sflag:s21] =	ssyncset.done $0x0  }
0xde: {  	s31 =	sadd.s32 $0x1400, s30;
	[sflag:s21] =	ssyncadd.s32 $0xFFFFE000  }
0xdf: {  	[spmem:s1] =	stream.indirect.scatter.add.f32 [tilespmem:s17], [sflag:$0x3], $0x80, s31, s22, $0xb8;
	[tilespmem:$0x1E400] =	vst v63  }
0xe0: {  	_ =	swait.ge [sflag:s14], $0x4000  }
0xe1: {  	[sflag:s14] =	ssyncset.done $0x0  }
0xe2: {  	s2 =	sadd.s32 $0x100, s30;
	[sflag:s14] =	ssyncadd.s32 $0xFFFFC000  }
0xe3: {  	[tilespmem:s17], [sflag:$0x1] =	stream.indirect.gather [hbm4b:s4+s16], $0x80, s2, s16, $0xb8;
	[tilespmem:$0x1E400] =	vst v63  }
0xe4: {  	s5 =	sadd.s32 $0x140, s30  }
0xe5: {  	[tilespmem:s18], [sflag:$0x1] =	stream.indirect.gather [hbm4b:s4+s16], $0x80, s5, s16, $0xb8;
	[tilespmem:$0x1E400] =	vst v63  }
0xe6: {  	_ =	swait.ge [sflag:s23], $0x2000  }
0xe7: {  	[sflag:s23] =	ssyncset.done $0x0  }
0xe8: {  	[sflag:s23] =	ssyncadd.s32 $0xFFFFE000  }
0xe9: {  	_ =	swait.ge [sflag:s23], $0x2000  }
0xea: {  	[sflag:s23] =	ssyncset.done $0x0  }
0xeb: {  	s31 =	sadd.s32 $0x1480, s30;
	[sflag:s23] =	ssyncadd.s32 $0xFFFFE000  }
0xec: {  	[spmem:s1] =	stream.indirect.scatter.add.f32 [tilespmem:s19], [sflag:$0x3], $0x80, s31, s22, $0xb8;
	[tilespmem:$0x1E400] =	vst v63  }
0xed: {  	_ =	swait.ge [sflag:s14], $0x4000  }
0xee: {  	[sflag:s14] =	ssyncset.done $0x0  }
0xef: {  	[sflag:s14] =	ssyncadd.s32 $0xFFFFC000  }
0xf0: {  	[tilespmem:s19], [sflag:$0x2] =	stream.indirect.gather [hbm4b:s4+s16], $0x80, s24, s16, $0xb8;
	[tilespmem:$0x1E400] =	vst v63  }
0xf1: {  	_ = 	snop  }
0xf2: {  	[tilespmem:s20], [sflag:$0x2] =	stream.indirect.gather [hbm4b:s4+s16], $0x80, s25, s16, $0xb8;
	[tilespmem:$0x1E400] =	vst v63  }
0xf3: {  	_ =	swait.ge [sflag:s21], $0x2000  }
0xf4: {  	[sflag:s21] =	ssyncset.done $0x0  }
0xf5: {  	[sflag:s21] =	ssyncadd.s32 $0xFFFFE000  }
0xf6: {  	_ =	swait.ge [sflag:s21], $0x2000  }
0xf7: {  	[sflag:s21] =	ssyncset.done $0x0  }
0xf8: {  	[sflag:s21] =	ssyncadd.s32 $0xFFFFE000  }
0xf9: {  	[spmem:s1] =	stream.indirect.scatter.add.f32 [tilespmem:s17], [sflag:$0x3], $0x80, s26, s22, $0xb8;
	[tilespmem:$0x1E400] =	vst v63  }
0xfa: {  	_ =	swait.ge [sflag:s14], $0x4000  }
0xfb: {  	[sflag:s14] =	ssyncset.done $0x0  }
0xfc: {  	[sflag:s14] =	ssyncadd.s32 $0xFFFFC000  }
0xfd: {  	[tilespmem:s17], [sflag:$0x1] =	stream.indirect.gather [hbm4b:s4+s16], $0x80, s24, s16, $0xb8;
	[tilespmem:$0x1E400] =	vst v63  }
0xfe: {  	_ = 	snop  }
0xff: {  	[tilespmem:s18], [sflag:$0x1] =	stream.indirect.gather [hbm4b:s4+s16], $0x80, s25, s16, $0xb8;
	[tilespmem:$0x1E400] =	vst v63  }
0x100: {  	_ =	swait.ge [sflag:s23], $0x2000  }
0x101: {  	[sflag:s23] =	ssyncset.done $0x0  }
0x102: {  	[sflag:s23] =	ssyncadd.s32 $0xFFFFE000  }
0x103: {  	_ =	swait.ge [sflag:s23], $0x2000  }
0x104: {  	[sflag:s23] =	ssyncset.done $0x0  }
0x105: {  	[sflag:s23] =	ssyncadd.s32 $0xFFFFE000  }
0x106: {  	[spmem:s1] =	stream.indirect.scatter.add.f32 [tilespmem:s19], [sflag:$0x3], $0x80, s28, s22, $0xb8;
	[tilespmem:$0x1E400] =	vst v63  }
0x107: {  	_ =	swait.ge [sflag:s14], $0x4000  }
0x108: {  	[sflag:s14] =	ssyncset.done $0x0  }
0x109: {  	[sflag:s14] =	ssyncadd.s32 $0xFFFFC000  }
0x10a: {  	_ =	swait.ge [sflag:s21], $0x2000  }
0x10b: {  	[sflag:s21] =	ssyncset.done $0x0  }
0x10c: {  	[sflag:s21] =	ssyncadd.s32 $0xFFFFE000  }
0x10d: {  	_ =	swait.ge [sflag:s21], $0x2000  }
0x10e: {  	s29 =	sadd.s32 $0x1, s29;
	[sflag:s21] =	ssyncset.done $0x0  }
0x10f: {  	p0 =	sne.s32 s29, s12;
	[sflag:s21] =	ssyncadd.s32 $0xFFFFE000  }
.Ltmp2:
0x110: {  	[bflag:$0x0] =	sbarrier.arrive $0xFFFF;
	(pc) =	sbr.rel @p0 .LBB2_1-.Ltmp2, $4  }
0x111: {  	[hbm:s11], [sflag:s6] =	dma.local [spmem:s13], $0x2780  }
0x112: {  	_ =	swait.ge [sflag:s14], $0x2780  }
0x113: {  	[sflag:s14] =	ssyncset.done $0x0  }
0x114: {  	[sflag:s14] =	ssyncadd.s32 $0xFFFFD880  }
0x115: {  	_ =	sfence.sel $0x180000  }
0x116: {  	[bflag:$0x0] =	sbarrier.arrive $0xFFFF  }
0x117: {  	_ =	strace $0x9000004A  }
0x118: {  	s0 =	stileid.u32;
	[bflag:$0x2] =	sbarrier.arrive $0xFFFF  }
0x119: {  	p0 =	sne.s32 s0, $0x0;
	s0 =	rddreg [dreg:$0x3]  }
0x11a: {  	s0 =	sadd.s32 @!p0 $0x100000, s0  }
0x11b: {  	[sflag:s0] =	ssyncadd.tile.s32 @!p0 $0x1;
	_ =	shalt  }
.Lfunc_end2:
_tile_overlayer_lowered:
.L_overlay_start_2:
0x11c: {  	(tag) =	ssettag $0x2  }
0x11d: {  	s0 =	rddreg [dreg:$0x0];
	s2 =	stileid.u32  }
0x11e: {  	s1 =	rddreg [dreg:$0x1];
	p0 =	sne.s32 s2, $0x0  }
0x11f: {  	s3 =	rddreg [dreg:$0x2];
	[bflag:$0x3] =	sbarrier.arrive $0xFFFF;
	s2 =	simm.s32 @!p0 $0x1C03  }
0x120: {  	[timem:s3], [sflag:s2] =	dma.local @!p0 [hbm:s0], s1  }
0x121: {  	s0 =	simm.s32 @!p0 $0x3  }
0x122: {  	_ =	swait.ge @!p0 [sflag:s0], s1  }
0x123: {  	s1 =	ssub.s32 @!p0 $0x0, s1;
	[sflag:s0] =	ssyncset.done @!p0 $0x0  }
0x124: {  	[sflag:s0] =	ssyncadd.s32 @!p0 s1  }
0x125: {  	[bflag:$0x3] =	sbarrier.arrive $0xFFFF  }
0x126: {  	_ =	shalt  }

// kernel: kernel.14.cloned.1.call-start
scs
__scs_entry_jumppad:
0x0: {  	(pc) =	sbr.rel $0x88, $3  }
0x1: {  	(tag) =	ssettag $0x0;
	lr =	simm.s32 $0x1  }
0x2: {  	[smem:$0x3F9B] =	sst lr;
	_ =	strace $0xD0000000  }
0x3: {  	_ = 	snop  }
0x4: {  	_ = 	snop  }
0x5: {  	_ = 	snop  }
0x6: {  	_ = 	snop  }
0x7: {  	_ = 	snop  }
__scs_overlays_trampoline_lowered:
0x8: {  	[smem:$0x3FAA] =	sst s0  }
0x9: {  	[smem:$0x3FAB] =	sst s1  }
0xa: {  	[smem:$0x3FAC] =	sst s2  }
0xb: {  	[smem:$0x3FAD] =	sst s3  }
0xc: {  	[smem:$0x3FAE] =	sst s4  }
0xd: {  	[smem:$0x3FAF] =	sst s5  }
0xe: {  	[smem:$0x3FB0] =	sst s6  }
0xf: {  	[smem:$0x3FB1] =	sst s7  }
0x10: {  	[smem:$0x3FB2] =	sst s8  }
0x11: {  	[smem:$0x3FB3] =	sst s9;
	s0 =	simm.s32 @!p0 $0x0  }
0x12: {  	s1 =	sld [smem:$0x3F99];
	s0 =	simm.s32 @p0 $0x1  }
0x13: {  	[smem:$0x3FB4] =	sst s0;
	s0 =	simm.s32 @!p1 $0x0  }
0x14: {  	s2 =	sld [smem:$0x3F98];
	s0 =	simm.s32 @p1 $0x1  }
0x15: {  	[smem:$0x3FB5] =	sst s0;
	s0 =	simm.s32 @!p2 $0x0  }
0x16: {  	s3 =	sld [smem:$0x3FDB];
	s0 =	simm.s32 @p2 $0x1  }
0x17: {  	s4 =	simm.s32 $0x1BF5;
	[smem:$0x3FB7] =	sst s0  }
0x18: {  	s0 =	sld [smem:$0x3F9A];
	_ =	swait.ge [sflag:s4], $0x0  }
0x19: {  	s7 =	sld [smem:$0x3F9B]  }
0x1a: {  	s8 =	sadd.s32 $0xFFFFE003, lr  }
0x1b: {  	s9 =	sadd.s32 $0xFFFFFEF7, lr;
	s5 =	simm.s32 $0xFFFFFFFF;
	p2 =	slt.u32 s8, $0xFFFFF086  }
0x1c: {  	p1 =	slt.u32 s9, $0xF7A;
	s5 =	simm.s32 @!p2 $0x0  }
0x1d: {  	s5 =	simm.s32 @p1 $0x1;
	p0 =	seq.s32 s7, s2  }
0x1e: {  	s7 =	smul.u32 @!p0 $0xF7A, s2;
	p2 =	seq.s32 @!p0 s5, $0x0  }
0x1f: {  	s9 =	smul.u32 $0xF7A, s1;
	s8 =	simm.s32 @!p0 $0x1BF5;
	p2 =	por !p2, p0  }
0x20: {  	[sflag:s8] =	ssyncset.s32 @!p0 $0xFFFFF086;
	s6 =	sadd.s32 @!p0 s3, s7;
	s7 =	simm.s32 @!p0 $0x108  }
0x21: {  	s3 =	sadd.s32 s3, s9;
	s6 =	sadd.s32 @!p0 $0x88, s6;
	s7 =	simm.s32 @p2 $0x1082  }
0x22: {  	[simem:s7], [sflag:s8] =	dma.local @!p0 [hbm:s6], $0xF7A  }
0x23: {  	s9 =	sor.u32 $0xD0000000, s2;
	s6 =	simm.s32 $0x108;
	_ =	swait.ge @!p0 [sflag:s8], $0x0  }
0x24: {  	s3 =	sadd.s32 $0x88, s3;
	s6 =	simm.s32 @!p1 $0x1082;
	[sflag:s4] =	ssyncset.s32 $0xFFFFF086  }
0x25: {  	[simem:s6], [sflag:s4] =	dma.local [hbm:s3], $0xF7A  }
0x26: {  	[smem:$0x3F9B] =	sst s1;
	(tag) =	ssettag s2;
	_ =	strace s9  }
0x27: {  	s1 =	sld [smem:$0x3FAB]  }
0x28: {  	s2 =	sld [smem:$0x3FAC]  }
0x29: {  	s4 =	sld [smem:$0x3FAE]  }
0x2a: {  	p0 =	seq.s32 s5, $0x0;
	s5 =	sld [smem:$0x3FAF]  }
0x2b: {  	s6 =	sld [smem:$0x3FB0]  }
0x2c: {  	s7 =	sld [smem:$0x3FB1]  }
0x2d: {  	s3 =	simm.s32 $0x108;
	s8 =	sld [smem:$0x3FB2]  }
0x2e: {  	s3 =	simm.s32 @!p0 $0x1082;
	s9 =	sld [smem:$0x3FB3]  }
0x2f: {  	lr =	sadd.s32 s0, s3;
	s0 =	sld [smem:$0x3FAA]  }
0x30: {  	s3 =	sld [smem:$0x3FAD]  }
0x31: {  	[smem:$0x3FB6] =	sst s10  }
0x32: {  	s10 =	sld [smem:$0x3FB4];
	_ =	sdelay $0x3  }
0x33: {  	p0 =	seq.s32 s10, $0x1;
	s10 =	sld [smem:$0x3FB6];
	_ =	sdelay $0x3  }
0x34: {  	[smem:$0x3FB6] =	sst s10  }
0x35: {  	s10 =	sld [smem:$0x3FB5];
	_ =	sdelay $0x3  }
0x36: {  	p1 =	seq.s32 s10, $0x1;
	s10 =	sld [smem:$0x3FB6];
	_ =	sdelay $0x3  }
0x37: {  	[smem:$0x3FB6] =	sst s10  }
0x38: {  	s10 =	sld [smem:$0x3FB7]  }
0x39: {  	_ = 	snop;
	(pc) =	sbr.ind lr, $3  }
0x3a: {  	_ = 	snop  }
0x3b: {  	_ = 	snop  }
0x3c: {  	p2 =	seq.s32 s10, $0x1;
	s10 =	sld [smem:$0x3FB6]  }
0x3d: {  	_ =	shalt  }
0x3e: {  	_ =	shalt  }
0x3f: {  	_ =	shalt  }
0x40: {  	_ =	shalt  }
0x41: {  	_ =	shalt  }
0x42: {  	_ =	shalt  }
0x43: {  	_ =	shalt  }
0x44: {  	_ =	shalt  }
0x45: {  	_ =	shalt  }
0x46: {  	_ =	shalt  }
0x47: {  	_ =	shalt  }
0x48: {  	_ =	shalt  }
0x49: {  	_ =	shalt  }
0x4a: {  	_ =	shalt  }
0x4b: {  	_ =	shalt  }
0x4c: {  	_ =	shalt  }
0x4d: {  	_ =	shalt  }
0x4e: {  	_ =	shalt  }
0x4f: {  	_ =	shalt  }
0x50: {  	_ =	shalt  }
0x51: {  	_ =	shalt  }
0x52: {  	_ =	shalt  }
0x53: {  	_ =	shalt  }
0x54: {  	_ =	shalt  }
0x55: {  	_ =	shalt  }
0x56: {  	_ =	shalt  }
0x57: {  	_ =	shalt  }
0x58: {  	_ =	shalt  }
0x59: {  	_ =	shalt  }
0x5a: {  	_ =	shalt  }
0x5b: {  	_ =	shalt  }
0x5c: {  	_ =	shalt  }
0x5d: {  	_ =	shalt  }
0x5e: {  	_ =	shalt  }
0x5f: {  	_ =	shalt  }
0x60: {  	_ =	shalt  }
0x61: {  	_ =	shalt  }
0x62: {  	_ =	shalt  }
0x63: {  	_ =	shalt  }
0x64: {  	_ =	shalt  }
0x65: {  	_ =	shalt  }
0x66: {  	_ =	shalt  }
0x67: {  	_ =	shalt  }
0x68: {  	_ =	shalt  }
0x69: {  	_ =	shalt  }
0x6a: {  	_ =	shalt  }
0x6b: {  	_ =	shalt  }
0x6c: {  	_ =	shalt  }
0x6d: {  	_ =	shalt  }
0x6e: {  	_ =	shalt  }
0x6f: {  	_ =	shalt  }
0x70: {  	_ =	shalt  }
0x71: {  	_ =	shalt  }
0x72: {  	_ =	shalt  }
0x73: {  	_ =	shalt  }
0x74: {  	_ =	shalt  }
0x75: {  	_ =	shalt  }
0x76: {  	_ =	shalt  }
0x77: {  	_ =	shalt  }
0x78: {  	_ =	shalt  }
0x79: {  	_ =	shalt  }
0x7a: {  	_ =	shalt  }
0x7b: {  	_ =	shalt  }
0x7c: {  	_ =	shalt  }
0x7d: {  	_ =	shalt  }
0x7e: {  	_ =	shalt  }
0x7f: {  	_ =	shalt  }
0x80: {  	_ =	shalt  }
0x81: {  	_ =	shalt  }
0x82: {  	_ =	shalt  }
0x83: {  	_ =	shalt  }
0x84: {  	_ =	shalt  }
0x85: {  	_ =	shalt  }
0x86: {  	_ =	shalt  }
0x87: {  	_ =	shalt  }
.Lfunc_end0:
.L_simem_size_0:
called_computation.2_lowered:
.L_overlay_start_0:
0x88: {  	s2 =	sld [smem:$0x3FD9]  }
0x89: {  	s3 =	sld [smem:$0x3FFE];
	_ =	sdelay $0x1  }
0x8a: {  	s1 =	srdreg.scid  }
0x8b: {  	s0 =	sand.u32 $0x1, s1  }
0x8c: {  	s17 =	sshll.u32 s0, $0xA;
	s2 =	sadd.s32 s3, s2  }
0x8d: {  	s2 =	sadd.s32 s2, s17  }
0x8e: {  	[smem:$0x3FC2] =	sst s2  }
0x8f: {  	_ = 	snop  }
0x90: {  	s2 =	sld [smem:$0x3FD0];
	(tm) =	ssettm $0x1  }
0x91: {  	s18 =	sld [smem:$0x3FFB];
	_ =	sdelay $0x3  }
0x92: {  	_ =	strace s18  }
0x93: {  	s3 =	sld [smem:$0x3FFC];
	_ =	sdelay $0x3  }
0x94: {  	_ =	strace s3  }
0x95: {  	s3 =	sld [smem:$0x3FFD];
	_ =	sdelay $0x3  }
0x96: {  	_ =	strace s3  }
0x97: {  	_ =	strace $0x8FFFFFFF  }
0x98: {  	s19 =	sld [smem:$0x3FDB];
	_ =	sdelay $0x1  }
0x99: {  	s4 =	simm.s32 $_scs_section_size  }
0x9a: {  	s5 =	simm.s32 $_size__tile_overlayer_lowered;
	s6 =	simm.s32 $_tile_overlayer_lowered  }
0x9b: {  	s22 =	simm.s32 $0x1BFF;
	s21 =	sshll.u32 s6, $0x1;
	s3 =	sadd.s32 s4, s19  }
0x9c: {  	s7 =	simm.s32 $0x0;
	s20 =	sshll.u32 s5, $0x1;
	s5 =	sadd.s32 s21, s3  }
0x9d: {  	[timem:s7], [sflag:s22] =	dma.local [hbm:s5], s20  }
0x9e: {  	_ =	swait.ge [sflag:s22], s20  }
0x9f: {  	s4 =	ssub.s32 $0x0, s20;
	[sflag:s22] =	ssyncset.done $0x0  }
0xa0: {  	[sflag:s22] =	ssyncadd.s32 s4;
	_ =	sdelay $0x1  }
0xa1: {  	s23 =	simm.s32 $0x1B8B  }
0xa2: {  	_ =	swait.ge [sflag:s23], $0x1  }
0xa3: {  	[sflag:s23] =	ssyncset.done $0x0  }
0xa4: {  	s25 =	simm.s32 $0x1B8E;
	s24 =	sld [smem:$0x3FFE];
	[sflag:s23] =	ssyncadd.s32 $0xFFFFFFFF  }
0xa5: {  	s26 =	simm.s32 $execute0_lowered;
	[smem:$0x3FD2] =	sst s25  }
0xa6: {  	s5 =	sshll.u32 s26, $0x1;
	_ =	strace $0x8000004C;
	[dreg:$0x1] =	wrdreg $0xFFFFFFFF  }
0xa7: {  	s28 =	simm.s32 $_size_execute0_lowered;
	s3 =	sadd.s32 s3, s5;
	[dreg:$0x0] =	wrdreg $0x0  }
0xa8: {  	s5 =	sshll.u32 s28, $0x1;
	[dreg:$0x2] =	wrdreg s3  }
0xa9: {  	[dreg:$0x3] =	wrdreg s5  }
0xaa: {  	[dreg:$0x4] =	wrdreg $0xC0  }
0xab: {  	_ =	task [dreg:s7], $0x5FFFF  }
0xac: {  	[dreg:$0x1] =	wrdreg $0xFFFFFFFF  }
0xad: {  	[dreg:$0x0] =	wrdreg $0x60  }
0xae: {  	[dreg:$0x2] =	wrdreg s24  }
0xaf: {  	[dreg:$0x3] =	wrdreg s2  }
0xb0: {  	[dreg:$0x4] =	wrdreg $0xA8000  }
0xb1: {  	[dreg:$0x5] =	wrdreg $0x9  }
0xb2: {  	_ =	task.clear_ibuf [dreg:s7], $0x6FFFF;
	_ =	strace $0x9000004C  }
0xb3: {  	s29 =	simm.s32 $0x9;
	_ =	strace $0x8000004E  }
0xb4: {  	_ =	swait.ge [sflag:s29], $0x1  }
0xb5: {  	[sflag:s29] =	ssyncadd.s32 $0xFFFFFFFF  }
0xb6: {  	_ =	strace $0x9000004E  }
0xb7: {  	_ =	sfence  }
0xb8: {  	s30 =	sld [smem:$0x0];
	_ =	sdelay $0x2  }
0xb9: {  	s31 =	sshll.u32 s1, $0xD;
	s1 =	sshrl.u32 s1, $0x2  }
0xba: {  	s3 =	sand.u32 $0x4000, s31;
	s1 =	sadd.s32 s1, s30  }
0xbb: {  	s0 =	sor.u32 s3, s0;
	s1 =	sshll.u32 s1, $0x11  }
0xbc: {  	s0 =	sor.u32 s1, s0  }
0xbd: {  	s0 =	sadd.s32 $0x8F2B, s0  }
0xbe: {  	[sflag:s0] =	ssyncadd.remote.s32 $0x1  }
0xbf: {  	_ =	sfence.sel $0xFFFF  }
0xc0: {  	[dreg:$0x0] =	wrdreg $0xFFFFFFFF;
	(pc) =	sbr.abs _section_cstart, $3  }
0xc1: {  	[dreg:$0x1] =	wrdreg $0xFFFFFFFF  }
0xc2: {  	_ =	task.clear_ibuf [dreg:s7], $0x2FFFF;
	_ =	strace $0x9FFFFFFF  }
0xc3: {  	(tm) =	ssettm $0x7FFFFFFF  }
tec
execute0_lowered:
.L_overlay_start_1:
0x0: {  	(tag) =	ssettag $0x1  }
0x1: {  	s6 =	rddreg [dreg:$0x0]  }
0x2: {  	s10 =	rddreg [dreg:$0x1]  }
0x3: {  	s1 =	rddreg [dreg:$0x2];
	s2 =	srdreg.scid;
	s3 =	simm.s32 $0x0  }
0x4: {  	s0 =	stileid.u32;
	s16 =	simm.s32 $0x40;
	s17 =	simm.s32 $0x2800  }
0x5: {  	s18 =	simm.s32 $0x4800;
	s19 =	simm.s32 $0x6800;
	s20 =	simm.s32 $0x8800  }
0x6: {  	s21 =	simm.s32 $0x1;
	s28 =	simm.s32 $0x2780;
	s8 =	smul.u32 $0x13C00, s0  }
0x7: {  	s29 =	simm.s32 $0x0;
	s5 =	sand.u32 $0x1, s2;
	s9 =	smul.u32 $0x4F000, s0  }
0x8: {  	[smem:$0x7FF] =	sst s3;
	s4 =	sadd.s32 $0x5EA00, s6;
	s13 =	smul.u32 $0x50, s0  }
0x9: {  	s11 =	sadd.s32 $0x2A00, s6;
	s23 =	sadd.s32 $0xD200, s6;
	s7 =	smul.u32 $0x13C000, s5  }
0xa: {  	s31 =	sshll.u32 s0, $0x6;
	_ =	strace $0x8000004D;
	s22 =	smul.u32 $0x500, s5  }
0xb: {  	s12 =	ssub.s32 $0x2, s5;
	[dreg:$0x4] =	wrdreg s23;
	s23 =	simm.s32 $0x2  }
0xc: {  	s24 =	sshrl.u32 s12, $0x1;
	s25 =	sshrl.u32 s9, $0x2;
	s7 =	sadd.s32 s8, s7  }
0xd: {  	s12 =	ssub.s32 s12, s24;
	s26 =	sadd.s32 s13, s22;
	s30 =	sadd.s32 s25, s1  }
0xe: {  	s22 =	simm.s32 $0x80;
	s24 =	simm.s32 $0x1380;
	s25 =	simm.s32 $0x13C0  }
0xf: {  	s7 =	sshrl.u32 s7, $0x3;
	s8 =	sshll.u32 s26, $0x4;
	s12 =	smax.u32 s12, $0x1  }
0x10: {  	s13 =	sshrl.u32 s30, $0x3;
	s26 =	simm.s32 $0x2700;
	s14 =	sadd.s32 s7, s6  }
0x11: {  	s6 =	sor.u32 $0x1C03, s31;
	s7 =	sadd.s32 s11, s8;
	s15 =	sadd.s32 $0x280, s8  }
0x12: {  	s8 =	sadd.s32 s10, s8;
	s9 =	sadd.s32 s11, s15;
	s10 =	sadd.s32 s10, s15  }
0x13: {  	s11 =	sadd.s32 $0x86200, s14;
	s14 =	simm.s32 $0x3;
	s15 =	simm.s32 $0x1400  }
.LBB2_1:
0x14: {  	s0 =	rddreg [dreg:$0x4]  }
0x15: {  	[spmem:s13], [sflag:s6] =	dma.local [hbm:s0], $0x2780  }
0x16: {  	_ =	swait.ge [sflag:s14], $0x2780  }
0x17: {  	[sflag:s14] =	ssyncset.done $0x0  }
0x18: {  	[sflag:s14] =	ssyncadd.s32 $0xFFFFD880  }
0x19: {  	[bflag:$0x0] =	sbarrier.arrive $0xFFFF  }
0x1a: {  	[tilespmem:s3], [sflag:$0x3] =	stream.linear.gather [hbm4b:s7+s3], $0x1400, $0x38;
	[tilespmem:$0x1E400] =	vst v63  }
0x1b: {  	_ =	swait.ge [sflag:s14], $0x1400  }
0x1c: {  	[sflag:s14] =	ssyncset.done $0x0  }
0x1d: {  	[sflag:s14] =	ssyncadd.s32 $0xFFFFEC00  }
0x1e: {  	[tilespmem:s15], [sflag:$0x3] =	stream.linear.gather [hbm4b:s8+s3], $0x1400, $0x38;
	[tilespmem:$0x1E400] =	vst v63  }
0x1f: {  	_ =	swait.ge [sflag:s14], $0x1400  }
0x20: {  	[sflag:s14] =	ssyncset.done $0x0  }
0x21: {  	[sflag:s14] =	ssyncadd.s32 $0xFFFFEC00  }
0x22: {  	[tilespmem:s17], [sflag:$0x1] =	stream.indirect.gather [hbm4b:s4+s16], $0x80, s3, s16, $0xb8;
	[tilespmem:$0x1E400] =	vst v63  }
0x23: {  	_ = 	snop  }
0x24: {  	[tilespmem:s18], [sflag:$0x1] =	stream.indirect.gather [hbm4b:s4+s16], $0x80, s16, s16, $0xb8;
	[tilespmem:$0x1E400] =	vst v63  }
0x25: {  	s30 =	simm.s32 $0x80  }
0x26: {  	[tilespmem:s19], [sflag:$0x2] =	stream.indirect.gather [hbm4b:s4+s16], $0x80, s30, s16, $0xb8;
	[tilespmem:$0x1E400] =	vst v63  }
0x27: {  	s30 =	simm.s32 $0xC0  }
0x28: {  	[tilespmem:s20], [sflag:$0x2] =	stream.indirect.gather [hbm4b:s4+s16], $0x80, s30, s16, $0xb8;
	[tilespmem:$0x1E400] =	vst v63  }
0x29: {  	_ =	swait.ge [sflag:s21], $0x2000  }
0x2a: {  	[sflag:s21] =	ssyncset.done $0x0  }
0x2b: {  	[sflag:s21] =	ssyncadd.s32 $0xFFFFE000  }
0x2c: {  	_ =	swait.ge [sflag:s21], $0x2000  }
0x2d: {  	[sflag:s21] =	ssyncset.done $0x0  }
0x2e: {  	s30 =	simm.s32 $0x1400;
	[sflag:s21] =	ssyncadd.s32 $0xFFFFE000  }
0x2f: {  	[spmem:s1] =	stream.indirect.scatter.add.f32 [tilespmem:s17], [sflag:$0x3], $0x80, s30, s22, $0xb8;
	[tilespmem:$0x1E400] =	vst v63  }
0x30: {  	_ =	swait.ge [sflag:s14], $0x4000  }
0x31: {  	[sflag:s14] =	ssyncset.done $0x0  }
0x32: {  	s30 =	simm.s32 $0x100;
	[sflag:s14] =	ssyncadd.s32 $0xFFFFC000  }
0x33: {  	[tilespmem:s17], [sflag:$0x1] =	stream.indirect.gather [hbm4b:s4+s16], $0x80, s30, s16, $0xb8;
	[tilespmem:$0x1E400] =	vst v63  }
0x34: {  	s30 =	simm.s32 $0x140  }
0x35: {  	[tilespmem:s18], [sflag:$0x1] =	stream.indirect.gather [hbm4b:s4+s16], $0x80, s30, s16, $0xb8;
	[tilespmem:$0x1E400] =	vst v63  }
0x36: {  	_ =	swait.ge [sflag:s23], $0x2000  }
0x37: {  	[sflag:s23] =	ssyncset.done $0x0  }
0x38: {  	[sflag:s23] =	ssyncadd.s32 $0xFFFFE000  }
0x39: {  	_ =	swait.ge [sflag:s23], $0x2000  }
0x3a: {  	[sflag:s23] =	ssyncset.done $0x0  }
0x3b: {  	s30 =	simm.s32 $0x1480;
	[sflag:s23] =	ssyncadd.s32 $0xFFFFE000  }
0x3c: {  	[spmem:s1] =	stream.indirect.scatter.add.f32 [tilespmem:s19], [sflag:$0x3], $0x80, s30, s22, $0xb8;
	[tilespmem:$0x1E400] =	vst v63  }
0x3d: {  	_ =	swait.ge [sflag:s14], $0x4000  }
0x3e: {  	s31 =	simm.s32 $0x800;
	s30 =	simm.s32 $0x100;
	[sflag:s14] =	ssyncset.done $0x0  }
.LBB2_2:
0x3f: {  	s0 =	sadd.s32 $0x80, s30  }
0x40: {  	[sflag:s14] =	ssyncadd.s32 $0xFFFFC000;
	s2 =	smov.u32 s31;
	s5 =	sadd.s32 $0x400, s31  }
0x41: {  	[tilespmem:s19], [sflag:$0x2] =	stream.indirect.gather [hbm4b:s4+s16], $0x80, s0, s16, $0xb8;
	[tilespmem:$0x1E400] =	vst v63  }
0x42: {  	p0 =	sne.s32 s31, $0x4800;
	s0 =	sadd.s32 $0xC0, s30  }
0x43: {  	[tilespmem:s20], [sflag:$0x2] =	stream.indirect.gather [hbm4b:s4+s16], $0x80, s0, s16, $0xb8;
	[tilespmem:$0x1E400] =	vst v63  }
0x44: {  	_ =	swait.ge [sflag:s21], $0x2000  }
0x45: {  	[sflag:s21] =	ssyncset.done $0x0  }
0x46: {  	[sflag:s21] =	ssyncadd.s32 $0xFFFFE000  }
0x47: {  	_ =	swait.ge [sflag:s21], $0x2000  }
0x48: {  	[sflag:s21] =	ssyncset.done $0x0  }
0x49: {  	s0 =	sadd.s32 $0x1400, s30;
	[sflag:s21] =	ssyncadd.s32 $0xFFFFE000  }
0x4a: {  	[spmem:s1] =	stream.indirect.scatter.add.f32 [tilespmem:s17], [sflag:$0x3], $0x80, s0, s22, $0xb8;
	[tilespmem:$0x1E400] =	vst v63  }
0x4b: {  	_ =	swait.ge [sflag:s14], $0x4000  }
0x4c: {  	[sflag:s14] =	ssyncset.done $0x0  }
0x4d: {  	s0 =	sadd.s32 $0x100, s30;
	[sflag:s14] =	ssyncadd.s32 $0xFFFFC000  }
0x4e: {  	[tilespmem:s17], [sflag:$0x1] =	stream.indirect.gather [hbm4b:s4+s16], $0x80, s0, s16, $0xb8;
	[tilespmem:$0x1E400] =	vst v63  }
0x4f: {  	s0 =	sadd.s32 $0x140, s30  }
0x50: {  	[tilespmem:s18], [sflag:$0x1] =	stream.indirect.gather [hbm4b:s4+s16], $0x80, s0, s16, $0xb8;
	[tilespmem:$0x1E400] =	vst v63  }
0x51: {  	_ =	swait.ge [sflag:s23], $0x2000  }
0x52: {  	[sflag:s23] =	ssyncset.done $0x0  }
0x53: {  	[sflag:s23] =	ssyncadd.s32 $0xFFFFE000  }
0x54: {  	_ =	swait.ge [sflag:s23], $0x2000  }
.Ltmp0:
0x55: {  	[sflag:s23] =	ssyncset.done $0x0;
	(pc) =	sbr.rel @p0 .LBB2_2-.Ltmp0, $4  }
0x56: {  	s0 =	sadd.s32 $0x1480, s30;
	[sflag:s23] =	ssyncadd.s32 $0xFFFFE000  }
0x57: {  	[spmem:s1] =	stream.indirect.scatter.add.f32 [tilespmem:s19], [sflag:$0x3], $0x80, s0, s22, $0xb8;
	[tilespmem:$0x1E400] =	vst v63  }
0x58: {  	_ =	swait.ge [sflag:s14], $0x4000  }
0x59: {  	s31 =	smov.u32 s5;
	s30 =	sshra.s32 s2, $0x2;
	[sflag:s14] =	ssyncset.done $0x0  }
0x5a: {  	s0 =	sadd.s32 $0x80, s30;
	[sflag:s14] =	ssyncadd.s32 $0xFFFFC000  }
0x5b: {  	[tilespmem:s19], [sflag:$0x2] =	stream.indirect.gather [hbm4b:s4+s16], $0x80, s0, s16, $0xb8;
	[tilespmem:$0x1E400] =	vst v63  }
0x5c: {  	s2 =	sadd.s32 $0xC0, s30  }
0x5d: {  	[tilespmem:s20], [sflag:$0x2] =	stream.indirect.gather [hbm4b:s4+s16], $0x80, s2, s16, $0xb8;
	[tilespmem:$0x1E400] =	vst v63  }
0x5e: {  	_ =	swait.ge [sflag:s21], $0x2000  }
0x5f: {  	[sflag:s21] =	ssyncset.done $0x0  }
0x60: {  	[sflag:s21] =	ssyncadd.s32 $0xFFFFE000  }
0x61: {  	_ =	swait.ge [sflag:s21], $0x2000  }
0x62: {  	[sflag:s21] =	ssyncset.done $0x0  }
0x63: {  	s5 =	sadd.s32 $0x1400, s30;
	[sflag:s21] =	ssyncadd.s32 $0xFFFFE000  }
0x64: {  	[spmem:s1] =	stream.indirect.scatter.add.f32 [tilespmem:s17], [sflag:$0x3], $0x80, s5, s22, $0xb8;
	[tilespmem:$0x1E400] =	vst v63  }
0x65: {  	_ =	swait.ge [sflag:s14], $0x4000  }
0x66: {  	[sflag:s14] =	ssyncset.done $0x0  }
0x67: {  	s2 =	sadd.s32 $0x100, s30;
	[sflag:s14] =	ssyncadd.s32 $0xFFFFC000  }
0x68: {  	[tilespmem:s17], [sflag:$0x1] =	stream.indirect.gather [hbm4b:s4+s16], $0x80, s2, s16, $0xb8;
	[tilespmem:$0x1E400] =	vst v63  }
0x69: {  	s5 =	sadd.s32 $0x140, s30  }
0x6a: {  	[tilespmem:s18], [sflag:$0x1] =	stream.indirect.gather [hbm4b:s4+s16], $0x80, s5, s16, $0xb8;
	[tilespmem:$0x1E400] =	vst v63  }
0x6b: {  	_ =	swait.ge [sflag:s23], $0x2000  }
0x6c: {  	[sflag:s23] =	ssyncset.done $0x0  }
0x6d: {  	[sflag:s23] =	ssyncadd.s32 $0xFFFFE000  }
0x6e: {  	_ =	swait.ge [sflag:s23], $0x2000  }
0x6f: {  	[sflag:s23] =	ssyncset.done $0x0  }
0x70: {  	s2 =	sadd.s32 $0x1480, s30;
	[sflag:s23] =	ssyncadd.s32 $0xFFFFE000  }
0x71: {  	[spmem:s1] =	stream.indirect.scatter.add.f32 [tilespmem:s19], [sflag:$0x3], $0x80, s2, s22, $0xb8;
	[tilespmem:$0x1E400] =	vst v63  }
0x72: {  	_ =	swait.ge [sflag:s14], $0x4000  }
0x73: {  	[sflag:s14] =	ssyncset.done $0x0  }
0x74: {  	[sflag:s14] =	ssyncadd.s32 $0xFFFFC000  }
0x75: {  	[tilespmem:s19], [sflag:$0x2] =	stream.indirect.gather [hbm4b:s4+s16], $0x80, s24, s16, $0xb8;
	[tilespmem:$0x1E400] =	vst v63  }
0x76: {  	_ = 	snop  }
0x77: {  	[tilespmem:s20], [sflag:$0x2] =	stream.indirect.gather [hbm4b:s4+s16], $0x80, s25, s16, $0xb8;
	[tilespmem:$0x1E400] =	vst v63  }
0x78: {  	_ =	swait.ge [sflag:s21], $0x2000  }
0x79: {  	[sflag:s21] =	ssyncset.done $0x0  }
0x7a: {  	[sflag:s21] =	ssyncadd.s32 $0xFFFFE000  }
0x7b: {  	_ =	swait.ge [sflag:s21], $0x2000  }
0x7c: {  	[sflag:s21] =	ssyncset.done $0x0  }
0x7d: {  	[sflag:s21] =	ssyncadd.s32 $0xFFFFE000  }
0x7e: {  	[spmem:s1] =	stream.indirect.scatter.add.f32 [tilespmem:s17], [sflag:$0x3], $0x80, s26, s22, $0xb8;
	[tilespmem:$0x1E400] =	vst v63  }
0x7f: {  	_ =	swait.ge [sflag:s14], $0x4000  }
0x80: {  	[sflag:s14] =	ssyncset.done $0x0  }
0x81: {  	[sflag:s14] =	ssyncadd.s32 $0xFFFFC000  }
0x82: {  	[tilespmem:s17], [sflag:$0x1] =	stream.indirect.gather [hbm4b:s4+s16], $0x80, s24, s16, $0xb8;
	[tilespmem:$0x1E400] =	vst v63  }
0x83: {  	_ = 	snop  }
0x84: {  	[tilespmem:s18], [sflag:$0x1] =	stream.indirect.gather [hbm4b:s4+s16], $0x80, s25, s16, $0xb8;
	[tilespmem:$0x1E400] =	vst v63  }
0x85: {  	_ =	swait.ge [sflag:s23], $0x2000  }
0x86: {  	[sflag:s23] =	ssyncset.done $0x0  }
0x87: {  	[sflag:s23] =	ssyncadd.s32 $0xFFFFE000  }
0x88: {  	_ =	swait.ge [sflag:s23], $0x2000  }
0x89: {  	[sflag:s23] =	ssyncset.done $0x0  }
0x8a: {  	[sflag:s23] =	ssyncadd.s32 $0xFFFFE000  }
0x8b: {  	[spmem:s1] =	stream.indirect.scatter.add.f32 [tilespmem:s19], [sflag:$0x3], $0x80, s28, s22, $0xb8;
	[tilespmem:$0x1E400] =	vst v63  }
0x8c: {  	_ =	swait.ge [sflag:s14], $0x4000  }
0x8d: {  	[sflag:s14] =	ssyncset.done $0x0  }
0x8e: {  	[sflag:s14] =	ssyncadd.s32 $0xFFFFC000  }
0x8f: {  	_ =	swait.ge [sflag:s21], $0x2000  }
0x90: {  	[sflag:s21] =	ssyncset.done $0x0  }
0x91: {  	[sflag:s21] =	ssyncadd.s32 $0xFFFFE000  }
0x92: {  	_ =	swait.ge [sflag:s21], $0x2000  }
0x93: {  	[sflag:s21] =	ssyncset.done $0x0  }
0x94: {  	s5 =	simm.s32 $0x0;
	[sflag:s21] =	ssyncadd.s32 $0xFFFFE000  }
0x95: {  	[tilespmem:s5], [sflag:$0x3] =	stream.linear.gather [hbm4b:s9+s5], $0x1400, $0x38;
	[tilespmem:$0x1E400] =	vst v63  }
0x96: {  	_ =	swait.ge [sflag:s14], $0x1400  }
0x97: {  	[sflag:s14] =	ssyncset.done $0x0  }
0x98: {  	[sflag:s14] =	ssyncadd.s32 $0xFFFFEC00  }
0x99: {  	[tilespmem:s15], [sflag:$0x3] =	stream.linear.gather [hbm4b:s10+s5], $0x1400, $0x38;
	[tilespmem:$0x1E400] =	vst v63  }
0x9a: {  	_ =	swait.ge [sflag:s14], $0x1400  }
0x9b: {  	[sflag:s14] =	ssyncset.done $0x0  }
0x9c: {  	[sflag:s14] =	ssyncadd.s32 $0xFFFFEC00  }
0x9d: {  	[tilespmem:s17], [sflag:$0x1] =	stream.indirect.gather [hbm4b:s4+s16], $0x80, s5, s16, $0xb8;
	[tilespmem:$0x1E400] =	vst v63  }
0x9e: {  	_ = 	snop  }
0x9f: {  	[tilespmem:s18], [sflag:$0x1] =	stream.indirect.gather [hbm4b:s4+s16], $0x80, s16, s16, $0xb8;
	[tilespmem:$0x1E400] =	vst v63  }
0xa0: {  	s2 =	simm.s32 $0x80  }
0xa1: {  	[tilespmem:s19], [sflag:$0x2] =	stream.indirect.gather [hbm4b:s4+s16], $0x80, s2, s16, $0xb8;
	[tilespmem:$0x1E400] =	vst v63  }
0xa2: {  	s5 =	simm.s32 $0xC0  }
0xa3: {  	[tilespmem:s20], [sflag:$0x2] =	stream.indirect.gather [hbm4b:s4+s16], $0x80, s5, s16, $0xb8;
	[tilespmem:$0x1E400] =	vst v63  }
0xa4: {  	_ =	swait.ge [sflag:s21], $0x2000  }
0xa5: {  	[sflag:s21] =	ssyncset.done $0x0  }
0xa6: {  	[sflag:s21] =	ssyncadd.s32 $0xFFFFE000  }
0xa7: {  	_ =	swait.ge [sflag:s21], $0x2000  }
0xa8: {  	[sflag:s21] =	ssyncset.done $0x0  }
0xa9: {  	s2 =	simm.s32 $0x1400;
	[sflag:s21] =	ssyncadd.s32 $0xFFFFE000  }
0xaa: {  	[spmem:s1] =	stream.indirect.scatter.add.f32 [tilespmem:s17], [sflag:$0x3], $0x80, s2, s22, $0xb8;
	[tilespmem:$0x1E400] =	vst v63  }
0xab: {  	_ =	swait.ge [sflag:s14], $0x4000  }
0xac: {  	[sflag:s14] =	ssyncset.done $0x0  }
0xad: {  	s5 =	simm.s32 $0x100;
	[sflag:s14] =	ssyncadd.s32 $0xFFFFC000  }
0xae: {  	[tilespmem:s17], [sflag:$0x1] =	stream.indirect.gather [hbm4b:s4+s16], $0x80, s5, s16, $0xb8;
	[tilespmem:$0x1E400] =	vst v63  }
0xaf: {  	s2 =	simm.s32 $0x140  }
0xb0: {  	[tilespmem:s18], [sflag:$0x1] =	stream.indirect.gather [hbm4b:s4+s16], $0x80, s2, s16, $0xb8;
	[tilespmem:$0x1E400] =	vst v63  }
0xb1: {  	_ =	swait.ge [sflag:s23], $0x2000  }
0xb2: {  	[sflag:s23] =	ssyncset.done $0x0  }
0xb3: {  	[sflag:s23] =	ssyncadd.s32 $0xFFFFE000  }
0xb4: {  	_ =	swait.ge [sflag:s23], $0x2000  }
0xb5: {  	[sflag:s23] =	ssyncset.done $0x0  }
0xb6: {  	s5 =	simm.s32 $0x1480;
	[sflag:s23] =	ssyncadd.s32 $0xFFFFE000  }
0xb7: {  	[spmem:s1] =	stream.indirect.scatter.add.f32 [tilespmem:s19], [sflag:$0x3], $0x80, s5, s22, $0xb8;
	[tilespmem:$0x1E400] =	vst v63  }
0xb8: {  	_ =	swait.ge [sflag:s14], $0x4000  }
0xb9: {  	s31 =	simm.s32 $0x800;
	s30 =	simm.s32 $0x100;
	[sflag:s14] =	ssyncset.done $0x0  }
.LBB2_4:
0xba: {  	s0 =	sadd.s32 $0x80, s30  }
0xbb: {  	[sflag:s14] =	ssyncadd.s32 $0xFFFFC000;
	s2 =	smov.u32 s31;
	s5 =	sadd.s32 $0x400, s31  }
0xbc: {  	[tilespmem:s19], [sflag:$0x2] =	stream.indirect.gather [hbm4b:s4+s16], $0x80, s0, s16, $0xb8;
	[tilespmem:$0x1E400] =	vst v63  }
0xbd: {  	p0 =	sne.s32 s31, $0x4800;
	s0 =	sadd.s32 $0xC0, s30  }
0xbe: {  	[tilespmem:s20], [sflag:$0x2] =	stream.indirect.gather [hbm4b:s4+s16], $0x80, s0, s16, $0xb8;
	[tilespmem:$0x1E400] =	vst v63  }
0xbf: {  	_ =	swait.ge [sflag:s21], $0x2000  }
0xc0: {  	[sflag:s21] =	ssyncset.done $0x0  }
0xc1: {  	[sflag:s21] =	ssyncadd.s32 $0xFFFFE000  }
0xc2: {  	_ =	swait.ge [sflag:s21], $0x2000  }
0xc3: {  	[sflag:s21] =	ssyncset.done $0x0  }
0xc4: {  	s0 =	sadd.s32 $0x1400, s30;
	[sflag:s21] =	ssyncadd.s32 $0xFFFFE000  }
0xc5: {  	[spmem:s1] =	stream.indirect.scatter.add.f32 [tilespmem:s17], [sflag:$0x3], $0x80, s0, s22, $0xb8;
	[tilespmem:$0x1E400] =	vst v63  }
0xc6: {  	_ =	swait.ge [sflag:s14], $0x4000  }
0xc7: {  	[sflag:s14] =	ssyncset.done $0x0  }
0xc8: {  	s0 =	sadd.s32 $0x100, s30;
	[sflag:s14] =	ssyncadd.s32 $0xFFFFC000  }
0xc9: {  	[tilespmem:s17], [sflag:$0x1] =	stream.indirect.gather [hbm4b:s4+s16], $0x80, s0, s16, $0xb8;
	[tilespmem:$0x1E400] =	vst v63  }
0xca: {  	s0 =	sadd.s32 $0x140, s30  }
0xcb: {  	[tilespmem:s18], [sflag:$0x1] =	stream.indirect.gather [hbm4b:s4+s16], $0x80, s0, s16, $0xb8;
	[tilespmem:$0x1E400] =	vst v63  }
0xcc: {  	_ =	swait.ge [sflag:s23], $0x2000  }
0xcd: {  	[sflag:s23] =	ssyncset.done $0x0  }
0xce: {  	[sflag:s23] =	ssyncadd.s32 $0xFFFFE000  }
0xcf: {  	_ =	swait.ge [sflag:s23], $0x2000  }
.Ltmp1:
0xd0: {  	[sflag:s23] =	ssyncset.done $0x0;
	(pc) =	sbr.rel @p0 .LBB2_4-.Ltmp1, $4  }
0xd1: {  	s0 =	sadd.s32 $0x1480, s30;
	[sflag:s23] =	ssyncadd.s32 $0xFFFFE000  }
0xd2: {  	[spmem:s1] =	stream.indirect.scatter.add.f32 [tilespmem:s19], [sflag:$0x3], $0x80, s0, s22, $0xb8;
	[tilespmem:$0x1E400] =	vst v63  }
0xd3: {  	_ =	swait.ge [sflag:s14], $0x4000  }
0xd4: {  	s31 =	smov.u32 s5;
	s30 =	sshra.s32 s2, $0x2;
	[sflag:s14] =	ssyncset.done $0x0  }
0xd5: {  	s0 =	sadd.s32 $0x80, s30;
	[sflag:s14] =	ssyncadd.s32 $0xFFFFC000  }
0xd6: {  	[tilespmem:s19], [sflag:$0x2] =	stream.indirect.gather [hbm4b:s4+s16], $0x80, s0, s16, $0xb8;
	[tilespmem:$0x1E400] =	vst v63  }
0xd7: {  	s5 =	sadd.s32 $0xC0, s30  }
0xd8: {  	[tilespmem:s20], [sflag:$0x2] =	stream.indirect.gather [hbm4b:s4+s16], $0x80, s5, s16, $0xb8;
	[tilespmem:$0x1E400] =	vst v63  }
0xd9: {  	_ =	swait.ge [sflag:s21], $0x2000  }
0xda: {  	[sflag:s21] =	ssyncset.done $0x0  }
0xdb: {  	[sflag:s21] =	ssyncadd.s32 $0xFFFFE000  }
0xdc: {  	_ =	swait.ge [sflag:s21], $0x2000  }
0xdd: {  	[sflag:s21] =	ssyncset.done $0x0  }
0xde: {  	s31 =	sadd.s32 $0x1400, s30;
	[sflag:s21] =	ssyncadd.s32 $0xFFFFE000  }
0xdf: {  	[spmem:s1] =	stream.indirect.scatter.add.f32 [tilespmem:s17], [sflag:$0x3], $0x80, s31, s22, $0xb8;
	[tilespmem:$0x1E400] =	vst v63  }
0xe0: {  	_ =	swait.ge [sflag:s14], $0x4000  }
0xe1: {  	[sflag:s14] =	ssyncset.done $0x0  }
0xe2: {  	s2 =	sadd.s32 $0x100, s30;
	[sflag:s14] =	ssyncadd.s32 $0xFFFFC000  }
0xe3: {  	[tilespmem:s17], [sflag:$0x1] =	stream.indirect.gather [hbm4b:s4+s16], $0x80, s2, s16, $0xb8;
	[tilespmem:$0x1E400] =	vst v63  }
0xe4: {  	s5 =	sadd.s32 $0x140, s30  }
0xe5: {  	[tilespmem:s18], [sflag:$0x1] =	stream.indirect.gather [hbm4b:s4+s16], $0x80, s5, s16, $0xb8;
	[tilespmem:$0x1E400] =	vst v63  }
0xe6: {  	_ =	swait.ge [sflag:s23], $0x2000  }
0xe7: {  	[sflag:s23] =	ssyncset.done $0x0  }
0xe8: {  	[sflag:s23] =	ssyncadd.s32 $0xFFFFE000  }
0xe9: {  	_ =	swait.ge [sflag:s23], $0x2000  }
0xea: {  	[sflag:s23] =	ssyncset.done $0x0  }
0xeb: {  	s31 =	sadd.s32 $0x1480, s30;
	[sflag:s23] =	ssyncadd.s32 $0xFFFFE000  }
0xec: {  	[spmem:s1] =	stream.indirect.scatter.add.f32 [tilespmem:s19], [sflag:$0x3], $0x80, s31, s22, $0xb8;
	[tilespmem:$0x1E400] =	vst v63  }
0xed: {  	_ =	swait.ge [sflag:s14], $0x4000  }
0xee: {  	[sflag:s14] =	ssyncset.done $0x0  }
0xef: {  	[sflag:s14] =	ssyncadd.s32 $0xFFFFC000  }
0xf0: {  	[tilespmem:s19], [sflag:$0x2] =	stream.indirect.gather [hbm4b:s4+s16], $0x80, s24, s16, $0xb8;
	[tilespmem:$0x1E400] =	vst v63  }
0xf1: {  	_ = 	snop  }
0xf2: {  	[tilespmem:s20], [sflag:$0x2] =	stream.indirect.gather [hbm4b:s4+s16], $0x80, s25, s16, $0xb8;
	[tilespmem:$0x1E400] =	vst v63  }
0xf3: {  	_ =	swait.ge [sflag:s21], $0x2000  }
0xf4: {  	[sflag:s21] =	ssyncset.done $0x0  }
0xf5: {  	[sflag:s21] =	ssyncadd.s32 $0xFFFFE000  }
0xf6: {  	_ =	swait.ge [sflag:s21], $0x2000  }
0xf7: {  	[sflag:s21] =	ssyncset.done $0x0  }
0xf8: {  	[sflag:s21] =	ssyncadd.s32 $0xFFFFE000  }
0xf9: {  	[spmem:s1] =	stream.indirect.scatter.add.f32 [tilespmem:s17], [sflag:$0x3], $0x80, s26, s22, $0xb8;
	[tilespmem:$0x1E400] =	vst v63  }
0xfa: {  	_ =	swait.ge [sflag:s14], $0x4000  }
0xfb: {  	[sflag:s14] =	ssyncset.done $0x0  }
0xfc: {  	[sflag:s14] =	ssyncadd.s32 $0xFFFFC000  }
0xfd: {  	[tilespmem:s17], [sflag:$0x1] =	stream.indirect.gather [hbm4b:s4+s16], $0x80, s24, s16, $0xb8;
	[tilespmem:$0x1E400] =	vst v63  }
0xfe: {  	_ = 	snop  }
0xff: {  	[tilespmem:s18], [sflag:$0x1] =	stream.indirect.gather [hbm4b:s4+s16], $0x80, s25, s16, $0xb8;
	[tilespmem:$0x1E400] =	vst v63  }
0x100: {  	_ =	swait.ge [sflag:s23], $0x2000  }
0x101: {  	[sflag:s23] =	ssyncset.done $0x0  }
0x102: {  	[sflag:s23] =	ssyncadd.s32 $0xFFFFE000  }
0x103: {  	_ =	swait.ge [sflag:s23], $0x2000  }
0x104: {  	[sflag:s23] =	ssyncset.done $0x0  }
0x105: {  	[sflag:s23] =	ssyncadd.s32 $0xFFFFE000  }
0x106: {  	[spmem:s1] =	stream.indirect.scatter.add.f32 [tilespmem:s19], [sflag:$0x3], $0x80, s28, s22, $0xb8;
	[tilespmem:$0x1E400] =	vst v63  }
0x107: {  	_ =	swait.ge [sflag:s14], $0x4000  }
0x108: {  	[sflag:s14] =	ssyncset.done $0x0  }
0x109: {  	[sflag:s14] =	ssyncadd.s32 $0xFFFFC000  }
0x10a: {  	_ =	swait.ge [sflag:s21], $0x2000  }
0x10b: {  	[sflag:s21] =	ssyncset.done $0x0  }
0x10c: {  	[sflag:s21] =	ssyncadd.s32 $0xFFFFE000  }
0x10d: {  	_ =	swait.ge [sflag:s21], $0x2000  }
0x10e: {  	s29 =	sadd.s32 $0x1, s29;
	[sflag:s21] =	ssyncset.done $0x0  }
0x10f: {  	p0 =	sne.s32 s29, s12;
	[sflag:s21] =	ssyncadd.s32 $0xFFFFE000  }
.Ltmp2:
0x110: {  	[bflag:$0x0] =	sbarrier.arrive $0xFFFF;
	(pc) =	sbr.rel @p0 .LBB2_1-.Ltmp2, $4  }
0x111: {  	[hbm:s11], [sflag:s6] =	dma.local [spmem:s13], $0x2780  }
0x112: {  	_ =	swait.ge [sflag:s14], $0x2780  }
0x113: {  	[sflag:s14] =	ssyncset.done $0x0  }
0x114: {  	[sflag:s14] =	ssyncadd.s32 $0xFFFFD880  }
0x115: {  	_ =	sfence.sel $0x180000  }
0x116: {  	[bflag:$0x0] =	sbarrier.arrive $0xFFFF  }
0x117: {  	_ =	strace $0x9000004D  }
0x118: {  	s0 =	stileid.u32;
	[bflag:$0x2] =	sbarrier.arrive $0xFFFF  }
0x119: {  	p0 =	sne.s32 s0, $0x0;
	s0 =	rddreg [dreg:$0x3]  }
0x11a: {  	s0 =	sadd.s32 @!p0 $0x100000, s0  }
0x11b: {  	[sflag:s0] =	ssyncadd.tile.s32 @!p0 $0x1;
	_ =	shalt  }
.Lfunc_end2:
_tile_overlayer_lowered:
.L_overlay_start_2:
0x11c: {  	(tag) =	ssettag $0x2  }
0x11d: {  	s0 =	rddreg [dreg:$0x0];
	s2 =	stileid.u32  }
0x11e: {  	s1 =	rddreg [dreg:$0x1];
	p0 =	sne.s32 s2, $0x0  }
0x11f: {  	s3 =	rddreg [dreg:$0x2];
	[bflag:$0x3] =	sbarrier.arrive $0xFFFF;
	s2 =	simm.s32 @!p0 $0x1C03  }
0x120: {  	[timem:s3], [sflag:s2] =	dma.local @!p0 [hbm:s0], s1  }
0x121: {  	s0 =	simm.s32 @!p0 $0x3  }
0x122: {  	_ =	swait.ge @!p0 [sflag:s0], s1  }
0x123: {  	s1 =	ssub.s32 @!p0 $0x0, s1;
	[sflag:s0] =	ssyncset.done @!p0 $0x0  }
0x124: {  	[sflag:s0] =	ssyncadd.s32 @!p0 s1  }
0x125: {  	[bflag:$0x3] =	sbarrier.arrive $0xFFFF  }
0x126: {  	_ =	shalt  }

// kernel: kernel.8.cloned.1.call-start
scs
__scs_entry_jumppad:
0x0: {  	(pc) =	sbr.rel $0x88, $3  }
0x1: {  	(tag) =	ssettag $0x0;
	lr =	simm.s32 $0x1  }
0x2: {  	[smem:$0x3F9B] =	sst lr;
	_ =	strace $0xD0000000  }
0x3: {  	_ = 	snop  }
0x4: {  	_ = 	snop  }
0x5: {  	_ = 	snop  }
0x6: {  	_ = 	snop  }
0x7: {  	_ = 	snop  }
__scs_overlays_trampoline_lowered:
0x8: {  	[smem:$0x3FAA] =	sst s0  }
0x9: {  	[smem:$0x3FAB] =	sst s1  }
0xa: {  	[smem:$0x3FAC] =	sst s2  }
0xb: {  	[smem:$0x3FAD] =	sst s3  }
0xc: {  	[smem:$0x3FAE] =	sst s4  }
0xd: {  	[smem:$0x3FAF] =	sst s5  }
0xe: {  	[smem:$0x3FB0] =	sst s6  }
0xf: {  	[smem:$0x3FB1] =	sst s7  }
0x10: {  	[smem:$0x3FB2] =	sst s8  }
0x11: {  	[smem:$0x3FB3] =	sst s9;
	s0 =	simm.s32 @!p0 $0x0  }
0x12: {  	s1 =	sld [smem:$0x3F99];
	s0 =	simm.s32 @p0 $0x1  }
0x13: {  	[smem:$0x3FB4] =	sst s0;
	s0 =	simm.s32 @!p1 $0x0  }
0x14: {  	s2 =	sld [smem:$0x3F98];
	s0 =	simm.s32 @p1 $0x1  }
0x15: {  	[smem:$0x3FB5] =	sst s0;
	s0 =	simm.s32 @!p2 $0x0  }
0x16: {  	s3 =	sld [smem:$0x3FDB];
	s0 =	simm.s32 @p2 $0x1  }
0x17: {  	s4 =	simm.s32 $0x1BF5;
	[smem:$0x3FB7] =	sst s0  }
0x18: {  	s0 =	sld [smem:$0x3F9A];
	_ =	swait.ge [sflag:s4], $0x0  }
0x19: {  	s7 =	sld [smem:$0x3F9B]  }
0x1a: {  	s8 =	sadd.s32 $0xFFFFE003, lr  }
0x1b: {  	s9 =	sadd.s32 $0xFFFFFEF7, lr;
	s5 =	simm.s32 $0xFFFFFFFF;
	p2 =	slt.u32 s8, $0xFFFFF086  }
0x1c: {  	p1 =	slt.u32 s9, $0xF7A;
	s5 =	simm.s32 @!p2 $0x0  }
0x1d: {  	s5 =	simm.s32 @p1 $0x1;
	p0 =	seq.s32 s7, s2  }
0x1e: {  	s7 =	smul.u32 @!p0 $0xF7A, s2;
	p2 =	seq.s32 @!p0 s5, $0x0  }
0x1f: {  	s9 =	smul.u32 $0xF7A, s1;
	s8 =	simm.s32 @!p0 $0x1BF5;
	p2 =	por !p2, p0  }
0x20: {  	[sflag:s8] =	ssyncset.s32 @!p0 $0xFFFFF086;
	s6 =	sadd.s32 @!p0 s3, s7;
	s7 =	simm.s32 @!p0 $0x108  }
0x21: {  	s3 =	sadd.s32 s3, s9;
	s6 =	sadd.s32 @!p0 $0x88, s6;
	s7 =	simm.s32 @p2 $0x1082  }
0x22: {  	[simem:s7], [sflag:s8] =	dma.local @!p0 [hbm:s6], $0xF7A  }
0x23: {  	s9 =	sor.u32 $0xD0000000, s2;
	s6 =	simm.s32 $0x108;
	_ =	swait.ge @!p0 [sflag:s8], $0x0  }
0x24: {  	s3 =	sadd.s32 $0x88, s3;
	s6 =	simm.s32 @!p1 $0x1082;
	[sflag:s4] =	ssyncset.s32 $0xFFFFF086  }
0x25: {  	[simem:s6], [sflag:s4] =	dma.local [hbm:s3], $0xF7A  }
0x26: {  	[smem:$0x3F9B] =	sst s1;
	(tag) =	ssettag s2;
	_ =	strace s9  }
0x27: {  	s1 =	sld [smem:$0x3FAB]  }
0x28: {  	s2 =	sld [smem:$0x3FAC]  }
0x29: {  	s4 =	sld [smem:$0x3FAE]  }
0x2a: {  	p0 =	seq.s32 s5, $0x0;
	s5 =	sld [smem:$0x3FAF]  }
0x2b: {  	s6 =	sld [smem:$0x3FB0]  }
0x2c: {  	s7 =	sld [smem:$0x3FB1]  }
0x2d: {  	s3 =	simm.s32 $0x108;
	s8 =	sld [smem:$0x3FB2]  }
0x2e: {  	s3 =	simm.s32 @!p0 $0x1082;
	s9 =	sld [smem:$0x3FB3]  }
0x2f: {  	lr =	sadd.s32 s0, s3;
	s0 =	sld [smem:$0x3FAA]  }
0x30: {  	s3 =	sld [smem:$0x3FAD]  }
0x31: {  	[smem:$0x3FB6] =	sst s10  }
0x32: {  	s10 =	sld [smem:$0x3FB4];
	_ =	sdelay $0x3  }
0x33: {  	p0 =	seq.s32 s10, $0x1;
	s10 =	sld [smem:$0x3FB6];
	_ =	sdelay $0x3  }
0x34: {  	[smem:$0x3FB6] =	sst s10  }
0x35: {  	s10 =	sld [smem:$0x3FB5];
	_ =	sdelay $0x3  }
0x36: {  	p1 =	seq.s32 s10, $0x1;
	s10 =	sld [smem:$0x3FB6];
	_ =	sdelay $0x3  }
0x37: {  	[smem:$0x3FB6] =	sst s10  }
0x38: {  	s10 =	sld [smem:$0x3FB7]  }
0x39: {  	_ = 	snop;
	(pc) =	sbr.ind lr, $3  }
0x3a: {  	_ = 	snop  }
0x3b: {  	_ = 	snop  }
0x3c: {  	p2 =	seq.s32 s10, $0x1;
	s10 =	sld [smem:$0x3FB6]  }
0x3d: {  	_ =	shalt  }
0x3e: {  	_ =	shalt  }
0x3f: {  	_ =	shalt  }
0x40: {  	_ =	shalt  }
0x41: {  	_ =	shalt  }
0x42: {  	_ =	shalt  }
0x43: {  	_ =	shalt  }
0x44: {  	_ =	shalt  }
0x45: {  	_ =	shalt  }
0x46: {  	_ =	shalt  }
0x47: {  	_ =	shalt  }
0x48: {  	_ =	shalt  }
0x49: {  	_ =	shalt  }
0x4a: {  	_ =	shalt  }
0x4b: {  	_ =	shalt  }
0x4c: {  	_ =	shalt  }
0x4d: {  	_ =	shalt  }
0x4e: {  	_ =	shalt  }
0x4f: {  	_ =	shalt  }
0x50: {  	_ =	shalt  }
0x51: {  	_ =	shalt  }
0x52: {  	_ =	shalt  }
0x53: {  	_ =	shalt  }
0x54: {  	_ =	shalt  }
0x55: {  	_ =	shalt  }
0x56: {  	_ =	shalt  }
0x57: {  	_ =	shalt  }
0x58: {  	_ =	shalt  }
0x59: {  	_ =	shalt  }
0x5a: {  	_ =	shalt  }
0x5b: {  	_ =	shalt  }
0x5c: {  	_ =	shalt  }
0x5d: {  	_ =	shalt  }
0x5e: {  	_ =	shalt  }
0x5f: {  	_ =	shalt  }
0x60: {  	_ =	shalt  }
0x61: {  	_ =	shalt  }
0x62: {  	_ =	shalt  }
0x63: {  	_ =	shalt  }
0x64: {  	_ =	shalt  }
0x65: {  	_ =	shalt  }
0x66: {  	_ =	shalt  }
0x67: {  	_ =	shalt  }
0x68: {  	_ =	shalt  }
0x69: {  	_ =	shalt  }
0x6a: {  	_ =	shalt  }
0x6b: {  	_ =	shalt  }
0x6c: {  	_ =	shalt  }
0x6d: {  	_ =	shalt  }
0x6e: {  	_ =	shalt  }
0x6f: {  	_ =	shalt  }
0x70: {  	_ =	shalt  }
0x71: {  	_ =	shalt  }
0x72: {  	_ =	shalt  }
0x73: {  	_ =	shalt  }
0x74: {  	_ =	shalt  }
0x75: {  	_ =	shalt  }
0x76: {  	_ =	shalt  }
0x77: {  	_ =	shalt  }
0x78: {  	_ =	shalt  }
0x79: {  	_ =	shalt  }
0x7a: {  	_ =	shalt  }
0x7b: {  	_ =	shalt  }
0x7c: {  	_ =	shalt  }
0x7d: {  	_ =	shalt  }
0x7e: {  	_ =	shalt  }
0x7f: {  	_ =	shalt  }
0x80: {  	_ =	shalt  }
0x81: {  	_ =	shalt  }
0x82: {  	_ =	shalt  }
0x83: {  	_ =	shalt  }
0x84: {  	_ =	shalt  }
0x85: {  	_ =	shalt  }
0x86: {  	_ =	shalt  }
0x87: {  	_ =	shalt  }
.Lfunc_end0:
.L_simem_size_0:
called_computation_lowered:
.L_overlay_start_0:
0x88: {  	s2 =	sld [smem:$0x3FD9]  }
0x89: {  	s3 =	sld [smem:$0x3FFE];
	_ =	sdelay $0x1  }
0x8a: {  	s1 =	srdreg.scid  }
0x8b: {  	s0 =	sand.u32 $0x1, s1  }
0x8c: {  	s17 =	sshll.u32 s0, $0xA;
	s2 =	sadd.s32 s3, s2  }
0x8d: {  	s2 =	sadd.s32 s2, s17  }
0x8e: {  	[smem:$0x3FC2] =	sst s2  }
0x8f: {  	_ = 	snop  }
0x90: {  	s2 =	sld [smem:$0x3FD0];
	(tm) =	ssettm $0x1  }
0x91: {  	s18 =	sld [smem:$0x3FFB];
	_ =	sdelay $0x3  }
0x92: {  	_ =	strace s18  }
0x93: {  	s3 =	sld [smem:$0x3FFC];
	_ =	sdelay $0x3  }
0x94: {  	_ =	strace s3  }
0x95: {  	s3 =	sld [smem:$0x3FFD];
	_ =	sdelay $0x3  }
0x96: {  	_ =	strace s3  }
0x97: {  	_ =	strace $0x8FFFFFFF  }
0x98: {  	s19 =	sld [smem:$0x3FDB];
	_ =	sdelay $0x1  }
0x99: {  	s4 =	simm.s32 $_scs_section_size  }
0x9a: {  	s5 =	simm.s32 $_size__tile_overlayer_lowered;
	s6 =	simm.s32 $_tile_overlayer_lowered  }
0x9b: {  	s22 =	simm.s32 $0x1BFF;
	s21 =	sshll.u32 s6, $0x1;
	s3 =	sadd.s32 s4, s19  }
0x9c: {  	s7 =	simm.s32 $0x0;
	s20 =	sshll.u32 s5, $0x1;
	s5 =	sadd.s32 s21, s3  }
0x9d: {  	[timem:s7], [sflag:s22] =	dma.local [hbm:s5], s20  }
0x9e: {  	_ =	swait.ge [sflag:s22], s20  }
0x9f: {  	s4 =	ssub.s32 $0x0, s20;
	[sflag:s22] =	ssyncset.done $0x0  }
0xa0: {  	[sflag:s22] =	ssyncadd.s32 s4;
	_ =	sdelay $0x1  }
0xa1: {  	s23 =	simm.s32 $0x1B8B  }
0xa2: {  	_ =	swait.ge [sflag:s23], $0x1  }
0xa3: {  	[sflag:s23] =	ssyncset.done $0x0  }
0xa4: {  	s25 =	simm.s32 $0x1B8E;
	s24 =	sld [smem:$0x3FFE];
	[sflag:s23] =	ssyncadd.s32 $0xFFFFFFFF  }
0xa5: {  	s26 =	simm.s32 $execute0_lowered;
	[smem:$0x3FD2] =	sst s25  }
0xa6: {  	s5 =	sshll.u32 s26, $0x1;
	_ =	strace $0x80000046;
	[dreg:$0x1] =	wrdreg $0xFFFFFFFF  }
0xa7: {  	s28 =	simm.s32 $_size_execute0_lowered;
	s3 =	sadd.s32 s3, s5;
	[dreg:$0x0] =	wrdreg $0x0  }
0xa8: {  	s5 =	sshll.u32 s28, $0x1;
	[dreg:$0x2] =	wrdreg s3  }
0xa9: {  	[dreg:$0x3] =	wrdreg s5  }
0xaa: {  	[dreg:$0x4] =	wrdreg $0xC0  }
0xab: {  	_ =	task [dreg:s7], $0x5FFFF  }
0xac: {  	[dreg:$0x1] =	wrdreg $0xFFFFFFFF  }
0xad: {  	[dreg:$0x0] =	wrdreg $0x60  }
0xae: {  	[dreg:$0x2] =	wrdreg s2  }
0xaf: {  	[dreg:$0x3] =	wrdreg s24  }
0xb0: {  	[dreg:$0x4] =	wrdreg $0x68000  }
0xb1: {  	[dreg:$0x5] =	wrdreg $0x9  }
0xb2: {  	_ =	task.clear_ibuf [dreg:s7], $0x6FFFF;
	_ =	strace $0x90000046  }
0xb3: {  	s29 =	simm.s32 $0x9;
	_ =	strace $0x80000048  }
0xb4: {  	_ =	swait.ge [sflag:s29], $0x1  }
0xb5: {  	[sflag:s29] =	ssyncadd.s32 $0xFFFFFFFF  }
0xb6: {  	_ =	strace $0x90000048  }
0xb7: {  	_ =	sfence  }
0xb8: {  	s30 =	sld [smem:$0x0];
	_ =	sdelay $0x2  }
0xb9: {  	s31 =	sshll.u32 s1, $0xD;
	s1 =	sshrl.u32 s1, $0x2  }
0xba: {  	s3 =	sand.u32 $0x4000, s31;
	s1 =	sadd.s32 s1, s30  }
0xbb: {  	s0 =	sor.u32 s3, s0;
	s1 =	sshll.u32 s1, $0x11  }
0xbc: {  	s0 =	sor.u32 s1, s0  }
0xbd: {  	s0 =	sadd.s32 $0x8F2B, s0  }
0xbe: {  	[sflag:s0] =	ssyncadd.remote.s32 $0x1  }
0xbf: {  	_ =	sfence.sel $0xFFFF  }
0xc0: {  	[dreg:$0x0] =	wrdreg $0xFFFFFFFF;
	(pc) =	sbr.abs _section_cstart, $3  }
0xc1: {  	[dreg:$0x1] =	wrdreg $0xFFFFFFFF  }
0xc2: {  	_ =	task.clear_ibuf [dreg:s7], $0x2FFFF;
	_ =	strace $0x9FFFFFFF  }
0xc3: {  	(tm) =	ssettm $0x7FFFFFFF  }
tec
execute0_lowered:
.L_overlay_start_1:
0x0: {  	(tag) =	ssettag $0x1  }
0x1: {  	s7 =	rddreg [dreg:$0x0]  }
0x2: {  	s6 =	rddreg [dreg:$0x1]  }
0x3: {  	s1 =	rddreg [dreg:$0x2];
	s2 =	srdreg.scid  }
0x4: {  	s0 =	rddreg [dreg:$0x3];
	s3 =	simm.s32 $0x0;
	s8 =	sand.u32 $0x1, s2  }
0x5: {  	s14 =	simm.s32 $0x1;
	s2 =	stileid.u32;
	s9 =	smul.u32 $0x13C000, s8  }
0x6: {  	s15 =	simm.s32 $0x0;
	[smem:$0x7FF] =	sst s3;
	s10 =	smul.u32 $0x13C00, s2  }
0x7: {  	s4 =	sadd.s32 $0xCA00, s6;
	s5 =	sadd.s32 $0xD200, s6;
	s28 =	smul.u32 $0x4F000, s2  }
0x8: {  	_ =	strace $0x80000047;
	s11 =	ssub.s32 $0x2, s8;
	s8 =	smul.u32 $0x5000, s8  }
0x9: {  	s12 =	smul.u32 $0x500, s2;
	s31 =	sshll.u32 s2, $0x6;
	s29 =	sshrl.u32 s11, $0x1  }
0xa: {  	s9 =	sadd.s32 s10, s9;
	s11 =	ssub.s32 s11, s29;
	s30 =	sshrl.u32 s28, $0x2  }
0xb: {  	s8 =	sadd.s32 s12, s8;
	s12 =	simm.s32 $0x2800;
	s9 =	sshrl.u32 s9, $0x3  }
0xc: {  	s13 =	sadd.s32 s30, s1;
	s7 =	sadd.s32 s7, s8;
	s9 =	sadd.s32 s9, s6  }
0xd: {  	s6 =	sor.u32 $0x1C02, s31;
	s10 =	sshrl.u32 s13, $0x3;
	s13 =	simm.s32 $0x80  }
0xe: {  	s8 =	sadd.s32 $0xFA00, s9;
	s9 =	smax.u32 s11, $0x1;
	s11 =	simm.s32 $0x2  }
.LBB2_1:
0xf: {  	[spmem:s10], [sflag:s6] =	dma.local [hbm:s5], $0x2780  }
0x10: {  	_ =	swait.ge [sflag:s11], $0x2780  }
0x11: {  	[sflag:s11] =	ssyncset.done $0x0  }
0x12: {  	[sflag:s11] =	ssyncadd.s32 $0xFFFFD880  }
0x13: {  	[tilespmem:s12], [sflag:$0x2] =	stream.linear.gather [hbm4b:s4+s3], $0x4000, $0x38;
	[tilespmem:$0x1A400] =	vst v63  }
0x14: {  	_ =	swait.ge [sflag:s11], $0x4000  }
0x15: {  	[sflag:s11] =	ssyncset.done $0x0  }
0x16: {  	[sflag:s11] =	ssyncadd.s32 $0xFFFFC000  }
0x17: {  	[tilespmem:s3], [sflag:$0x2] =	stream.linear.gather [hbm4b:s7+s3], $0x2800, $0x38;
	[tilespmem:$0x1A400] =	vst v63  }
0x18: {  	_ =	swait.ge [sflag:s11], $0x2800  }
0x19: {  	[sflag:s11] =	ssyncset.done $0x0  }
0x1a: {  	[sflag:s11] =	ssyncadd.s32 $0xFFFFD800  }
0x1b: {  	s16 =	simm.s32 $0x0;
	[bflag:$0x0] =	sbarrier.arrive $0xFFFF  }
0x1c: {  	[spmem:s1] =	stream.indirect.scatter.add.f32 [tilespmem:s12], [sflag:$0x1], $0x80, s16, s13, $0xb8;
	[tilespmem:$0x1A400] =	vst v63  }
0x1d: {  	s24 =	simm.s32 $0x80  }
0x1e: {  	[spmem:s1] =	stream.indirect.scatter.add.f32 [tilespmem:s12], [sflag:$0x1], $0x80, s24, s13, $0xb8;
	[tilespmem:$0x1A400] =	vst v63  }
0x1f: {  	s25 =	simm.s32 $0x100  }
0x20: {  	[spmem:s1] =	stream.indirect.scatter.add.f32 [tilespmem:s12], [sflag:$0x1], $0x80, s25, s13, $0xb8;
	[tilespmem:$0x1A400] =	vst v63  }
0x21: {  	s26 =	simm.s32 $0x180  }
0x22: {  	[spmem:s1] =	stream.indirect.scatter.add.f32 [tilespmem:s12], [sflag:$0x1], $0x80, s26, s13, $0xb8;
	[tilespmem:$0x1A400] =	vst v63  }
0x23: {  	s28 =	simm.s32 $0x200  }
0x24: {  	[spmem:s1] =	stream.indirect.scatter.add.f32 [tilespmem:s12], [sflag:$0x1], $0x80, s28, s13, $0xb8;
	[tilespmem:$0x1A400] =	vst v63  }
0x25: {  	s29 =	simm.s32 $0x280  }
0x26: {  	[spmem:s1] =	stream.indirect.scatter.add.f32 [tilespmem:s12], [sflag:$0x1], $0x80, s29, s13, $0xb8;
	[tilespmem:$0x1A400] =	vst v63  }
0x27: {  	s30 =	simm.s32 $0x300  }
0x28: {  	[spmem:s1] =	stream.indirect.scatter.add.f32 [tilespmem:s12], [sflag:$0x1], $0x80, s30, s13, $0xb8;
	[tilespmem:$0x1A400] =	vst v63  }
0x29: {  	s31 =	simm.s32 $0x380  }
0x2a: {  	[spmem:s1] =	stream.indirect.scatter.add.f32 [tilespmem:s12], [sflag:$0x1], $0x80, s31, s13, $0xb8;
	[tilespmem:$0x1A400] =	vst v63  }
0x2b: {  	_ =	swait.ge [sflag:s14], $0x4000  }
0x2c: {  	[sflag:s14] =	ssyncset.done $0x0  }
0x2d: {  	[sflag:s14] =	ssyncadd.s32 $0xFFFFC000  }
0x2e: {  	_ =	swait.ge [sflag:s14], $0x4000  }
0x2f: {  	[sflag:s14] =	ssyncset.done $0x0  }
0x30: {  	[sflag:s14] =	ssyncadd.s32 $0xFFFFC000  }
0x31: {  	_ =	swait.ge [sflag:s14], $0x4000  }
0x32: {  	[sflag:s14] =	ssyncset.done $0x0  }
0x33: {  	[sflag:s14] =	ssyncadd.s32 $0xFFFFC000  }
0x34: {  	_ =	swait.ge [sflag:s14], $0x4000  }
0x35: {  	[sflag:s14] =	ssyncset.done $0x0  }
0x36: {  	[sflag:s14] =	ssyncadd.s32 $0xFFFFC000  }
0x37: {  	_ =	swait.ge [sflag:s14], $0x4000  }
0x38: {  	[sflag:s14] =	ssyncset.done $0x0  }
0x39: {  	[sflag:s14] =	ssyncadd.s32 $0xFFFFC000  }
0x3a: {  	_ =	swait.ge [sflag:s14], $0x4000  }
0x3b: {  	[sflag:s14] =	ssyncset.done $0x0  }
0x3c: {  	[sflag:s14] =	ssyncadd.s32 $0xFFFFC000  }
0x3d: {  	_ =	swait.ge [sflag:s14], $0x4000  }
0x3e: {  	[sflag:s14] =	ssyncset.done $0x0  }
0x3f: {  	[sflag:s14] =	ssyncadd.s32 $0xFFFFC000  }
0x40: {  	_ =	swait.ge [sflag:s14], $0x4000  }
0x41: {  	s18 =	simm.s32 $0x2000;
	s16 =	simm.s32 $0x1000;
	[sflag:s14] =	ssyncset.done $0x0  }
.LBB2_2:
0x42: {  	s19 =	sshra.s32 s16, $0x2  }
0x43: {  	[sflag:s14] =	ssyncadd.s32 $0xFFFFC000;
	s16 =	smov.u32 s18;
	s17 =	sadd.s32 $0x1000, s18  }
0x44: {  	[spmem:s1] =	stream.indirect.scatter.add.f32 [tilespmem:s12], [sflag:$0x1], $0x80, s19, s13, $0xb8;
	[tilespmem:$0x1A400] =	vst v63  }
0x45: {  	p0 =	sne.s32 s18, $0x9000;
	s18 =	sadd.s32 $0x80, s19  }
0x46: {  	[spmem:s1] =	stream.indirect.scatter.add.f32 [tilespmem:s12], [sflag:$0x1], $0x80, s18, s13, $0xb8;
	[tilespmem:$0x1A400] =	vst v63  }
0x47: {  	s18 =	sadd.s32 $0x100, s19  }
0x48: {  	[spmem:s1] =	stream.indirect.scatter.add.f32 [tilespmem:s12], [sflag:$0x1], $0x80, s18, s13, $0xb8;
	[tilespmem:$0x1A400] =	vst v63  }
0x49: {  	s18 =	sadd.s32 $0x180, s19  }
0x4a: {  	[spmem:s1] =	stream.indirect.scatter.add.f32 [tilespmem:s12], [sflag:$0x1], $0x80, s18, s13, $0xb8;
	[tilespmem:$0x1A400] =	vst v63  }
0x4b: {  	s18 =	sadd.s32 $0x200, s19  }
0x4c: {  	[spmem:s1] =	stream.indirect.scatter.add.f32 [tilespmem:s12], [sflag:$0x1], $0x80, s18, s13, $0xb8;
	[tilespmem:$0x1A400] =	vst v63  }
0x4d: {  	s18 =	sadd.s32 $0x280, s19  }
0x4e: {  	[spmem:s1] =	stream.indirect.scatter.add.f32 [tilespmem:s12], [sflag:$0x1], $0x80, s18, s13, $0xb8;
	[tilespmem:$0x1A400] =	vst v63  }
0x4f: {  	s18 =	sadd.s32 $0x300, s19  }
0x50: {  	[spmem:s1] =	stream.indirect.scatter.add.f32 [tilespmem:s12], [sflag:$0x1], $0x80, s18, s13, $0xb8;
	[tilespmem:$0x1A400] =	vst v63  }
0x51: {  	s18 =	sadd.s32 $0x380, s19  }
0x52: {  	[spmem:s1] =	stream.indirect.scatter.add.f32 [tilespmem:s12], [sflag:$0x1], $0x80, s18, s13, $0xb8;
	[tilespmem:$0x1A400] =	vst v63  }
0x53: {  	_ =	swait.ge [sflag:s14], $0x4000  }
0x54: {  	[sflag:s14] =	ssyncset.done $0x0  }
0x55: {  	[sflag:s14] =	ssyncadd.s32 $0xFFFFC000  }
0x56: {  	_ =	swait.ge [sflag:s14], $0x4000  }
0x57: {  	[sflag:s14] =	ssyncset.done $0x0  }
0x58: {  	[sflag:s14] =	ssyncadd.s32 $0xFFFFC000  }
0x59: {  	_ =	swait.ge [sflag:s14], $0x4000  }
0x5a: {  	[sflag:s14] =	ssyncset.done $0x0  }
0x5b: {  	[sflag:s14] =	ssyncadd.s32 $0xFFFFC000  }
0x5c: {  	_ =	swait.ge [sflag:s14], $0x4000  }
0x5d: {  	[sflag:s14] =	ssyncset.done $0x0  }
0x5e: {  	[sflag:s14] =	ssyncadd.s32 $0xFFFFC000  }
0x5f: {  	_ =	swait.ge [sflag:s14], $0x4000  }
0x60: {  	[sflag:s14] =	ssyncset.done $0x0  }
0x61: {  	[sflag:s14] =	ssyncadd.s32 $0xFFFFC000  }
0x62: {  	_ =	swait.ge [sflag:s14], $0x4000  }
0x63: {  	[sflag:s14] =	ssyncset.done $0x0  }
0x64: {  	[sflag:s14] =	ssyncadd.s32 $0xFFFFC000  }
.Ltmp0:
0x65: {  	_ =	swait.ge [sflag:s14], $0x4000;
	(pc) =	sbr.rel @p0 .LBB2_2-.Ltmp0, $4  }
0x66: {  	[sflag:s14] =	ssyncset.done $0x0  }
0x67: {  	[sflag:s14] =	ssyncadd.s32 $0xFFFFC000  }
0x68: {  	_ =	swait.ge [sflag:s14], $0x4000  }
0x69: {  	s18 =	smov.u32 s17;
	[sflag:s14] =	ssyncset.done $0x0  }
0x6a: {  	s16 =	sshra.s32 s16, $0x2;
	[sflag:s14] =	ssyncadd.s32 $0xFFFFC000  }
0x6b: {  	[spmem:s1] =	stream.indirect.scatter.add.f32 [tilespmem:s12], [sflag:$0x1], $0x80, s16, s13, $0xb8;
	[tilespmem:$0x1A400] =	vst v63  }
0x6c: {  	s17 =	sadd.s32 $0x80, s16  }
0x6d: {  	[spmem:s1] =	stream.indirect.scatter.add.f32 [tilespmem:s12], [sflag:$0x1], $0x80, s17, s13, $0xb8;
	[tilespmem:$0x1A400] =	vst v63  }
0x6e: {  	s26 =	sadd.s32 $0x100, s16  }
0x6f: {  	[spmem:s1] =	stream.indirect.scatter.add.f32 [tilespmem:s12], [sflag:$0x1], $0x80, s26, s13, $0xb8;
	[tilespmem:$0x1A400] =	vst v63  }
0x70: {  	s28 =	sadd.s32 $0x180, s16  }
0x71: {  	[spmem:s1] =	stream.indirect.scatter.add.f32 [tilespmem:s12], [sflag:$0x1], $0x80, s28, s13, $0xb8;
	[tilespmem:$0x1A400] =	vst v63  }
0x72: {  	s29 =	sadd.s32 $0x200, s16  }
0x73: {  	[spmem:s1] =	stream.indirect.scatter.add.f32 [tilespmem:s12], [sflag:$0x1], $0x80, s29, s13, $0xb8;
	[tilespmem:$0x1A400] =	vst v63  }
0x74: {  	s30 =	sadd.s32 $0x280, s16  }
0x75: {  	[spmem:s1] =	stream.indirect.scatter.add.f32 [tilespmem:s12], [sflag:$0x1], $0x80, s30, s13, $0xb8;
	[tilespmem:$0x1A400] =	vst v63  }
0x76: {  	s31 =	sadd.s32 $0x300, s16  }
0x77: {  	[spmem:s1] =	stream.indirect.scatter.add.f32 [tilespmem:s12], [sflag:$0x1], $0x80, s31, s13, $0xb8;
	[tilespmem:$0x1A400] =	vst v63  }
0x78: {  	s16 =	sadd.s32 $0x380, s16  }
0x79: {  	[spmem:s1] =	stream.indirect.scatter.add.f32 [tilespmem:s12], [sflag:$0x1], $0x80, s16, s13, $0xb8;
	[tilespmem:$0x1A400] =	vst v63  }
0x7a: {  	_ =	swait.ge [sflag:s14], $0x4000  }
0x7b: {  	[sflag:s14] =	ssyncset.done $0x0  }
0x7c: {  	[sflag:s14] =	ssyncadd.s32 $0xFFFFC000  }
0x7d: {  	_ =	swait.ge [sflag:s14], $0x4000  }
0x7e: {  	[sflag:s14] =	ssyncset.done $0x0  }
0x7f: {  	[sflag:s14] =	ssyncadd.s32 $0xFFFFC000  }
0x80: {  	_ =	swait.ge [sflag:s14], $0x4000  }
0x81: {  	[sflag:s14] =	ssyncset.done $0x0  }
0x82: {  	[sflag:s14] =	ssyncadd.s32 $0xFFFFC000  }
0x83: {  	_ =	swait.ge [sflag:s14], $0x4000  }
0x84: {  	[sflag:s14] =	ssyncset.done $0x0  }
0x85: {  	[sflag:s14] =	ssyncadd.s32 $0xFFFFC000  }
0x86: {  	_ =	swait.ge [sflag:s14], $0x4000  }
0x87: {  	[sflag:s14] =	ssyncset.done $0x0  }
0x88: {  	[sflag:s14] =	ssyncadd.s32 $0xFFFFC000  }
0x89: {  	_ =	swait.ge [sflag:s14], $0x4000  }
0x8a: {  	[sflag:s14] =	ssyncset.done $0x0  }
0x8b: {  	[sflag:s14] =	ssyncadd.s32 $0xFFFFC000  }
0x8c: {  	_ =	swait.ge [sflag:s14], $0x4000  }
0x8d: {  	[sflag:s14] =	ssyncset.done $0x0  }
0x8e: {  	[sflag:s14] =	ssyncadd.s32 $0xFFFFC000  }
0x8f: {  	_ =	swait.ge [sflag:s14], $0x4000  }
0x90: {  	s15 =	sadd.s32 $0x1, s15;
	[sflag:s14] =	ssyncset.done $0x0  }
0x91: {  	p0 =	sne.s32 s15, s9;
	[sflag:s14] =	ssyncadd.s32 $0xFFFFC000  }
.Ltmp1:
0x92: {  	[bflag:$0x0] =	sbarrier.arrive $0xFFFF;
	(pc) =	sbr.rel @p0 .LBB2_1-.Ltmp1, $4  }
0x93: {  	[hbm:s8], [sflag:s6] =	dma.local [spmem:s10], $0x2780  }
0x94: {  	_ =	swait.ge [sflag:s11], $0x2780  }
0x95: {  	[sflag:s11] =	ssyncset.done $0x0  }
0x96: {  	[sflag:s11] =	ssyncadd.s32 $0xFFFFD880  }
0x97: {  	_ =	sfence.sel $0x180000  }
0x98: {  	[bflag:$0x0] =	sbarrier.arrive $0xFFFF  }
0x99: {  	p0 =	sne.s32 s2, $0x0;
	_ =	strace $0x90000047  }
0x9a: {  	s0 =	sadd.s32 @!p0 $0x100000, s0;
	[bflag:$0x2] =	sbarrier.arrive $0xFFFF  }
0x9b: {  	[sflag:s0] =	ssyncadd.tile.s32 @!p0 $0x1;
	_ =	shalt  }
.Lfunc_end2:
_tile_overlayer_lowered:
.L_overlay_start_2:
0x9c: {  	(tag) =	ssettag $0x2  }
0x9d: {  	s0 =	rddreg [dreg:$0x0];
	s2 =	stileid.u32  }
0x9e: {  	s1 =	rddreg [dreg:$0x1];
	p0 =	sne.s32 s2, $0x0  }
0x9f: {  	s3 =	rddreg [dreg:$0x2];
	[bflag:$0x3] =	sbarrier.arrive $0xFFFF;
	s2 =	simm.s32 @!p0 $0x1C02  }
0xa0: {  	[timem:s3], [sflag:s2] =	dma.local @!p0 [hbm:s0], s1  }
0xa1: {  	s0 =	simm.s32 @!p0 $0x2  }
0xa2: {  	_ =	swait.ge @!p0 [sflag:s0], s1  }
0xa3: {  	s1 =	ssub.s32 @!p0 $0x0, s1;
	[sflag:s0] =	ssyncset.done @!p0 $0x0  }
0xa4: {  	[sflag:s0] =	ssyncadd.s32 @!p0 s1  }
0xa5: {  	[bflag:$0x3] =	sbarrier.arrive $0xFFFF  }
0xa6: {  	_ =	shalt  }

</sc_bundles>
